<compile_context>
chip_gen: v7x
topology: tpu7x:2x2x1
jax: 0.10.2.dev20260603
libtpu: 0.0.44.dev20260713+nightly
codegen_flags: <defaults>
</compile_context>

<pallas_src>
import jax
import jax.numpy as jnp
from jax import lax
from jax.experimental import pallas as pl
from jax.experimental.pallas import tpu as pltpu
from jax.experimental.pallas import tpu_sc as plsc

N_NODES = 10000
N_EDGES = 320000
D = 128
NC = 2
NS = 16
NW = NC * NS
EW = N_EDGES // NW
CH = 128
NCHUNK = 80
EP = NW * NCHUNK * CH
NP = 10240
ZR = NP // NS
RPT = N_NODES // NS
BM = 1024
GR = (N_NODES + BM - 1) // BM


def _deg_body(src_hbm, dst_hbm, out_hbm, esrc, edst, hsrc, hdst):
    c = lax.axis_index("c")
    s = lax.axis_index("s")
    w = c * NS + s
    base = pl.multiple_of(w * EW, 8)

    zero = jnp.zeros((16,), jnp.float32)

    def zloop(i, carry):
        for u in range(4):
            hsrc[pl.ds(i * 64 + u * 16, 16)] = zero
            hdst[pl.ds(i * 64 + u * 16, 16)] = zero
        return carry

    lax.fori_loop(0, NP // 64, zloop, 0)

    pltpu.sync_copy(src_hbm.at[pl.ds(base, EW)], esrc)
    pltpu.sync_copy(dst_hbm.at[pl.ds(base, EW)], edst)

    ones = jnp.ones((16,), jnp.float32)

    def body(i, carry):
        for u in range(4):
            plsc.addupdate_scatter(hsrc, [esrc[pl.ds(i * 64 + u * 16, 16)]],
                                   ones)
            plsc.addupdate_scatter(hdst, [edst[pl.ds(i * 64 + u * 16, 16)]],
                                   ones)
        return carry

    lax.fori_loop(0, EW // 64, body, 0)
    for t in range((EW - (EW // 64) * 64) // 16):
        plsc.addupdate_scatter(hsrc, [esrc[pl.ds(9984 + t * 16, 16)]], ones)
        plsc.addupdate_scatter(hdst, [edst[pl.ds(9984 + t * 16, 16)]], ones)

    pltpu.sync_copy(hsrc, out_hbm.at[0, w])
    pltpu.sync_copy(hdst, out_hbm.at[1, w])


def _agg_body(feat_hbm, src_hbm, dst_hbm, out_hbm, sidx, didx, rows0, rows1,
              zb, acc, sem0, sem1):
    c = lax.axis_index("c")
    s = lax.axis_index("s")
    wrow = pl.multiple_of((c * NS + s) * NCHUNK, 8)
    HC = NCHUNK // 2

    def gather(i, buf, sem):
        pltpu.async_copy(feat_hbm.at[sidx.at[i, pl.ds(0, 64)]],
                         buf.at[pl.ds(0, 64)], sem)
        pltpu.async_copy(feat_hbm.at[sidx.at[i, pl.ds(64, 64)]],
                         buf.at[pl.ds(64, 64)], sem)

    def gwait(buf, sem):
        pltpu.make_async_copy(feat_hbm.at[sidx.at[0]], buf, sem).wait()

    def scatter(i, buf):
        pltpu.sync_copy(buf, acc.at[didx.at[i]], add=True)

    def stage(half):
        hrow = wrow + half * HC
        pltpu.sync_copy(src_hbm.at[pl.ds(hrow, HC)], sidx)
        pltpu.sync_copy(dst_hbm.at[pl.ds(hrow, HC)], didx)

    stage(0)
    gather(0, rows0, sem0)
    gather(1, rows1, sem1)

    zero = jnp.zeros((16,), jnp.float32)
    for r in range(16):
        for j in range(D // 16):
            zb[r, pl.ds(j * 16, 16)] = zero

    zbase = s * ZR
    for k in range(ZR // 16):
        pltpu.sync_copy(zb, acc.at[pl.ds(zbase + k * 16, 16)])
    plsc.subcore_barrier()

    def pair(j, carry):
        i0 = j * 2
        gwait(rows0, sem0)
        scatter(i0, rows0)
        gather(i0 + 2, rows0, sem0)
        gwait(rows1, sem1)
        scatter(i0 + 1, rows1)
        gather(i0 + 3, rows1, sem1)
        return carry

    def run_half():
        lax.fori_loop(0, HC // 2 - 1, pair, 0)
        gwait(rows0, sem0)
        scatter(HC - 2, rows0)
        gwait(rows1, sem1)
        scatter(HC - 1, rows1)

    run_half()
    stage(1)
    gather(0, rows0, sem0)
    gather(1, rows1, sem1)
    run_half()

    plsc.subcore_barrier()

    cbase = pl.multiple_of(s * 624, 8)
    bufs = (rows0, rows1)
    sems = (sem0, sem1)
    sizes = (CH, CH, CH, CH, 112)
    offs = (0, CH, 2 * CH, 3 * CH, 4 * CH)
    for k in range(2):
        pltpu.async_copy(acc.at[pl.ds(cbase + offs[k], sizes[k])],
                         bufs[k % 2].at[pl.ds(0, sizes[k])], sems[k % 2])
    for k in range(5):
        pltpu.make_async_copy(acc.at[pl.ds(cbase, sizes[k])],
                              bufs[k % 2].at[pl.ds(0, sizes[k])],
                              sems[k % 2]).wait()
        pltpu.sync_copy(bufs[k % 2].at[pl.ds(0, sizes[k])],
                        out_hbm.at[c, pl.ds(cbase + offs[k], sizes[k])])
        if k + 2 < 5:
            pltpu.async_copy(acc.at[pl.ds(cbase + offs[k + 2], sizes[k + 2])],
                             bufs[k % 2].at[pl.ds(0, sizes[k + 2])],
                             sems[k % 2])

    @pl.when(s == NS - 1)
    def _copy_tail():
        pltpu.sync_copy(acc.at[pl.ds(9984, 16)], out_hbm.at[c, pl.ds(9984, 16)])


def _featscale_body(h_ref, p_ref, o_ref):
    deg = jnp.sum(p_ref[0], axis=0)
    scale = lax.rsqrt(jnp.maximum(deg, 1.0))
    o_ref[...] = h_ref[...] * scale[:, None]


def _out_body(a_ref, p_ref, w_ref, b_ref, o_ref):
    agg = a_ref[0] + a_ref[1]
    deg = jnp.sum(p_ref[0], axis=0)
    scale = lax.rsqrt(jnp.maximum(deg, 1.0))
    x = jnp.dot(agg * scale[:, None], w_ref[...],
                preferred_element_type=jnp.float32) + b_ref[...]
    o_ref[...] = jnp.where(x >= 0, x, 0.01 * x)


def kernel(h, edge_index, W, b):
    src = edge_index[0]
    dst = edge_index[1]
    mesh = plsc.VectorSubcoreMesh(
        core_axis_name="c", subcore_axis_name="s",
        num_cores=NC, num_subcores=NS)

    deg_part = pl.kernel(
        _deg_body,
        out_type=jax.ShapeDtypeStruct((2, NW, NP), jnp.float32),
        mesh=mesh,
        scratch_types=[
            pltpu.VMEM((EW,), jnp.int32),
            pltpu.VMEM((EW,), jnp.int32),
            pltpu.VMEM((NP,), jnp.float32),
            pltpu.VMEM((NP,), jnp.float32),
        ],
        compiler_params=pltpu.CompilerParams(needs_layout_passes=False),
    )(src, dst)

    feat = pl.pallas_call(
        _featscale_body,
        grid=(GR,),
        in_specs=[
            pl.BlockSpec((BM, D), lambda i: (i, 0)),
            pl.BlockSpec((1, NW, BM), lambda i: (0, 0, i)),
        ],
        out_specs=pl.BlockSpec((BM, D), lambda i: (i, 0)),
        out_shape=jax.ShapeDtypeStruct((N_NODES, D), jnp.float32),
    )(h, deg_part)

    npad = EP - N_EDGES
    pad_src = jnp.arange(npad, dtype=jnp.int32) % N_NODES
    pad_dst = N_NODES + (jnp.arange(npad, dtype=jnp.int32) % (NP - 16 - N_NODES))
    src2d = jnp.concatenate([src, pad_src]).reshape(EP // CH, CH)
    dst2d = jnp.concatenate([dst, pad_dst]).reshape(EP // CH, CH)

    agg_part = pl.kernel(
        _agg_body,
        out_type=jax.ShapeDtypeStruct((NC, N_NODES, D), jnp.float32),
        mesh=mesh,
        scratch_types=[
            pltpu.VMEM((NCHUNK // 2, CH), jnp.int32),
            pltpu.VMEM((NCHUNK // 2, CH), jnp.int32),
            pltpu.VMEM((CH, D), jnp.float32),
            pltpu.VMEM((CH, D), jnp.float32),
            pltpu.VMEM((16, D), jnp.float32),
            pltpu.VMEM_SHARED((NP, D), jnp.float32),
            pltpu.SemaphoreType.DMA,
            pltpu.SemaphoreType.DMA,
        ],
        compiler_params=pltpu.CompilerParams(needs_layout_passes=False),
    )(feat, src2d, dst2d)

    out = pl.pallas_call(
        _out_body,
        grid=(GR,),
        in_specs=[
            pl.BlockSpec((NC, BM, D), lambda i: (0, i, 0)),
            pl.BlockSpec((1, NW, BM), lambda i: (1, 0, i)),
            pl.BlockSpec((D, D), lambda i: (0, 0)),
            pl.BlockSpec((D,), lambda i: (0,)),
        ],
        out_specs=pl.BlockSpec((BM, D), lambda i: (i, 0)),
        out_shape=jax.ShapeDtypeStruct((N_NODES, D), jnp.float32),
    )(agg_part, deg_part, W, b)

    return out

# --- scband reference (transcript-rebuilt; emitter-appended) ---
"""Pipeline reference for scband-gcnlayer-14559939134099 (READ-ONLY COPY).

The authoritative reference and input builder live on the scoring server;
editing this copy changes nothing except your own understanding.
"""

import jax, jax.numpy as jnp
import numpy as np

N = 10000
E = 320000
D_IN = 128
D_OUT = 128


def setup_inputs(seed: int = 0) -> dict:
    key = jax.random.key(seed)
    k1, k2, k3 = jax.random.split(key, 3)
    h = jax.random.normal(k1, (N, D_IN), dtype=jnp.float32)
    edge_index = jax.random.randint(k2, (2, E), 0, N, dtype=jnp.int32)
    # GraphConv learned params (weight=True, bias=True by default in DGL)
    W = jax.random.normal(k3, (D_IN, D_OUT), dtype=jnp.float32) * (1.0 / np.sqrt(D_IN))
    b = jnp.zeros((D_OUT,), dtype=jnp.float32)
    return {"h": h, "edge_index": edge_index, "W": W, "b": b}


def reference(h, edge_index, W, b):
    # DGL GraphConv with norm='both', allow_zero_in_degree=True:
    #   out = D_in^{-1/2} * A * D_out^{-1/2} * h * W + b
    # degrees clamped to min 1 (matches DGL's degs.clamp(min=1)).
    src = edge_index[0]
    dst = edge_index[1]
    ones = jnp.ones((src.shape[0],), dtype=h.dtype)
    out_deg = jnp.clip(jax.ops.segment_sum(ones, src, num_segments=N), 1.0)
    in_deg = jnp.clip(jax.ops.segment_sum(ones, dst, num_segments=N), 1.0)
    # source-side normalization
    feat = h * (out_deg ** -0.5)[:, None]
    # gather messages along edges (SparseCore gather)
    msg = jnp.take(feat, src, axis=0)
    # scatter-add to destination nodes (SparseCore scatter-add)
    agg = jax.ops.segment_sum(msg, dst, num_segments=N)
    # destination-side normalization
    agg = agg * (in_deg ** -0.5)[:, None]
    # linear transform + bias
    out = agg @ W + b
    # nn.LeakyReLU default negative_slope=0.01
    out = jax.nn.leaky_relu(out, negative_slope=0.01)
    # is_last_layer=False -> no dropout
    return out

if __name__ == "__main__":
    import jax
    _d = setup_inputs()
    print(jax.jit(kernel)(*tuple(_d.values())))

</pallas_src>

<mosaic_0001>
#map = affine_map<(d0, d1) -> (0, 0)>
#map1 = affine_map<(d0, d1) -> (0, 0, 0)>
module attributes {stable_mosaic.version = 14 : i64} {
  func.func @_agg_body(%arg0: i32, %arg1: i32, %arg2: memref<10000x128xf32, #tpu.memory_space<hbm>>, %arg3: memref<2560x128xi32, #tpu.memory_space<hbm>>, %arg4: memref<2560x128xi32, #tpu.memory_space<hbm>>, %arg5: memref<2x10000x128xf32, #tpu.memory_space<hbm>>, %arg6: memref<40x128xi32, #tpu.memory_space<vmem>>, %arg7: memref<40x128xi32, #tpu.memory_space<vmem>>, %arg8: memref<128x128xf32, #tpu.memory_space<vmem>>, %arg9: memref<128x128xf32, #tpu.memory_space<vmem>>, %arg10: memref<16x128xf32, #tpu.memory_space<vmem>>, %arg11: memref<10240x128xf32, #tpu.memory_space<vmem_shared>>, %arg12: memref<!tpu.dma_semaphore, #tpu.memory_space<semaphore_mem>>, %arg13: memref<!tpu.dma_semaphore, #tpu.memory_space<semaphore_mem>>) attributes {dimension_semantics = [#tpu.dimension_semantics<core_parallel>, #tpu.dimension_semantics<subcore_parallel>], iteration_bounds = array<i64: 2, 16>, scalar_prefetch = 0 : i64, scratch_operands = 8 : i64, tpu.core_type = #tpu.core_type<sc_vector_subcore>, window_params = [{transform_indices = #map}, {transform_indices = #map}, {transform_indices = #map}, {transform_indices = #map1}]} {
    %mul3A = arith.constant 16 : i32
    %mul3A_0 = arith.muli %arg0, %mul3A : i32
    %add3A = arith.addi %mul3A_0, %arg1 : i32
    %mul3A_1 = arith.constant 80 : i32
    %mul3A_2 = arith.muli %add3A, %mul3A_1 : i32
    %multiple_of3A = tpu.assume_multiple %mul3A_2, 8 : i32
    %add3A_3 = arith.constant 0 : i32
    %add3A_4 = arith.addi %multiple_of3A, %add3A_3 : i32
    "tpu.region"() ({
      %run_scoped3A_847 = tpu.sem_alloc : memref<!tpu.dma_semaphore, #tpu.memory_space<semaphore_mem>>
      %dma_start3A_848 = arith.constant 0 : i32
      %dma_start3A_849 = tpu.memref_slice %arg3[%add3A_4, %dma_start3A_848] : memref<2560x128xi32, #tpu.memory_space<hbm>> -> memref<40x128xi32, #tpu.memory_space<hbm>>
      %dma_start3A_850 = arith.constant 0 : i32
      %dma_start3A_851 = tpu.memref_slice %arg3[%add3A_4, %dma_start3A_850] : memref<2560x128xi32, #tpu.memory_space<hbm>> -> memref<40x128xi32, #tpu.memory_space<hbm>>
      tpu.enqueue_dma source(%dma_start3A_851 : memref<40x128xi32, #tpu.memory_space<hbm>>) target(%arg6 : memref<40x128xi32, #tpu.memory_space<vmem>>) target_semaphore(%run_scoped3A_847 : memref<!tpu.dma_semaphore, #tpu.memory_space<semaphore_mem>>)
      %dma_wait3A_852 = arith.constant 0 : i32
      %dma_wait3A_853 = tpu.memref_slice %arg3[%add3A_4, %dma_wait3A_852] : memref<2560x128xi32, #tpu.memory_space<hbm>> -> memref<40x128xi32, #tpu.memory_space<hbm>>
      %dma_wait3A_854 = arith.constant 0 : i32
      %dma_wait3A_855 = tpu.memref_slice %arg3[%add3A_4, %dma_wait3A_854] : memref<2560x128xi32, #tpu.memory_space<hbm>> -> memref<40x128xi32, #tpu.memory_space<hbm>>
      tpu.wait_dma2 semaphore(%run_scoped3A_847 : memref<!tpu.dma_semaphore, #tpu.memory_space<semaphore_mem>>) src(%dma_wait3A_855 : memref<40x128xi32, #tpu.memory_space<hbm>>) dst(%arg6 : memref<40x128xi32, #tpu.memory_space<vmem>>)
      tpu.yield
    }) : () -> ()
    "tpu.region"() ({
      %run_scoped3A_847 = tpu.sem_alloc : memref<!tpu.dma_semaphore, #tpu.memory_space<semaphore_mem>>
      %dma_start3A_848 = arith.constant 0 : i32
      %dma_start3A_849 = tpu.memref_slice %arg4[%add3A_4, %dma_start3A_848] : memref<2560x128xi32, #tpu.memory_space<hbm>> -> memref<40x128xi32, #tpu.memory_space<hbm>>
      %dma_start3A_850 = arith.constant 0 : i32
      %dma_start3A_851 = tpu.memref_slice %arg4[%add3A_4, %dma_start3A_850] : memref<2560x128xi32, #tpu.memory_space<hbm>> -> memref<40x128xi32, #tpu.memory_space<hbm>>
      tpu.enqueue_dma source(%dma_start3A_851 : memref<40x128xi32, #tpu.memory_space<hbm>>) target(%arg7 : memref<40x128xi32, #tpu.memory_space<vmem>>) target_semaphore(%run_scoped3A_847 : memref<!tpu.dma_semaphore, #tpu.memory_space<semaphore_mem>>)
      %dma_wait3A_852 = arith.constant 0 : i32
      %dma_wait3A_853 = tpu.memref_slice %arg4[%add3A_4, %dma_wait3A_852] : memref<2560x128xi32, #tpu.memory_space<hbm>> -> memref<40x128xi32, #tpu.memory_space<hbm>>
      %dma_wait3A_854 = arith.constant 0 : i32
      %dma_wait3A_855 = tpu.memref_slice %arg4[%add3A_4, %dma_wait3A_854] : memref<2560x128xi32, #tpu.memory_space<hbm>> -> memref<40x128xi32, #tpu.memory_space<hbm>>
      tpu.wait_dma2 semaphore(%run_scoped3A_847 : memref<!tpu.dma_semaphore, #tpu.memory_space<semaphore_mem>>) src(%dma_wait3A_855 : memref<40x128xi32, #tpu.memory_space<hbm>>) dst(%arg7 : memref<40x128xi32, #tpu.memory_space<vmem>>)
      tpu.yield
    }) : () -> ()
    %dma_start3A = arith.constant 0 : i32
    %dma_start3A_5 = arith.constant 0 : i32
    %dma_start3A_6 = arith.constant 0 : i32
    %dma_start3A_7 = tpu.memref_slice %arg8[%dma_start3A_5, %dma_start3A_6] : memref<128x128xf32, #tpu.memory_space<vmem>> -> memref<64x128xf32, #tpu.memory_space<vmem>>
    %dma_start3A_8 = arith.constant 0 : i32
    %dma_start3A_9 = tpu.memref_slice %arg6[%dma_start3A, %dma_start3A_8] : memref<40x128xi32, #tpu.memory_space<vmem>> -> memref<1x64xi32, #tpu.memory_space<vmem>>
    %dma_start3A_10 = tpu.memref_squeeze %dma_start3A_9 : memref<1x64xi32, #tpu.memory_space<vmem>> -> memref<64xi32, #tpu.memory_space<vmem>>
    %dma_start3A_11 = arith.constant 0 : i32
    %dma_start3A_12 = arith.constant 0 : i32
    %dma_start3A_13 = tpu.memref_slice %arg2[%dma_start3A_11, %dma_start3A_12] : memref<10000x128xf32, #tpu.memory_space<hbm>> -> memref<10000x128xf32, #tpu.memory_space<hbm>>
    tpu.enqueue_indirect_dma source(%dma_start3A_13 : memref<10000x128xf32, #tpu.memory_space<hbm>>) target(%dma_start3A_7 : memref<64x128xf32, #tpu.memory_space<vmem>>) offsets(%dma_start3A_10 : memref<64xi32, #tpu.memory_space<vmem>>) semaphore(%arg12 : memref<!tpu.dma_semaphore, #tpu.memory_space<semaphore_mem>>)
    %dma_start3A_14 = arith.constant 0 : i32
    %dma_start3A_15 = arith.constant 64 : i32
    %dma_start3A_16 = arith.constant 0 : i32
    %dma_start3A_17 = tpu.memref_slice %arg8[%dma_start3A_15, %dma_start3A_16] : memref<128x128xf32, #tpu.memory_space<vmem>> -> memref<64x128xf32, #tpu.memory_space<vmem>>
    %dma_start3A_18 = arith.constant 64 : i32
    %dma_start3A_19 = tpu.memref_slice %arg6[%dma_start3A_14, %dma_start3A_18] : memref<40x128xi32, #tpu.memory_space<vmem>> -> memref<1x64xi32, #tpu.memory_space<vmem>>
    %dma_start3A_20 = tpu.memref_squeeze %dma_start3A_19 : memref<1x64xi32, #tpu.memory_space<vmem>> -> memref<64xi32, #tpu.memory_space<vmem>>
    %dma_start3A_21 = arith.constant 0 : i32
    %dma_start3A_22 = arith.constant 0 : i32
    %dma_start3A_23 = tpu.memref_slice %arg2[%dma_start3A_21, %dma_start3A_22] : memref<10000x128xf32, #tpu.memory_space<hbm>> -> memref<10000x128xf32, #tpu.memory_space<hbm>>
    tpu.enqueue_indirect_dma source(%dma_start3A_23 : memref<10000x128xf32, #tpu.memory_space<hbm>>) target(%dma_start3A_17 : memref<64x128xf32, #tpu.memory_space<vmem>>) offsets(%dma_start3A_20 : memref<64xi32, #tpu.memory_space<vmem>>) semaphore(%arg12 : memref<!tpu.dma_semaphore, #tpu.memory_space<semaphore_mem>>)
    %dma_start3A_24 = arith.constant 1 : i32
    %dma_start3A_25 = arith.constant 0 : i32
    %dma_start3A_26 = arith.constant 0 : i32
    %dma_start3A_27 = tpu.memref_slice %arg9[%dma_start3A_25, %dma_start3A_26] : memref<128x128xf32, #tpu.memory_space<vmem>> -> memref<64x128xf32, #tpu.memory_space<vmem>>
    %dma_start3A_28 = arith.constant 0 : i32
    %dma_start3A_29 = tpu.memref_slice %arg6[%dma_start3A_24, %dma_start3A_28] : memref<40x128xi32, #tpu.memory_space<vmem>> -> memref<1x64xi32, #tpu.memory_space<vmem>>
    %dma_start3A_30 = tpu.memref_squeeze %dma_start3A_29 : memref<1x64xi32, #tpu.memory_space<vmem>> -> memref<64xi32, #tpu.memory_space<vmem>>
    %dma_start3A_31 = arith.constant 0 : i32
    %dma_start3A_32 = arith.constant 0 : i32
    %dma_start3A_33 = tpu.memref_slice %arg2[%dma_start3A_31, %dma_start3A_32] : memref<10000x128xf32, #tpu.memory_space<hbm>> -> memref<10000x128xf32, #tpu.memory_space<hbm>>
    tpu.enqueue_indirect_dma source(%dma_start3A_33 : memref<10000x128xf32, #tpu.memory_space<hbm>>) target(%dma_start3A_27 : memref<64x128xf32, #tpu.memory_space<vmem>>) offsets(%dma_start3A_30 : memref<64xi32, #tpu.memory_space<vmem>>) semaphore(%arg13 : memref<!tpu.dma_semaphore, #tpu.memory_space<semaphore_mem>>)
    %dma_start3A_34 = arith.constant 1 : i32
    %dma_start3A_35 = arith.constant 64 : i32
    %dma_start3A_36 = arith.constant 0 : i32
    %dma_start3A_37 = tpu.memref_slice %arg9[%dma_start3A_35, %dma_start3A_36] : memref<128x128xf32, #tpu.memory_space<vmem>> -> memref<64x128xf32, #tpu.memory_space<vmem>>
    %dma_start3A_38 = arith.constant 64 : i32
    %dma_start3A_39 = tpu.memref_slice %arg6[%dma_start3A_34, %dma_start3A_38] : memref<40x128xi32, #tpu.memory_space<vmem>> -> memref<1x64xi32, #tpu.memory_space<vmem>>
    %dma_start3A_40 = tpu.memref_squeeze %dma_start3A_39 : memref<1x64xi32, #tpu.memory_space<vmem>> -> memref<64xi32, #tpu.memory_space<vmem>>
    %dma_start3A_41 = arith.constant 0 : i32
    %dma_start3A_42 = arith.constant 0 : i32
    %dma_start3A_43 = tpu.memref_slice %arg2[%dma_start3A_41, %dma_start3A_42] : memref<10000x128xf32, #tpu.memory_space<hbm>> -> memref<10000x128xf32, #tpu.memory_space<hbm>>
    tpu.enqueue_indirect_dma source(%dma_start3A_43 : memref<10000x128xf32, #tpu.memory_space<hbm>>) target(%dma_start3A_37 : memref<64x128xf32, #tpu.memory_space<vmem>>) offsets(%dma_start3A_40 : memref<64xi32, #tpu.memory_space<vmem>>) semaphore(%arg13 : memref<!tpu.dma_semaphore, #tpu.memory_space<semaphore_mem>>)
    %broadcast_in_dim3A = arith.constant 0.000000e+00 : f32
    %broadcast_in_dim3A_44 = vector.broadcast %broadcast_in_dim3A : f32 to vector<16xf32>
    %swap3A = arith.constant 0 : i32
    %swap3A_45 = arith.index_cast %swap3A : i32 to index
    %swap3A_46 = arith.constant 0 : index
    %swap3A_47 = tpu.vector_load %arg10[%swap3A_45, %swap3A_46] {strides = array<i32>} : memref<16x128xf32, #tpu.memory_space<vmem>>, vector<16xf32>,
    tpu.vector_store %arg10[%swap3A_45, %swap3A_46], %broadcast_in_dim3A_44 {strides = array<i32>} : memref<16x128xf32, #tpu.memory_space<vmem>>, vector<16xf32>,
    %swap3A_48 = arith.constant 0 : i32
    %swap3A_49 = arith.index_cast %swap3A_48 : i32 to index
    %swap3A_50 = arith.constant 16 : index
    %swap3A_51 = tpu.vector_load %arg10[%swap3A_49, %swap3A_50] {strides = array<i32>} : memref<16x128xf32, #tpu.memory_space<vmem>>, vector<16xf32>,
    tpu.vector_store %arg10[%swap3A_49, %swap3A_50], %broadcast_in_dim3A_44 {strides = array<i32>} : memref<16x128xf32, #tpu.memory_space<vmem>>, vector<16xf32>,
    %swap3A_52 = arith.constant 0 : i32
    %swap3A_53 = arith.index_cast %swap3A_52 : i32 to index
    %swap3A_54 = arith.constant 32 : index
    %swap3A_55 = tpu.vector_load %arg10[%swap3A_53, %swap3A_54] {strides = array<i32>} : memref<16x128xf32, #tpu.memory_space<vmem>>, vector<16xf32>,
    tpu.vector_store %arg10[%swap3A_53, %swap3A_54], %broadcast_in_dim3A_44 {strides = array<i32>} : memref<16x128xf32, #tpu.memory_space<vmem>>, vector<16xf32>,
    %swap3A_56 = arith.constant 0 : i32
    %swap3A_57 = arith.index_cast %swap3A_56 : i32 to index
    %swap3A_58 = arith.constant 48 : index
    %swap3A_59 = tpu.vector_load %arg10[%swap3A_57, %swap3A_58] {strides = array<i32>} : memref<16x128xf32, #tpu.memory_space<vmem>>, vector<16xf32>,
    tpu.vector_store %arg10[%swap3A_57, %swap3A_58], %broadcast_in_dim3A_44 {strides = array<i32>} : memref<16x128xf32, #tpu.memory_space<vmem>>, vector<16xf32>,
    %swap3A_60 = arith.constant 0 : i32
    %swap3A_61 = arith.index_cast %swap3A_60 : i32 to index
    %swap3A_62 = arith.constant 64 : index
    %swap3A_63 = tpu.vector_load %arg10[%swap3A_61, %swap3A_62] {strides = array<i32>} : memref<16x128xf32, #tpu.memory_space<vmem>>, vector<16xf32>,
    tpu.vector_store %arg10[%swap3A_61, %swap3A_62], %broadcast_in_dim3A_44 {strides = array<i32>} : memref<16x128xf32, #tpu.memory_space<vmem>>, vector<16xf32>,
    %swap3A_64 = arith.constant 0 : i32
    %swap3A_65 = arith.index_cast %swap3A_64 : i32 to index
    %swap3A_66 = arith.constant 80 : index
    %swap3A_67 = tpu.vector_load %arg10[%swap3A_65, %swap3A_66] {strides = array<i32>} : memref<16x128xf32, #tpu.memory_space<vmem>>, vector<16xf32>,
    tpu.vector_store %arg10[%swap3A_65, %swap3A_66], %broadcast_in_dim3A_44 {strides = array<i32>} : memref<16x128xf32, #tpu.memory_space<vmem>>, vector<16xf32>,
    %swap3A_68 = arith.constant 0 : i32
    %swap3A_69 = arith.index_cast %swap3A_68 : i32 to index
    %swap3A_70 = arith.constant 96 : index
    %swap3A_71 = tpu.vector_load %arg10[%swap3A_69, %swap3A_70] {strides = array<i32>} : memref<16x128xf32, #tpu.memory_space<vmem>>, vector<16xf32>,
    tpu.vector_store %arg10[%swap3A_69, %swap3A_70], %broadcast_in_dim3A_44 {strides = array<i32>} : memref<16x128xf32, #tpu.memory_space<vmem>>, vector<16xf32>,
    %swap3A_72 = arith.constant 0 : i32
    %swap3A_73 = arith.index_cast %swap3A_72 : i32 to index
    %swap3A_74 = arith.constant 112 : index
    %swap3A_75 = tpu.vector_load %arg10[%swap3A_73, %swap3A_74] {strides = array<i32>} : memref<16x128xf32, #tpu.memory_space<vmem>>, vector<16xf32>,
    tpu.vector_store %arg10[%swap3A_73, %swap3A_74], %broadcast_in_dim3A_44 {strides = array<i32>} : memref<16x128xf32, #tpu.memory_space<vmem>>, vector<16xf32>,
    %swap3A_76 = arith.constant 1 : i32
    %swap3A_77 = arith.index_cast %swap3A_76 : i32 to index
    %swap3A_78 = arith.constant 0 : index
    %swap3A_79 = tpu.vector_load %arg10[%swap3A_77, %swap3A_78] {strides = array<i32>} : memref<16x128xf32, #tpu.memory_space<vmem>>, vector<16xf32>,
    tpu.vector_store %arg10[%swap3A_77, %swap3A_78], %broadcast_in_dim3A_44 {strides = array<i32>} : memref<16x128xf32, #tpu.memory_space<vmem>>, vector<16xf32>,
    %swap3A_80 = arith.constant 1 : i32
    %swap3A_81 = arith.index_cast %swap3A_80 : i32 to index
    %swap3A_82 = arith.constant 16 : index
    %swap3A_83 = tpu.vector_load %arg10[%swap3A_81, %swap3A_82] {strides = array<i32>} : memref<16x128xf32, #tpu.memory_space<vmem>>, vector<16xf32>,
    tpu.vector_store %arg10[%swap3A_81, %swap3A_82], %broadcast_in_dim3A_44 {strides = array<i32>} : memref<16x128xf32, #tpu.memory_space<vmem>>, vector<16xf32>,
    %swap3A_84 = arith.constant 1 : i32
    %swap3A_85 = arith.index_cast %swap3A_84 : i32 to index
    %swap3A_86 = arith.constant 32 : index
    %swap3A_87 = tpu.vector_load %arg10[%swap3A_85, %swap3A_86] {strides = array<i32>} : memref<16x128xf32, #tpu.memory_space<vmem>>, vector<16xf32>,
    tpu.vector_store %arg10[%swap3A_85, %swap3A_86], %broadcast_in_dim3A_44 {strides = array<i32>} : memref<16x128xf32, #tpu.memory_space<vmem>>, vector<16xf32>,
    %swap3A_88 = arith.constant 1 : i32
    %swap3A_89 = arith.index_cast %swap3A_88 : i32 to index
    %swap3A_90 = arith.constant 48 : index
    %swap3A_91 = tpu.vector_load %arg10[%swap3A_89, %swap3A_90] {strides = array<i32>} : memref<16x128xf32, #tpu.memory_space<vmem>>, vector<16xf32>,
    tpu.vector_store %arg10[%swap3A_89, %swap3A_90], %broadcast_in_dim3A_44 {strides = array<i32>} : memref<16x128xf32, #tpu.memory_space<vmem>>, vector<16xf32>,
    %swap3A_92 = arith.constant 1 : i32
    %swap3A_93 = arith.index_cast %swap3A_92 : i32 to index
    %swap3A_94 = arith.constant 64 : index
    %swap3A_95 = tpu.vector_load %arg10[%swap3A_93, %swap3A_94] {strides = array<i32>} : memref<16x128xf32, #tpu.memory_space<vmem>>, vector<16xf32>,
    tpu.vector_store %arg10[%swap3A_93, %swap3A_94], %broadcast_in_dim3A_44 {strides = array<i32>} : memref<16x128xf32, #tpu.memory_space<vmem>>, vector<16xf32>,
    %swap3A_96 = arith.constant 1 : i32
    %swap3A_97 = arith.index_cast %swap3A_96 : i32 to index
    %swap3A_98 = arith.constant 80 : index
    %swap3A_99 = tpu.vector_load %arg10[%swap3A_97, %swap3A_98] {strides = array<i32>} : memref<16x128xf32, #tpu.memory_space<vmem>>, vector<16xf32>,
    tpu.vector_store %arg10[%swap3A_97, %swap3A_98], %broadcast_in_dim3A_44 {strides = array<i32>} : memref<16x128xf32, #tpu.memory_space<vmem>>, vector<16xf32>,
    %swap3A_100 = arith.constant 1 : i32
    %swap3A_101 = arith.index_cast %swap3A_100 : i32 to index
    %swap3A_102 = arith.constant 96 : index
    %swap3A_103 = tpu.vector_load %arg10[%swap3A_101, %swap3A_102] {strides = array<i32>} : memref<16x128xf32, #tpu.memory_space<vmem>>, vector<16xf32>,
    tpu.vector_store %arg10[%swap3A_101, %swap3A_102], %broadcast_in_dim3A_44 {strides = array<i32>} : memref<16x128xf32, #tpu.memory_space<vmem>>, vector<16xf32>,
    %swap3A_104 = arith.constant 1 : i32
    %swap3A_105 = arith.index_cast %swap3A_104 : i32 to index
    %swap3A_106 = arith.constant 112 : index
    %swap3A_107 = tpu.vector_load %arg10[%swap3A_105, %swap3A_106] {strides = array<i32>} : memref<16x128xf32, #tpu.memory_space<vmem>>, vector<16xf32>,
    tpu.vector_store %arg10[%swap3A_105, %swap3A_106], %broadcast_in_dim3A_44 {strides = array<i32>} : memref<16x128xf32, #tpu.memory_space<vmem>>, vector<16xf32>,
    %swap3A_108 = arith.constant 2 : i32
    %swap3A_109 = arith.index_cast %swap3A_108 : i32 to index
    %swap3A_110 = arith.constant 0 : index
    %swap3A_111 = tpu.vector_load %arg10[%swap3A_109, %swap3A_110] {strides = array<i32>} : memref<16x128xf32, #tpu.memory_space<vmem>>, vector<16xf32>,
    tpu.vector_store %arg10[%swap3A_109, %swap3A_110], %broadcast_in_dim3A_44 {strides = array<i32>} : memref<16x128xf32, #tpu.memory_space<vmem>>, vector<16xf32>,
    %swap3A_112 = arith.constant 2 : i32
    %swap3A_113 = arith.index_cast %swap3A_112 : i32 to index
    %swap3A_114 = arith.constant 16 : index
    %swap3A_115 = tpu.vector_load %arg10[%swap3A_113, %swap3A_114] {strides = array<i32>} : memref<16x128xf32, #tpu.memory_space<vmem>>, vector<16xf32>,
    tpu.vector_store %arg10[%swap3A_113, %swap3A_114], %broadcast_in_dim3A_44 {strides = array<i32>} : memref<16x128xf32, #tpu.memory_space<vmem>>, vector<16xf32>,
    %swap3A_116 = arith.constant 2 : i32
    %swap3A_117 = arith.index_cast %swap3A_116 : i32 to index
    %swap3A_118 = arith.constant 32 : index
    %swap3A_119 = tpu.vector_load %arg10[%swap3A_117, %swap3A_118] {strides = array<i32>} : memref<16x128xf32, #tpu.memory_space<vmem>>, vector<16xf32>,
    tpu.vector_store %arg10[%swap3A_117, %swap3A_118], %broadcast_in_dim3A_44 {strides = array<i32>} : memref<16x128xf32, #tpu.memory_space<vmem>>, vector<16xf32>,
    %swap3A_120 = arith.constant 2 : i32
    %swap3A_121 = arith.index_cast %swap3A_120 : i32 to index
    %swap3A_122 = arith.constant 48 : index
    %swap3A_123 = tpu.vector_load %arg10[%swap3A_121, %swap3A_122] {strides = array<i32>} : memref<16x128xf32, #tpu.memory_space<vmem>>, vector<16xf32>,
    tpu.vector_store %arg10[%swap3A_121, %swap3A_122], %broadcast_in_dim3A_44 {strides = array<i32>} : memref<16x128xf32, #tpu.memory_space<vmem>>, vector<16xf32>,
    %swap3A_124 = arith.constant 2 : i32
    %swap3A_125 = arith.index_cast %swap3A_124 : i32 to index
    %swap3A_126 = arith.constant 64 : index
    %swap3A_127 = tpu.vector_load %arg10[%swap3A_125, %swap3A_126] {strides = array<i32>} : memref<16x128xf32, #tpu.memory_space<vmem>>, vector<16xf32>,
    tpu.vector_store %arg10[%swap3A_125, %swap3A_126], %broadcast_in_dim3A_44 {strides = array<i32>} : memref<16x128xf32, #tpu.memory_space<vmem>>, vector<16xf32>,
    %swap3A_128 = arith.constant 2 : i32
    %swap3A_129 = arith.index_cast %swap3A_128 : i32 to index
    %swap3A_130 = arith.constant 80 : index
    %swap3A_131 = tpu.vector_load %arg10[%swap3A_129, %swap3A_130] {strides = array<i32>} : memref<16x128xf32, #tpu.memory_space<vmem>>, vector<16xf32>,
    tpu.vector_store %arg10[%swap3A_129, %swap3A_130], %broadcast_in_dim3A_44 {strides = array<i32>} : memref<16x128xf32, #tpu.memory_space<vmem>>, vector<16xf32>,
    %swap3A_132 = arith.constant 2 : i32
    %swap3A_133 = arith.index_cast %swap3A_132 : i32 to index
    %swap3A_134 = arith.constant 96 : index
    %swap3A_135 = tpu.vector_load %arg10[%swap3A_133, %swap3A_134] {strides = array<i32>} : memref<16x128xf32, #tpu.memory_space<vmem>>, vector<16xf32>,
    tpu.vector_store %arg10[%swap3A_133, %swap3A_134], %broadcast_in_dim3A_44 {strides = array<i32>} : memref<16x128xf32, #tpu.memory_space<vmem>>, vector<16xf32>,
    %swap3A_136 = arith.constant 2 : i32
    %swap3A_137 = arith.index_cast %swap3A_136 : i32 to index
    %swap3A_138 = arith.constant 112 : index
    %swap3A_139 = tpu.vector_load %arg10[%swap3A_137, %swap3A_138] {strides = array<i32>} : memref<16x128xf32, #tpu.memory_space<vmem>>, vector<16xf32>,
    tpu.vector_store %arg10[%swap3A_137, %swap3A_138], %broadcast_in_dim3A_44 {strides = array<i32>} : memref<16x128xf32, #tpu.memory_space<vmem>>, vector<16xf32>,
    %swap3A_140 = arith.constant 3 : i32
    %swap3A_141 = arith.index_cast %swap3A_140 : i32 to index
    %swap3A_142 = arith.constant 0 : index
    %swap3A_143 = tpu.vector_load %arg10[%swap3A_141, %swap3A_142] {strides = array<i32>} : memref<16x128xf32, #tpu.memory_space<vmem>>, vector<16xf32>,
    tpu.vector_store %arg10[%swap3A_141, %swap3A_142], %broadcast_in_dim3A_44 {strides = array<i32>} : memref<16x128xf32, #tpu.memory_space<vmem>>, vector<16xf32>,
    %swap3A_144 = arith.constant 3 : i32
    %swap3A_145 = arith.index_cast %swap3A_144 : i32 to index
    %swap3A_146 = arith.constant 16 : index
    %swap3A_147 = tpu.vector_load %arg10[%swap3A_145, %swap3A_146] {strides = array<i32>} : memref<16x128xf32, #tpu.memory_space<vmem>>, vector<16xf32>,
    tpu.vector_store %arg10[%swap3A_145, %swap3A_146], %broadcast_in_dim3A_44 {strides = array<i32>} : memref<16x128xf32, #tpu.memory_space<vmem>>, vector<16xf32>,
    %swap3A_148 = arith.constant 3 : i32
    %swap3A_149 = arith.index_cast %swap3A_148 : i32 to index
    %swap3A_150 = arith.constant 32 : index
    %swap3A_151 = tpu.vector_load %arg10[%swap3A_149, %swap3A_150] {strides = array<i32>} : memref<16x128xf32, #tpu.memory_space<vmem>>, vector<16xf32>,
    tpu.vector_store %arg10[%swap3A_149, %swap3A_150], %broadcast_in_dim3A_44 {strides = array<i32>} : memref<16x128xf32, #tpu.memory_space<vmem>>, vector<16xf32>,
    %swap3A_152 = arith.constant 3 : i32
    %swap3A_153 = arith.index_cast %swap3A_152 : i32 to index
    %swap3A_154 = arith.constant 48 : index
    %swap3A_155 = tpu.vector_load %arg10[%swap3A_153, %swap3A_154] {strides = array<i32>} : memref<16x128xf32, #tpu.memory_space<vmem>>, vector<16xf32>,
    tpu.vector_store %arg10[%swap3A_153, %swap3A_154], %broadcast_in_dim3A_44 {strides = array<i32>} : memref<16x128xf32, #tpu.memory_space<vmem>>, vector<16xf32>,
    %swap3A_156 = arith.constant 3 : i32
    %swap3A_157 = arith.index_cast %swap3A_156 : i32 to index
    %swap3A_158 = arith.constant 64 : index
    %swap3A_159 = tpu.vector_load %arg10[%swap3A_157, %swap3A_158] {strides = array<i32>} : memref<16x128xf32, #tpu.memory_space<vmem>>, vector<16xf32>,
    tpu.vector_store %arg10[%swap3A_157, %swap3A_158], %broadcast_in_dim3A_44 {strides = array<i32>} : memref<16x128xf32, #tpu.memory_space<vmem>>, vector<16xf32>,
    %swap3A_160 = arith.constant 3 : i32
    %swap3A_161 = arith.index_cast %swap3A_160 : i32 to index
    %swap3A_162 = arith.constant 80 : index
    %swap3A_163 = tpu.vector_load %arg10[%swap3A_161, %swap3A_162] {strides = array<i32>} : memref<16x128xf32, #tpu.memory_space<vmem>>, vector<16xf32>,
    tpu.vector_store %arg10[%swap3A_161, %swap3A_162], %broadcast_in_dim3A_44 {strides = array<i32>} : memref<16x128xf32, #tpu.memory_space<vmem>>, vector<16xf32>,
    %swap3A_164 = arith.constant 3 : i32
    %swap3A_165 = arith.index_cast %swap3A_164 : i32 to index
    %swap3A_166 = arith.constant 96 : index
    %swap3A_167 = tpu.vector_load %arg10[%swap3A_165, %swap3A_166] {strides = array<i32>} : memref<16x128xf32, #tpu.memory_space<vmem>>, vector<16xf32>,
    tpu.vector_store %arg10[%swap3A_165, %swap3A_166], %broadcast_in_dim3A_44 {strides = array<i32>} : memref<16x128xf32, #tpu.memory_space<vmem>>, vector<16xf32>,
    %swap3A_168 = arith.constant 3 : i32
    %swap3A_169 = arith.index_cast %swap3A_168 : i32 to index
    %swap3A_170 = arith.constant 112 : index
    %swap3A_171 = tpu.vector_load %arg10[%swap3A_169, %swap3A_170] {strides = array<i32>} : memref<16x128xf32, #tpu.memory_space<vmem>>, vector<16xf32>,
    tpu.vector_store %arg10[%swap3A_169, %swap3A_170], %broadcast_in_dim3A_44 {strides = array<i32>} : memref<16x128xf32, #tpu.memory_space<vmem>>, vector<16xf32>,
    %swap3A_172 = arith.constant 4 : i32
    %swap3A_173 = arith.index_cast %swap3A_172 : i32 to index
    %swap3A_174 = arith.constant 0 : index
    %swap3A_175 = tpu.vector_load %arg10[%swap3A_173, %swap3A_174] {strides = array<i32>} : memref<16x128xf32, #tpu.memory_space<vmem>>, vector<16xf32>,
    tpu.vector_store %arg10[%swap3A_173, %swap3A_174], %broadcast_in_dim3A_44 {strides = array<i32>} : memref<16x128xf32, #tpu.memory_space<vmem>>, vector<16xf32>,
    %swap3A_176 = arith.constant 4 : i32
    %swap3A_177 = arith.index_cast %swap3A_176 : i32 to index
    %swap3A_178 = arith.constant 16 : index
    %swap3A_179 = tpu.vector_load %arg10[%swap3A_177, %swap3A_178] {strides = array<i32>} : memref<16x128xf32, #tpu.memory_space<vmem>>, vector<16xf32>,
    tpu.vector_store %arg10[%swap3A_177, %swap3A_178], %broadcast_in_dim3A_44 {strides = array<i32>} : memref<16x128xf32, #tpu.memory_space<vmem>>, vector<16xf32>,
    %swap3A_180 = arith.constant 4 : i32
    %swap3A_181 = arith.index_cast %swap3A_180 : i32 to index
    %swap3A_182 = arith.constant 32 : index
    %swap3A_183 = tpu.vector_load %arg10[%swap3A_181, %swap3A_182] {strides = array<i32>} : memref<16x128xf32, #tpu.memory_space<vmem>>, vector<16xf32>,
    tpu.vector_store %arg10[%swap3A_181, %swap3A_182], %broadcast_in_dim3A_44 {strides = array<i32>} : memref<16x128xf32, #tpu.memory_space<vmem>>, vector<16xf32>,
    %swap3A_184 = arith.constant 4 : i32
    %swap3A_185 = arith.index_cast %swap3A_184 : i32 to index
    %swap3A_186 = arith.constant 48 : index
    %swap3A_187 = tpu.vector_load %arg10[%swap3A_185, %swap3A_186] {strides = array<i32>} : memref<16x128xf32, #tpu.memory_space<vmem>>, vector<16xf32>,
    tpu.vector_store %arg10[%swap3A_185, %swap3A_186], %broadcast_in_dim3A_44 {strides = array<i32>} : memref<16x128xf32, #tpu.memory_space<vmem>>, vector<16xf32>,
    %swap3A_188 = arith.constant 4 : i32
    %swap3A_189 = arith.index_cast %swap3A_188 : i32 to index
    %swap3A_190 = arith.constant 64 : index
    %swap3A_191 = tpu.vector_load %arg10[%swap3A_189, %swap3A_190] {strides = array<i32>} : memref<16x128xf32, #tpu.memory_space<vmem>>, vector<16xf32>,
    tpu.vector_store %arg10[%swap3A_189, %swap3A_190], %broadcast_in_dim3A_44 {strides = array<i32>} : memref<16x128xf32, #tpu.memory_space<vmem>>, vector<16xf32>,
    %swap3A_192 = arith.constant 4 : i32
    %swap3A_193 = arith.index_cast %swap3A_192 : i32 to index
    %swap3A_194 = arith.constant 80 : index
    %swap3A_195 = tpu.vector_load %arg10[%swap3A_193, %swap3A_194] {strides = array<i32>} : memref<16x128xf32, #tpu.memory_space<vmem>>, vector<16xf32>,
    tpu.vector_store %arg10[%swap3A_193, %swap3A_194], %broadcast_in_dim3A_44 {strides = array<i32>} : memref<16x128xf32, #tpu.memory_space<vmem>>, vector<16xf32>,
    %swap3A_196 = arith.constant 4 : i32
    %swap3A_197 = arith.index_cast %swap3A_196 : i32 to index
    %swap3A_198 = arith.constant 96 : index
    %swap3A_199 = tpu.vector_load %arg10[%swap3A_197, %swap3A_198] {strides = array<i32>} : memref<16x128xf32, #tpu.memory_space<vmem>>, vector<16xf32>,
    tpu.vector_store %arg10[%swap3A_197, %swap3A_198], %broadcast_in_dim3A_44 {strides = array<i32>} : memref<16x128xf32, #tpu.memory_space<vmem>>, vector<16xf32>,
    %swap3A_200 = arith.constant 4 : i32
    %swap3A_201 = arith.index_cast %swap3A_200 : i32 to index
    %swap3A_202 = arith.constant 112 : index
    %swap3A_203 = tpu.vector_load %arg10[%swap3A_201, %swap3A_202] {strides = array<i32>} : memref<16x128xf32, #tpu.memory_space<vmem>>, vector<16xf32>,
    tpu.vector_store %arg10[%swap3A_201, %swap3A_202], %broadcast_in_dim3A_44 {strides = array<i32>} : memref<16x128xf32, #tpu.memory_space<vmem>>, vector<16xf32>,
    %swap3A_204 = arith.constant 5 : i32
    %swap3A_205 = arith.index_cast %swap3A_204 : i32 to index
    %swap3A_206 = arith.constant 0 : index
    %swap3A_207 = tpu.vector_load %arg10[%swap3A_205, %swap3A_206] {strides = array<i32>} : memref<16x128xf32, #tpu.memory_space<vmem>>, vector<16xf32>,
    tpu.vector_store %arg10[%swap3A_205, %swap3A_206], %broadcast_in_dim3A_44 {strides = array<i32>} : memref<16x128xf32, #tpu.memory_space<vmem>>, vector<16xf32>,
    %swap3A_208 = arith.constant 5 : i32
    %swap3A_209 = arith.index_cast %swap3A_208 : i32 to index
    %swap3A_210 = arith.constant 16 : index
    %swap3A_211 = tpu.vector_load %arg10[%swap3A_209, %swap3A_210] {strides = array<i32>} : memref<16x128xf32, #tpu.memory_space<vmem>>, vector<16xf32>,
    tpu.vector_store %arg10[%swap3A_209, %swap3A_210], %broadcast_in_dim3A_44 {strides = array<i32>} : memref<16x128xf32, #tpu.memory_space<vmem>>, vector<16xf32>,
    %swap3A_212 = arith.constant 5 : i32
    %swap3A_213 = arith.index_cast %swap3A_212 : i32 to index
    %swap3A_214 = arith.constant 32 : index
    %swap3A_215 = tpu.vector_load %arg10[%swap3A_213, %swap3A_214] {strides = array<i32>} : memref<16x128xf32, #tpu.memory_space<vmem>>, vector<16xf32>,
    tpu.vector_store %arg10[%swap3A_213, %swap3A_214], %broadcast_in_dim3A_44 {strides = array<i32>} : memref<16x128xf32, #tpu.memory_space<vmem>>, vector<16xf32>,
    %swap3A_216 = arith.constant 5 : i32
    %swap3A_217 = arith.index_cast %swap3A_216 : i32 to index
    %swap3A_218 = arith.constant 48 : index
    %swap3A_219 = tpu.vector_load %arg10[%swap3A_217, %swap3A_218] {strides = array<i32>} : memref<16x128xf32, #tpu.memory_space<vmem>>, vector<16xf32>,
    tpu.vector_store %arg10[%swap3A_217, %swap3A_218], %broadcast_in_dim3A_44 {strides = array<i32>} : memref<16x128xf32, #tpu.memory_space<vmem>>, vector<16xf32>,
    %swap3A_220 = arith.constant 5 : i32
    %swap3A_221 = arith.index_cast %swap3A_220 : i32 to index
    %swap3A_222 = arith.constant 64 : index
    %swap3A_223 = tpu.vector_load %arg10[%swap3A_221, %swap3A_222] {strides = array<i32>} : memref<16x128xf32, #tpu.memory_space<vmem>>, vector<16xf32>,
    tpu.vector_store %arg10[%swap3A_221, %swap3A_222], %broadcast_in_dim3A_44 {strides = array<i32>} : memref<16x128xf32, #tpu.memory_space<vmem>>, vector<16xf32>,
    %swap3A_224 = arith.constant 5 : i32
    %swap3A_225 = arith.index_cast %swap3A_224 : i32 to index
    %swap3A_226 = arith.constant 80 : index
    %swap3A_227 = tpu.vector_load %arg10[%swap3A_225, %swap3A_226] {strides = array<i32>} : memref<16x128xf32, #tpu.memory_space<vmem>>, vector<16xf32>,
    tpu.vector_store %arg10[%swap3A_225, %swap3A_226], %broadcast_in_dim3A_44 {strides = array<i32>} : memref<16x128xf32, #tpu.memory_space<vmem>>, vector<16xf32>,
    %swap3A_228 = arith.constant 5 : i32
    %swap3A_229 = arith.index_cast %swap3A_228 : i32 to index
    %swap3A_230 = arith.constant 96 : index
    %swap3A_231 = tpu.vector_load %arg10[%swap3A_229, %swap3A_230] {strides = array<i32>} : memref<16x128xf32, #tpu.memory_space<vmem>>, vector<16xf32>,
    tpu.vector_store %arg10[%swap3A_229, %swap3A_230], %broadcast_in_dim3A_44 {strides = array<i32>} : memref<16x128xf32, #tpu.memory_space<vmem>>, vector<16xf32>,
    %swap3A_232 = arith.constant 5 : i32
    %swap3A_233 = arith.index_cast %swap3A_232 : i32 to index
    %swap3A_234 = arith.constant 112 : index
    %swap3A_235 = tpu.vector_load %arg10[%swap3A_233, %swap3A_234] {strides = array<i32>} : memref<16x128xf32, #tpu.memory_space<vmem>>, vector<16xf32>,
    tpu.vector_store %arg10[%swap3A_233, %swap3A_234], %broadcast_in_dim3A_44 {strides = array<i32>} : memref<16x128xf32, #tpu.memory_space<vmem>>, vector<16xf32>,
    %swap3A_236 = arith.constant 6 : i32
    %swap3A_237 = arith.index_cast %swap3A_236 : i32 to index
    %swap3A_238 = arith.constant 0 : index
    %swap3A_239 = tpu.vector_load %arg10[%swap3A_237, %swap3A_238] {strides = array<i32>} : memref<16x128xf32, #tpu.memory_space<vmem>>, vector<16xf32>,
    tpu.vector_store %arg10[%swap3A_237, %swap3A_238], %broadcast_in_dim3A_44 {strides = array<i32>} : memref<16x128xf32, #tpu.memory_space<vmem>>, vector<16xf32>,
    %swap3A_240 = arith.constant 6 : i32
    %swap3A_241 = arith.index_cast %swap3A_240 : i32 to index
    %swap3A_242 = arith.constant 16 : index
    %swap3A_243 = tpu.vector_load %arg10[%swap3A_241, %swap3A_242] {strides = array<i32>} : memref<16x128xf32, #tpu.memory_space<vmem>>, vector<16xf32>,
    tpu.vector_store %arg10[%swap3A_241, %swap3A_242], %broadcast_in_dim3A_44 {strides = array<i32>} : memref<16x128xf32, #tpu.memory_space<vmem>>, vector<16xf32>,
    %swap3A_244 = arith.constant 6 : i32
    %swap3A_245 = arith.index_cast %swap3A_244 : i32 to index
    %swap3A_246 = arith.constant 32 : index
    %swap3A_247 = tpu.vector_load %arg10[%swap3A_245, %swap3A_246] {strides = array<i32>} : memref<16x128xf32, #tpu.memory_space<vmem>>, vector<16xf32>,
    tpu.vector_store %arg10[%swap3A_245, %swap3A_246], %broadcast_in_dim3A_44 {strides = array<i32>} : memref<16x128xf32, #tpu.memory_space<vmem>>, vector<16xf32>,
    %swap3A_248 = arith.constant 6 : i32
    %swap3A_249 = arith.index_cast %swap3A_248 : i32 to index
    %swap3A_250 = arith.constant 48 : index
    %swap3A_251 = tpu.vector_load %arg10[%swap3A_249, %swap3A_250] {strides = array<i32>} : memref<16x128xf32, #tpu.memory_space<vmem>>, vector<16xf32>,
    tpu.vector_store %arg10[%swap3A_249, %swap3A_250], %broadcast_in_dim3A_44 {strides = array<i32>} : memref<16x128xf32, #tpu.memory_space<vmem>>, vector<16xf32>,
    %swap3A_252 = arith.constant 6 : i32
    %swap3A_253 = arith.index_cast %swap3A_252 : i32 to index
    %swap3A_254 = arith.constant 64 : index
    %swap3A_255 = tpu.vector_load %arg10[%swap3A_253, %swap3A_254] {strides = array<i32>} : memref<16x128xf32, #tpu.memory_space<vmem>>, vector<16xf32>,
    tpu.vector_store %arg10[%swap3A_253, %swap3A_254], %broadcast_in_dim3A_44 {strides = array<i32>} : memref<16x128xf32, #tpu.memory_space<vmem>>, vector<16xf32>,
    %swap3A_256 = arith.constant 6 : i32
    %swap3A_257 = arith.index_cast %swap3A_256 : i32 to index
    %swap3A_258 = arith.constant 80 : index
    %swap3A_259 = tpu.vector_load %arg10[%swap3A_257, %swap3A_258] {strides = array<i32>} : memref<16x128xf32, #tpu.memory_space<vmem>>, vector<16xf32>,
    tpu.vector_store %arg10[%swap3A_257, %swap3A_258], %broadcast_in_dim3A_44 {strides = array<i32>} : memref<16x128xf32, #tpu.memory_space<vmem>>, vector<16xf32>,
    %swap3A_260 = arith.constant 6 : i32
    %swap3A_261 = arith.index_cast %swap3A_260 : i32 to index
    %swap3A_262 = arith.constant 96 : index
    %swap3A_263 = tpu.vector_load %arg10[%swap3A_261, %swap3A_262] {strides = array<i32>} : memref<16x128xf32, #tpu.memory_space<vmem>>, vector<16xf32>,
    tpu.vector_store %arg10[%swap3A_261, %swap3A_262], %broadcast_in_dim3A_44 {strides = array<i32>} : memref<16x128xf32, #tpu.memory_space<vmem>>, vector<16xf32>,
    %swap3A_264 = arith.constant 6 : i32
    %swap3A_265 = arith.index_cast %swap3A_264 : i32 to index
    %swap3A_266 = arith.constant 112 : index
    %swap3A_267 = tpu.vector_load %arg10[%swap3A_265, %swap3A_266] {strides = array<i32>} : memref<16x128xf32, #tpu.memory_space<vmem>>, vector<16xf32>,
    tpu.vector_store %arg10[%swap3A_265, %swap3A_266], %broadcast_in_dim3A_44 {strides = array<i32>} : memref<16x128xf32, #tpu.memory_space<vmem>>, vector<16xf32>,
    %swap3A_268 = arith.constant 7 : i32
    %swap3A_269 = arith.index_cast %swap3A_268 : i32 to index
    %swap3A_270 = arith.constant 0 : index
    %swap3A_271 = tpu.vector_load %arg10[%swap3A_269, %swap3A_270] {strides = array<i32>} : memref<16x128xf32, #tpu.memory_space<vmem>>, vector<16xf32>,
    tpu.vector_store %arg10[%swap3A_269, %swap3A_270], %broadcast_in_dim3A_44 {strides = array<i32>} : memref<16x128xf32, #tpu.memory_space<vmem>>, vector<16xf32>,
    %swap3A_272 = arith.constant 7 : i32
    %swap3A_273 = arith.index_cast %swap3A_272 : i32 to index
    %swap3A_274 = arith.constant 16 : index
    %swap3A_275 = tpu.vector_load %arg10[%swap3A_273, %swap3A_274] {strides = array<i32>} : memref<16x128xf32, #tpu.memory_space<vmem>>, vector<16xf32>,
    tpu.vector_store %arg10[%swap3A_273, %swap3A_274], %broadcast_in_dim3A_44 {strides = array<i32>} : memref<16x128xf32, #tpu.memory_space<vmem>>, vector<16xf32>,
    %swap3A_276 = arith.constant 7 : i32
    %swap3A_277 = arith.index_cast %swap3A_276 : i32 to index
    %swap3A_278 = arith.constant 32 : index
    %swap3A_279 = tpu.vector_load %arg10[%swap3A_277, %swap3A_278] {strides = array<i32>} : memref<16x128xf32, #tpu.memory_space<vmem>>, vector<16xf32>,
    tpu.vector_store %arg10[%swap3A_277, %swap3A_278], %broadcast_in_dim3A_44 {strides = array<i32>} : memref<16x128xf32, #tpu.memory_space<vmem>>, vector<16xf32>,
    %swap3A_280 = arith.constant 7 : i32
    %swap3A_281 = arith.index_cast %swap3A_280 : i32 to index
    %swap3A_282 = arith.constant 48 : index
    %swap3A_283 = tpu.vector_load %arg10[%swap3A_281, %swap3A_282] {strides = array<i32>} : memref<16x128xf32, #tpu.memory_space<vmem>>, vector<16xf32>,
    tpu.vector_store %arg10[%swap3A_281, %swap3A_282], %broadcast_in_dim3A_44 {strides = array<i32>} : memref<16x128xf32, #tpu.memory_space<vmem>>, vector<16xf32>,
    %swap3A_284 = arith.constant 7 : i32
    %swap3A_285 = arith.index_cast %swap3A_284 : i32 to index
    %swap3A_286 = arith.constant 64 : index
    %swap3A_287 = tpu.vector_load %arg10[%swap3A_285, %swap3A_286] {strides = array<i32>} : memref<16x128xf32, #tpu.memory_space<vmem>>, vector<16xf32>,
    tpu.vector_store %arg10[%swap3A_285, %swap3A_286], %broadcast_in_dim3A_44 {strides = array<i32>} : memref<16x128xf32, #tpu.memory_space<vmem>>, vector<16xf32>,
    %swap3A_288 = arith.constant 7 : i32
    %swap3A_289 = arith.index_cast %swap3A_288 : i32 to index
    %swap3A_290 = arith.constant 80 : index
    %swap3A_291 = tpu.vector_load %arg10[%swap3A_289, %swap3A_290] {strides = array<i32>} : memref<16x128xf32, #tpu.memory_space<vmem>>, vector<16xf32>,
    tpu.vector_store %arg10[%swap3A_289, %swap3A_290], %broadcast_in_dim3A_44 {strides = array<i32>} : memref<16x128xf32, #tpu.memory_space<vmem>>, vector<16xf32>,
    %swap3A_292 = arith.constant 7 : i32
    %swap3A_293 = arith.index_cast %swap3A_292 : i32 to index
    %swap3A_294 = arith.constant 96 : index
    %swap3A_295 = tpu.vector_load %arg10[%swap3A_293, %swap3A_294] {strides = array<i32>} : memref<16x128xf32, #tpu.memory_space<vmem>>, vector<16xf32>,
    tpu.vector_store %arg10[%swap3A_293, %swap3A_294], %broadcast_in_dim3A_44 {strides = array<i32>} : memref<16x128xf32, #tpu.memory_space<vmem>>, vector<16xf32>,
    %swap3A_296 = arith.constant 7 : i32
    %swap3A_297 = arith.index_cast %swap3A_296 : i32 to index
    %swap3A_298 = arith.constant 112 : index
    %swap3A_299 = tpu.vector_load %arg10[%swap3A_297, %swap3A_298] {strides = array<i32>} : memref<16x128xf32, #tpu.memory_space<vmem>>, vector<16xf32>,
    tpu.vector_store %arg10[%swap3A_297, %swap3A_298], %broadcast_in_dim3A_44 {strides = array<i32>} : memref<16x128xf32, #tpu.memory_space<vmem>>, vector<16xf32>,
    %swap3A_300 = arith.constant 8 : i32
    %swap3A_301 = arith.index_cast %swap3A_300 : i32 to index
    %swap3A_302 = arith.constant 0 : index
    %swap3A_303 = tpu.vector_load %arg10[%swap3A_301, %swap3A_302] {strides = array<i32>} : memref<16x128xf32, #tpu.memory_space<vmem>>, vector<16xf32>,
    tpu.vector_store %arg10[%swap3A_301, %swap3A_302], %broadcast_in_dim3A_44 {strides = array<i32>} : memref<16x128xf32, #tpu.memory_space<vmem>>, vector<16xf32>,
    %swap3A_304 = arith.constant 8 : i32
    %swap3A_305 = arith.index_cast %swap3A_304 : i32 to index
    %swap3A_306 = arith.constant 16 : index
    %swap3A_307 = tpu.vector_load %arg10[%swap3A_305, %swap3A_306] {strides = array<i32>} : memref<16x128xf32, #tpu.memory_space<vmem>>, vector<16xf32>,
    tpu.vector_store %arg10[%swap3A_305, %swap3A_306], %broadcast_in_dim3A_44 {strides = array<i32>} : memref<16x128xf32, #tpu.memory_space<vmem>>, vector<16xf32>,
    %swap3A_308 = arith.constant 8 : i32
    %swap3A_309 = arith.index_cast %swap3A_308 : i32 to index
    %swap3A_310 = arith.constant 32 : index
    %swap3A_311 = tpu.vector_load %arg10[%swap3A_309, %swap3A_310] {strides = array<i32>} : memref<16x128xf32, #tpu.memory_space<vmem>>, vector<16xf32>,
    tpu.vector_store %arg10[%swap3A_309, %swap3A_310], %broadcast_in_dim3A_44 {strides = array<i32>} : memref<16x128xf32, #tpu.memory_space<vmem>>, vector<16xf32>,
    %swap3A_312 = arith.constant 8 : i32
    %swap3A_313 = arith.index_cast %swap3A_312 : i32 to index
    %swap3A_314 = arith.constant 48 : index
    %swap3A_315 = tpu.vector_load %arg10[%swap3A_313, %swap3A_314] {strides = array<i32>} : memref<16x128xf32, #tpu.memory_space<vmem>>, vector<16xf32>,
    tpu.vector_store %arg10[%swap3A_313, %swap3A_314], %broadcast_in_dim3A_44 {strides = array<i32>} : memref<16x128xf32, #tpu.memory_space<vmem>>, vector<16xf32>,
    %swap3A_316 = arith.constant 8 : i32
    %swap3A_317 = arith.index_cast %swap3A_316 : i32 to index
    %swap3A_318 = arith.constant 64 : index
    %swap3A_319 = tpu.vector_load %arg10[%swap3A_317, %swap3A_318] {strides = array<i32>} : memref<16x128xf32, #tpu.memory_space<vmem>>, vector<16xf32>,
    tpu.vector_store %arg10[%swap3A_317, %swap3A_318], %broadcast_in_dim3A_44 {strides = array<i32>} : memref<16x128xf32, #tpu.memory_space<vmem>>, vector<16xf32>,
    %swap3A_320 = arith.constant 8 : i32
    %swap3A_321 = arith.index_cast %swap3A_320 : i32 to index
    %swap3A_322 = arith.constant 80 : index
    %swap3A_323 = tpu.vector_load %arg10[%swap3A_321, %swap3A_322] {strides = array<i32>} : memref<16x128xf32, #tpu.memory_space<vmem>>, vector<16xf32>,
    tpu.vector_store %arg10[%swap3A_321, %swap3A_322], %broadcast_in_dim3A_44 {strides = array<i32>} : memref<16x128xf32, #tpu.memory_space<vmem>>, vector<16xf32>,
    %swap3A_324 = arith.constant 8 : i32
    %swap3A_325 = arith.index_cast %swap3A_324 : i32 to index
    %swap3A_326 = arith.constant 96 : index
    %swap3A_327 = tpu.vector_load %arg10[%swap3A_325, %swap3A_326] {strides = array<i32>} : memref<16x128xf32, #tpu.memory_space<vmem>>, vector<16xf32>,
    tpu.vector_store %arg10[%swap3A_325, %swap3A_326], %broadcast_in_dim3A_44 {strides = array<i32>} : memref<16x128xf32, #tpu.memory_space<vmem>>, vector<16xf32>,
    %swap3A_328 = arith.constant 8 : i32
    %swap3A_329 = arith.index_cast %swap3A_328 : i32 to index
    %swap3A_330 = arith.constant 112 : index
    %swap3A_331 = tpu.vector_load %arg10[%swap3A_329, %swap3A_330] {strides = array<i32>} : memref<16x128xf32, #tpu.memory_space<vmem>>, vector<16xf32>,
    tpu.vector_store %arg10[%swap3A_329, %swap3A_330], %broadcast_in_dim3A_44 {strides = array<i32>} : memref<16x128xf32, #tpu.memory_space<vmem>>, vector<16xf32>,
    %swap3A_332 = arith.constant 9 : i32
    %swap3A_333 = arith.index_cast %swap3A_332 : i32 to index
    %swap3A_334 = arith.constant 0 : index
    %swap3A_335 = tpu.vector_load %arg10[%swap3A_333, %swap3A_334] {strides = array<i32>} : memref<16x128xf32, #tpu.memory_space<vmem>>, vector<16xf32>,
    tpu.vector_store %arg10[%swap3A_333, %swap3A_334], %broadcast_in_dim3A_44 {strides = array<i32>} : memref<16x128xf32, #tpu.memory_space<vmem>>, vector<16xf32>,
    %swap3A_336 = arith.constant 9 : i32
    %swap3A_337 = arith.index_cast %swap3A_336 : i32 to index
    %swap3A_338 = arith.constant 16 : index
    %swap3A_339 = tpu.vector_load %arg10[%swap3A_337, %swap3A_338] {strides = array<i32>} : memref<16x128xf32, #tpu.memory_space<vmem>>, vector<16xf32>,
    tpu.vector_store %arg10[%swap3A_337, %swap3A_338], %broadcast_in_dim3A_44 {strides = array<i32>} : memref<16x128xf32, #tpu.memory_space<vmem>>, vector<16xf32>,
    %swap3A_340 = arith.constant 9 : i32
    %swap3A_341 = arith.index_cast %swap3A_340 : i32 to index
    %swap3A_342 = arith.constant 32 : index
    %swap3A_343 = tpu.vector_load %arg10[%swap3A_341, %swap3A_342] {strides = array<i32>} : memref<16x128xf32, #tpu.memory_space<vmem>>, vector<16xf32>,
    tpu.vector_store %arg10[%swap3A_341, %swap3A_342], %broadcast_in_dim3A_44 {strides = array<i32>} : memref<16x128xf32, #tpu.memory_space<vmem>>, vector<16xf32>,
    %swap3A_344 = arith.constant 9 : i32
    %swap3A_345 = arith.index_cast %swap3A_344 : i32 to index
    %swap3A_346 = arith.constant 48 : index
    %swap3A_347 = tpu.vector_load %arg10[%swap3A_345, %swap3A_346] {strides = array<i32>} : memref<16x128xf32, #tpu.memory_space<vmem>>, vector<16xf32>,
    tpu.vector_store %arg10[%swap3A_345, %swap3A_346], %broadcast_in_dim3A_44 {strides = array<i32>} : memref<16x128xf32, #tpu.memory_space<vmem>>, vector<16xf32>,
    %swap3A_348 = arith.constant 9 : i32
    %swap3A_349 = arith.index_cast %swap3A_348 : i32 to index
    %swap3A_350 = arith.constant 64 : index
    %swap3A_351 = tpu.vector_load %arg10[%swap3A_349, %swap3A_350] {strides = array<i32>} : memref<16x128xf32, #tpu.memory_space<vmem>>, vector<16xf32>,
    tpu.vector_store %arg10[%swap3A_349, %swap3A_350], %broadcast_in_dim3A_44 {strides = array<i32>} : memref<16x128xf32, #tpu.memory_space<vmem>>, vector<16xf32>,
    %swap3A_352 = arith.constant 9 : i32
    %swap3A_353 = arith.index_cast %swap3A_352 : i32 to index
    %swap3A_354 = arith.constant 80 : index
    %swap3A_355 = tpu.vector_load %arg10[%swap3A_353, %swap3A_354] {strides = array<i32>} : memref<16x128xf32, #tpu.memory_space<vmem>>, vector<16xf32>,
    tpu.vector_store %arg10[%swap3A_353, %swap3A_354], %broadcast_in_dim3A_44 {strides = array<i32>} : memref<16x128xf32, #tpu.memory_space<vmem>>, vector<16xf32>,
    %swap3A_356 = arith.constant 9 : i32
    %swap3A_357 = arith.index_cast %swap3A_356 : i32 to index
    %swap3A_358 = arith.constant 96 : index
    %swap3A_359 = tpu.vector_load %arg10[%swap3A_357, %swap3A_358] {strides = array<i32>} : memref<16x128xf32, #tpu.memory_space<vmem>>, vector<16xf32>,
    tpu.vector_store %arg10[%swap3A_357, %swap3A_358], %broadcast_in_dim3A_44 {strides = array<i32>} : memref<16x128xf32, #tpu.memory_space<vmem>>, vector<16xf32>,
    %swap3A_360 = arith.constant 9 : i32
    %swap3A_361 = arith.index_cast %swap3A_360 : i32 to index
    %swap3A_362 = arith.constant 112 : index
    %swap3A_363 = tpu.vector_load %arg10[%swap3A_361, %swap3A_362] {strides = array<i32>} : memref<16x128xf32, #tpu.memory_space<vmem>>, vector<16xf32>,
    tpu.vector_store %arg10[%swap3A_361, %swap3A_362], %broadcast_in_dim3A_44 {strides = array<i32>} : memref<16x128xf32, #tpu.memory_space<vmem>>, vector<16xf32>,
    %swap3A_364 = arith.constant 10 : i32
    %swap3A_365 = arith.index_cast %swap3A_364 : i32 to index
    %swap3A_366 = arith.constant 0 : index
    %swap3A_367 = tpu.vector_load %arg10[%swap3A_365, %swap3A_366] {strides = array<i32>} : memref<16x128xf32, #tpu.memory_space<vmem>>, vector<16xf32>,
    tpu.vector_store %arg10[%swap3A_365, %swap3A_366], %broadcast_in_dim3A_44 {strides = array<i32>} : memref<16x128xf32, #tpu.memory_space<vmem>>, vector<16xf32>,
    %swap3A_368 = arith.constant 10 : i32
    %swap3A_369 = arith.index_cast %swap3A_368 : i32 to index
    %swap3A_370 = arith.constant 16 : index
    %swap3A_371 = tpu.vector_load %arg10[%swap3A_369, %swap3A_370] {strides = array<i32>} : memref<16x128xf32, #tpu.memory_space<vmem>>, vector<16xf32>,
    tpu.vector_store %arg10[%swap3A_369, %swap3A_370], %broadcast_in_dim3A_44 {strides = array<i32>} : memref<16x128xf32, #tpu.memory_space<vmem>>, vector<16xf32>,
    %swap3A_372 = arith.constant 10 : i32
    %swap3A_373 = arith.index_cast %swap3A_372 : i32 to index
    %swap3A_374 = arith.constant 32 : index
    %swap3A_375 = tpu.vector_load %arg10[%swap3A_373, %swap3A_374] {strides = array<i32>} : memref<16x128xf32, #tpu.memory_space<vmem>>, vector<16xf32>,
    tpu.vector_store %arg10[%swap3A_373, %swap3A_374], %broadcast_in_dim3A_44 {strides = array<i32>} : memref<16x128xf32, #tpu.memory_space<vmem>>, vector<16xf32>,
    %swap3A_376 = arith.constant 10 : i32
    %swap3A_377 = arith.index_cast %swap3A_376 : i32 to index
    %swap3A_378 = arith.constant 48 : index
    %swap3A_379 = tpu.vector_load %arg10[%swap3A_377, %swap3A_378] {strides = array<i32>} : memref<16x128xf32, #tpu.memory_space<vmem>>, vector<16xf32>,
    tpu.vector_store %arg10[%swap3A_377, %swap3A_378], %broadcast_in_dim3A_44 {strides = array<i32>} : memref<16x128xf32, #tpu.memory_space<vmem>>, vector<16xf32>,
    %swap3A_380 = arith.constant 10 : i32
    %swap3A_381 = arith.index_cast %swap3A_380 : i32 to index
    %swap3A_382 = arith.constant 64 : index
    %swap3A_383 = tpu.vector_load %arg10[%swap3A_381, %swap3A_382] {strides = array<i32>} : memref<16x128xf32, #tpu.memory_space<vmem>>, vector<16xf32>,
    tpu.vector_store %arg10[%swap3A_381, %swap3A_382], %broadcast_in_dim3A_44 {strides = array<i32>} : memref<16x128xf32, #tpu.memory_space<vmem>>, vector<16xf32>,
    %swap3A_384 = arith.constant 10 : i32
    %swap3A_385 = arith.index_cast %swap3A_384 : i32 to index
    %swap3A_386 = arith.constant 80 : index
    %swap3A_387 = tpu.vector_load %arg10[%swap3A_385, %swap3A_386] {strides = array<i32>} : memref<16x128xf32, #tpu.memory_space<vmem>>, vector<16xf32>,
    tpu.vector_store %arg10[%swap3A_385, %swap3A_386], %broadcast_in_dim3A_44 {strides = array<i32>} : memref<16x128xf32, #tpu.memory_space<vmem>>, vector<16xf32>,
    %swap3A_388 = arith.constant 10 : i32
    %swap3A_389 = arith.index_cast %swap3A_388 : i32 to index
    %swap3A_390 = arith.constant 96 : index
    %swap3A_391 = tpu.vector_load %arg10[%swap3A_389, %swap3A_390] {strides = array<i32>} : memref<16x128xf32, #tpu.memory_space<vmem>>, vector<16xf32>,
    tpu.vector_store %arg10[%swap3A_389, %swap3A_390], %broadcast_in_dim3A_44 {strides = array<i32>} : memref<16x128xf32, #tpu.memory_space<vmem>>, vector<16xf32>,
    %swap3A_392 = arith.constant 10 : i32
    %swap3A_393 = arith.index_cast %swap3A_392 : i32 to index
    %swap3A_394 = arith.constant 112 : index
    %swap3A_395 = tpu.vector_load %arg10[%swap3A_393, %swap3A_394] {strides = array<i32>} : memref<16x128xf32, #tpu.memory_space<vmem>>, vector<16xf32>,
    tpu.vector_store %arg10[%swap3A_393, %swap3A_394], %broadcast_in_dim3A_44 {strides = array<i32>} : memref<16x128xf32, #tpu.memory_space<vmem>>, vector<16xf32>,
    %swap3A_396 = arith.constant 11 : i32
    %swap3A_397 = arith.index_cast %swap3A_396 : i32 to index
    %swap3A_398 = arith.constant 0 : index
    %swap3A_399 = tpu.vector_load %arg10[%swap3A_397, %swap3A_398] {strides = array<i32>} : memref<16x128xf32, #tpu.memory_space<vmem>>, vector<16xf32>,
    tpu.vector_store %arg10[%swap3A_397, %swap3A_398], %broadcast_in_dim3A_44 {strides = array<i32>} : memref<16x128xf32, #tpu.memory_space<vmem>>, vector<16xf32>,
    %swap3A_400 = arith.constant 11 : i32
    %swap3A_401 = arith.index_cast %swap3A_400 : i32 to index
    %swap3A_402 = arith.constant 16 : index
    %swap3A_403 = tpu.vector_load %arg10[%swap3A_401, %swap3A_402] {strides = array<i32>} : memref<16x128xf32, #tpu.memory_space<vmem>>, vector<16xf32>,
    tpu.vector_store %arg10[%swap3A_401, %swap3A_402], %broadcast_in_dim3A_44 {strides = array<i32>} : memref<16x128xf32, #tpu.memory_space<vmem>>, vector<16xf32>,
    %swap3A_404 = arith.constant 11 : i32
    %swap3A_405 = arith.index_cast %swap3A_404 : i32 to index
    %swap3A_406 = arith.constant 32 : index
    %swap3A_407 = tpu.vector_load %arg10[%swap3A_405, %swap3A_406] {strides = array<i32>} : memref<16x128xf32, #tpu.memory_space<vmem>>, vector<16xf32>,
    tpu.vector_store %arg10[%swap3A_405, %swap3A_406], %broadcast_in_dim3A_44 {strides = array<i32>} : memref<16x128xf32, #tpu.memory_space<vmem>>, vector<16xf32>,
    %swap3A_408 = arith.constant 11 : i32
    %swap3A_409 = arith.index_cast %swap3A_408 : i32 to index
    %swap3A_410 = arith.constant 48 : index
    %swap3A_411 = tpu.vector_load %arg10[%swap3A_409, %swap3A_410] {strides = array<i32>} : memref<16x128xf32, #tpu.memory_space<vmem>>, vector<16xf32>,
    tpu.vector_store %arg10[%swap3A_409, %swap3A_410], %broadcast_in_dim3A_44 {strides = array<i32>} : memref<16x128xf32, #tpu.memory_space<vmem>>, vector<16xf32>,
    %swap3A_412 = arith.constant 11 : i32
    %swap3A_413 = arith.index_cast %swap3A_412 : i32 to index
    %swap3A_414 = arith.constant 64 : index
    %swap3A_415 = tpu.vector_load %arg10[%swap3A_413, %swap3A_414] {strides = array<i32>} : memref<16x128xf32, #tpu.memory_space<vmem>>, vector<16xf32>,
    tpu.vector_store %arg10[%swap3A_413, %swap3A_414], %broadcast_in_dim3A_44 {strides = array<i32>} : memref<16x128xf32, #tpu.memory_space<vmem>>, vector<16xf32>,
    %swap3A_416 = arith.constant 11 : i32
    %swap3A_417 = arith.index_cast %swap3A_416 : i32 to index
    %swap3A_418 = arith.constant 80 : index
    %swap3A_419 = tpu.vector_load %arg10[%swap3A_417, %swap3A_418] {strides = array<i32>} : memref<16x128xf32, #tpu.memory_space<vmem>>, vector<16xf32>,
    tpu.vector_store %arg10[%swap3A_417, %swap3A_418], %broadcast_in_dim3A_44 {strides = array<i32>} : memref<16x128xf32, #tpu.memory_space<vmem>>, vector<16xf32>,
    %swap3A_420 = arith.constant 11 : i32
    %swap3A_421 = arith.index_cast %swap3A_420 : i32 to index
    %swap3A_422 = arith.constant 96 : index
    %swap3A_423 = tpu.vector_load %arg10[%swap3A_421, %swap3A_422] {strides = array<i32>} : memref<16x128xf32, #tpu.memory_space<vmem>>, vector<16xf32>,
    tpu.vector_store %arg10[%swap3A_421, %swap3A_422], %broadcast_in_dim3A_44 {strides = array<i32>} : memref<16x128xf32, #tpu.memory_space<vmem>>, vector<16xf32>,
    %swap3A_424 = arith.constant 11 : i32
    %swap3A_425 = arith.index_cast %swap3A_424 : i32 to index
    %swap3A_426 = arith.constant 112 : index
    %swap3A_427 = tpu.vector_load %arg10[%swap3A_425, %swap3A_426] {strides = array<i32>} : memref<16x128xf32, #tpu.memory_space<vmem>>, vector<16xf32>,
    tpu.vector_store %arg10[%swap3A_425, %swap3A_426], %broadcast_in_dim3A_44 {strides = array<i32>} : memref<16x128xf32, #tpu.memory_space<vmem>>, vector<16xf32>,
    %swap3A_428 = arith.constant 12 : i32
    %swap3A_429 = arith.index_cast %swap3A_428 : i32 to index
    %swap3A_430 = arith.constant 0 : index
    %swap3A_431 = tpu.vector_load %arg10[%swap3A_429, %swap3A_430] {strides = array<i32>} : memref<16x128xf32, #tpu.memory_space<vmem>>, vector<16xf32>,
    tpu.vector_store %arg10[%swap3A_429, %swap3A_430], %broadcast_in_dim3A_44 {strides = array<i32>} : memref<16x128xf32, #tpu.memory_space<vmem>>, vector<16xf32>,
    %swap3A_432 = arith.constant 12 : i32
    %swap3A_433 = arith.index_cast %swap3A_432 : i32 to index
    %swap3A_434 = arith.constant 16 : index
    %swap3A_435 = tpu.vector_load %arg10[%swap3A_433, %swap3A_434] {strides = array<i32>} : memref<16x128xf32, #tpu.memory_space<vmem>>, vector<16xf32>,
    tpu.vector_store %arg10[%swap3A_433, %swap3A_434], %broadcast_in_dim3A_44 {strides = array<i32>} : memref<16x128xf32, #tpu.memory_space<vmem>>, vector<16xf32>,
    %swap3A_436 = arith.constant 12 : i32
    %swap3A_437 = arith.index_cast %swap3A_436 : i32 to index
    %swap3A_438 = arith.constant 32 : index
    %swap3A_439 = tpu.vector_load %arg10[%swap3A_437, %swap3A_438] {strides = array<i32>} : memref<16x128xf32, #tpu.memory_space<vmem>>, vector<16xf32>,
    tpu.vector_store %arg10[%swap3A_437, %swap3A_438], %broadcast_in_dim3A_44 {strides = array<i32>} : memref<16x128xf32, #tpu.memory_space<vmem>>, vector<16xf32>,
    %swap3A_440 = arith.constant 12 : i32
    %swap3A_441 = arith.index_cast %swap3A_440 : i32 to index
    %swap3A_442 = arith.constant 48 : index
    %swap3A_443 = tpu.vector_load %arg10[%swap3A_441, %swap3A_442] {strides = array<i32>} : memref<16x128xf32, #tpu.memory_space<vmem>>, vector<16xf32>,
    tpu.vector_store %arg10[%swap3A_441, %swap3A_442], %broadcast_in_dim3A_44 {strides = array<i32>} : memref<16x128xf32, #tpu.memory_space<vmem>>, vector<16xf32>,
    %swap3A_444 = arith.constant 12 : i32
    %swap3A_445 = arith.index_cast %swap3A_444 : i32 to index
    %swap3A_446 = arith.constant 64 : index
    %swap3A_447 = tpu.vector_load %arg10[%swap3A_445, %swap3A_446] {strides = array<i32>} : memref<16x128xf32, #tpu.memory_space<vmem>>, vector<16xf32>,
    tpu.vector_store %arg10[%swap3A_445, %swap3A_446], %broadcast_in_dim3A_44 {strides = array<i32>} : memref<16x128xf32, #tpu.memory_space<vmem>>, vector<16xf32>,
    %swap3A_448 = arith.constant 12 : i32
    %swap3A_449 = arith.index_cast %swap3A_448 : i32 to index
    %swap3A_450 = arith.constant 80 : index
    %swap3A_451 = tpu.vector_load %arg10[%swap3A_449, %swap3A_450] {strides = array<i32>} : memref<16x128xf32, #tpu.memory_space<vmem>>, vector<16xf32>,
    tpu.vector_store %arg10[%swap3A_449, %swap3A_450], %broadcast_in_dim3A_44 {strides = array<i32>} : memref<16x128xf32, #tpu.memory_space<vmem>>, vector<16xf32>,
    %swap3A_452 = arith.constant 12 : i32
    %swap3A_453 = arith.index_cast %swap3A_452 : i32 to index
    %swap3A_454 = arith.constant 96 : index
    %swap3A_455 = tpu.vector_load %arg10[%swap3A_453, %swap3A_454] {strides = array<i32>} : memref<16x128xf32, #tpu.memory_space<vmem>>, vector<16xf32>,
    tpu.vector_store %arg10[%swap3A_453, %swap3A_454], %broadcast_in_dim3A_44 {strides = array<i32>} : memref<16x128xf32, #tpu.memory_space<vmem>>, vector<16xf32>,
    %swap3A_456 = arith.constant 12 : i32
    %swap3A_457 = arith.index_cast %swap3A_456 : i32 to index
    %swap3A_458 = arith.constant 112 : index
    %swap3A_459 = tpu.vector_load %arg10[%swap3A_457, %swap3A_458] {strides = array<i32>} : memref<16x128xf32, #tpu.memory_space<vmem>>, vector<16xf32>,
    tpu.vector_store %arg10[%swap3A_457, %swap3A_458], %broadcast_in_dim3A_44 {strides = array<i32>} : memref<16x128xf32, #tpu.memory_space<vmem>>, vector<16xf32>,
    %swap3A_460 = arith.constant 13 : i32
    %swap3A_461 = arith.index_cast %swap3A_460 : i32 to index
    %swap3A_462 = arith.constant 0 : index
    %swap3A_463 = tpu.vector_load %arg10[%swap3A_461, %swap3A_462] {strides = array<i32>} : memref<16x128xf32, #tpu.memory_space<vmem>>, vector<16xf32>,
    tpu.vector_store %arg10[%swap3A_461, %swap3A_462], %broadcast_in_dim3A_44 {strides = array<i32>} : memref<16x128xf32, #tpu.memory_space<vmem>>, vector<16xf32>,
    %swap3A_464 = arith.constant 13 : i32
    %swap3A_465 = arith.index_cast %swap3A_464 : i32 to index
    %swap3A_466 = arith.constant 16 : index
    %swap3A_467 = tpu.vector_load %arg10[%swap3A_465, %swap3A_466] {strides = array<i32>} : memref<16x128xf32, #tpu.memory_space<vmem>>, vector<16xf32>,
    tpu.vector_store %arg10[%swap3A_465, %swap3A_466], %broadcast_in_dim3A_44 {strides = array<i32>} : memref<16x128xf32, #tpu.memory_space<vmem>>, vector<16xf32>,
    %swap3A_468 = arith.constant 13 : i32
    %swap3A_469 = arith.index_cast %swap3A_468 : i32 to index
    %swap3A_470 = arith.constant 32 : index
    %swap3A_471 = tpu.vector_load %arg10[%swap3A_469, %swap3A_470] {strides = array<i32>} : memref<16x128xf32, #tpu.memory_space<vmem>>, vector<16xf32>,
    tpu.vector_store %arg10[%swap3A_469, %swap3A_470], %broadcast_in_dim3A_44 {strides = array<i32>} : memref<16x128xf32, #tpu.memory_space<vmem>>, vector<16xf32>,
    %swap3A_472 = arith.constant 13 : i32
    %swap3A_473 = arith.index_cast %swap3A_472 : i32 to index
    %swap3A_474 = arith.constant 48 : index
    %swap3A_475 = tpu.vector_load %arg10[%swap3A_473, %swap3A_474] {strides = array<i32>} : memref<16x128xf32, #tpu.memory_space<vmem>>, vector<16xf32>,
    tpu.vector_store %arg10[%swap3A_473, %swap3A_474], %broadcast_in_dim3A_44 {strides = array<i32>} : memref<16x128xf32, #tpu.memory_space<vmem>>, vector<16xf32>,
    %swap3A_476 = arith.constant 13 : i32
    %swap3A_477 = arith.index_cast %swap3A_476 : i32 to index
    %swap3A_478 = arith.constant 64 : index
    %swap3A_479 = tpu.vector_load %arg10[%swap3A_477, %swap3A_478] {strides = array<i32>} : memref<16x128xf32, #tpu.memory_space<vmem>>, vector<16xf32>,
    tpu.vector_store %arg10[%swap3A_477, %swap3A_478], %broadcast_in_dim3A_44 {strides = array<i32>} : memref<16x128xf32, #tpu.memory_space<vmem>>, vector<16xf32>,
    %swap3A_480 = arith.constant 13 : i32
    %swap3A_481 = arith.index_cast %swap3A_480 : i32 to index
    %swap3A_482 = arith.constant 80 : index
    %swap3A_483 = tpu.vector_load %arg10[%swap3A_481, %swap3A_482] {strides = array<i32>} : memref<16x128xf32, #tpu.memory_space<vmem>>, vector<16xf32>,
    tpu.vector_store %arg10[%swap3A_481, %swap3A_482], %broadcast_in_dim3A_44 {strides = array<i32>} : memref<16x128xf32, #tpu.memory_space<vmem>>, vector<16xf32>,
    %swap3A_484 = arith.constant 13 : i32
    %swap3A_485 = arith.index_cast %swap3A_484 : i32 to index
    %swap3A_486 = arith.constant 96 : index
    %swap3A_487 = tpu.vector_load %arg10[%swap3A_485, %swap3A_486] {strides = array<i32>} : memref<16x128xf32, #tpu.memory_space<vmem>>, vector<16xf32>,
    tpu.vector_store %arg10[%swap3A_485, %swap3A_486], %broadcast_in_dim3A_44 {strides = array<i32>} : memref<16x128xf32, #tpu.memory_space<vmem>>, vector<16xf32>,
    %swap3A_488 = arith.constant 13 : i32
    %swap3A_489 = arith.index_cast %swap3A_488 : i32 to index
    %swap3A_490 = arith.constant 112 : index
    %swap3A_491 = tpu.vector_load %arg10[%swap3A_489, %swap3A_490] {strides = array<i32>} : memref<16x128xf32, #tpu.memory_space<vmem>>, vector<16xf32>,
    tpu.vector_store %arg10[%swap3A_489, %swap3A_490], %broadcast_in_dim3A_44 {strides = array<i32>} : memref<16x128xf32, #tpu.memory_space<vmem>>, vector<16xf32>,
    %swap3A_492 = arith.constant 14 : i32
    %swap3A_493 = arith.index_cast %swap3A_492 : i32 to index
    %swap3A_494 = arith.constant 0 : index
    %swap3A_495 = tpu.vector_load %arg10[%swap3A_493, %swap3A_494] {strides = array<i32>} : memref<16x128xf32, #tpu.memory_space<vmem>>, vector<16xf32>,
    tpu.vector_store %arg10[%swap3A_493, %swap3A_494], %broadcast_in_dim3A_44 {strides = array<i32>} : memref<16x128xf32, #tpu.memory_space<vmem>>, vector<16xf32>,
    %swap3A_496 = arith.constant 14 : i32
    %swap3A_497 = arith.index_cast %swap3A_496 : i32 to index
    %swap3A_498 = arith.constant 16 : index
    %swap3A_499 = tpu.vector_load %arg10[%swap3A_497, %swap3A_498] {strides = array<i32>} : memref<16x128xf32, #tpu.memory_space<vmem>>, vector<16xf32>,
    tpu.vector_store %arg10[%swap3A_497, %swap3A_498], %broadcast_in_dim3A_44 {strides = array<i32>} : memref<16x128xf32, #tpu.memory_space<vmem>>, vector<16xf32>,
    %swap3A_500 = arith.constant 14 : i32
    %swap3A_501 = arith.index_cast %swap3A_500 : i32 to index
    %swap3A_502 = arith.constant 32 : index
    %swap3A_503 = tpu.vector_load %arg10[%swap3A_501, %swap3A_502] {strides = array<i32>} : memref<16x128xf32, #tpu.memory_space<vmem>>, vector<16xf32>,
    tpu.vector_store %arg10[%swap3A_501, %swap3A_502], %broadcast_in_dim3A_44 {strides = array<i32>} : memref<16x128xf32, #tpu.memory_space<vmem>>, vector<16xf32>,
    %swap3A_504 = arith.constant 14 : i32
    %swap3A_505 = arith.index_cast %swap3A_504 : i32 to index
    %swap3A_506 = arith.constant 48 : index
    %swap3A_507 = tpu.vector_load %arg10[%swap3A_505, %swap3A_506] {strides = array<i32>} : memref<16x128xf32, #tpu.memory_space<vmem>>, vector<16xf32>,
    tpu.vector_store %arg10[%swap3A_505, %swap3A_506], %broadcast_in_dim3A_44 {strides = array<i32>} : memref<16x128xf32, #tpu.memory_space<vmem>>, vector<16xf32>,
    %swap3A_508 = arith.constant 14 : i32
    %swap3A_509 = arith.index_cast %swap3A_508 : i32 to index
    %swap3A_510 = arith.constant 64 : index
    %swap3A_511 = tpu.vector_load %arg10[%swap3A_509, %swap3A_510] {strides = array<i32>} : memref<16x128xf32, #tpu.memory_space<vmem>>, vector<16xf32>,
    tpu.vector_store %arg10[%swap3A_509, %swap3A_510], %broadcast_in_dim3A_44 {strides = array<i32>} : memref<16x128xf32, #tpu.memory_space<vmem>>, vector<16xf32>,
    %swap3A_512 = arith.constant 14 : i32
    %swap3A_513 = arith.index_cast %swap3A_512 : i32 to index
    %swap3A_514 = arith.constant 80 : index
    %swap3A_515 = tpu.vector_load %arg10[%swap3A_513, %swap3A_514] {strides = array<i32>} : memref<16x128xf32, #tpu.memory_space<vmem>>, vector<16xf32>,
    tpu.vector_store %arg10[%swap3A_513, %swap3A_514], %broadcast_in_dim3A_44 {strides = array<i32>} : memref<16x128xf32, #tpu.memory_space<vmem>>, vector<16xf32>,
    %swap3A_516 = arith.constant 14 : i32
    %swap3A_517 = arith.index_cast %swap3A_516 : i32 to index
    %swap3A_518 = arith.constant 96 : index
    %swap3A_519 = tpu.vector_load %arg10[%swap3A_517, %swap3A_518] {strides = array<i32>} : memref<16x128xf32, #tpu.memory_space<vmem>>, vector<16xf32>,
    tpu.vector_store %arg10[%swap3A_517, %swap3A_518], %broadcast_in_dim3A_44 {strides = array<i32>} : memref<16x128xf32, #tpu.memory_space<vmem>>, vector<16xf32>,
    %swap3A_520 = arith.constant 14 : i32
    %swap3A_521 = arith.index_cast %swap3A_520 : i32 to index
    %swap3A_522 = arith.constant 112 : index
    %swap3A_523 = tpu.vector_load %arg10[%swap3A_521, %swap3A_522] {strides = array<i32>} : memref<16x128xf32, #tpu.memory_space<vmem>>, vector<16xf32>,
    tpu.vector_store %arg10[%swap3A_521, %swap3A_522], %broadcast_in_dim3A_44 {strides = array<i32>} : memref<16x128xf32, #tpu.memory_space<vmem>>, vector<16xf32>,
    %swap3A_524 = arith.constant 15 : i32
    %swap3A_525 = arith.index_cast %swap3A_524 : i32 to index
    %swap3A_526 = arith.constant 0 : index
    %swap3A_527 = tpu.vector_load %arg10[%swap3A_525, %swap3A_526] {strides = array<i32>} : memref<16x128xf32, #tpu.memory_space<vmem>>, vector<16xf32>,
    tpu.vector_store %arg10[%swap3A_525, %swap3A_526], %broadcast_in_dim3A_44 {strides = array<i32>} : memref<16x128xf32, #tpu.memory_space<vmem>>, vector<16xf32>,
    %swap3A_528 = arith.constant 15 : i32
    %swap3A_529 = arith.index_cast %swap3A_528 : i32 to index
    %swap3A_530 = arith.constant 16 : index
    %swap3A_531 = tpu.vector_load %arg10[%swap3A_529, %swap3A_530] {strides = array<i32>} : memref<16x128xf32, #tpu.memory_space<vmem>>, vector<16xf32>,
    tpu.vector_store %arg10[%swap3A_529, %swap3A_530], %broadcast_in_dim3A_44 {strides = array<i32>} : memref<16x128xf32, #tpu.memory_space<vmem>>, vector<16xf32>,
    %swap3A_532 = arith.constant 15 : i32
    %swap3A_533 = arith.index_cast %swap3A_532 : i32 to index
    %swap3A_534 = arith.constant 32 : index
    %swap3A_535 = tpu.vector_load %arg10[%swap3A_533, %swap3A_534] {strides = array<i32>} : memref<16x128xf32, #tpu.memory_space<vmem>>, vector<16xf32>,
    tpu.vector_store %arg10[%swap3A_533, %swap3A_534], %broadcast_in_dim3A_44 {strides = array<i32>} : memref<16x128xf32, #tpu.memory_space<vmem>>, vector<16xf32>,
    %swap3A_536 = arith.constant 15 : i32
    %swap3A_537 = arith.index_cast %swap3A_536 : i32 to index
    %swap3A_538 = arith.constant 48 : index
    %swap3A_539 = tpu.vector_load %arg10[%swap3A_537, %swap3A_538] {strides = array<i32>} : memref<16x128xf32, #tpu.memory_space<vmem>>, vector<16xf32>,
    tpu.vector_store %arg10[%swap3A_537, %swap3A_538], %broadcast_in_dim3A_44 {strides = array<i32>} : memref<16x128xf32, #tpu.memory_space<vmem>>, vector<16xf32>,
    %swap3A_540 = arith.constant 15 : i32
    %swap3A_541 = arith.index_cast %swap3A_540 : i32 to index
    %swap3A_542 = arith.constant 64 : index
    %swap3A_543 = tpu.vector_load %arg10[%swap3A_541, %swap3A_542] {strides = array<i32>} : memref<16x128xf32, #tpu.memory_space<vmem>>, vector<16xf32>,
    tpu.vector_store %arg10[%swap3A_541, %swap3A_542], %broadcast_in_dim3A_44 {strides = array<i32>} : memref<16x128xf32, #tpu.memory_space<vmem>>, vector<16xf32>,
    %swap3A_544 = arith.constant 15 : i32
    %swap3A_545 = arith.index_cast %swap3A_544 : i32 to index
    %swap3A_546 = arith.constant 80 : index
    %swap3A_547 = tpu.vector_load %arg10[%swap3A_545, %swap3A_546] {strides = array<i32>} : memref<16x128xf32, #tpu.memory_space<vmem>>, vector<16xf32>,
    tpu.vector_store %arg10[%swap3A_545, %swap3A_546], %broadcast_in_dim3A_44 {strides = array<i32>} : memref<16x128xf32, #tpu.memory_space<vmem>>, vector<16xf32>,
    %swap3A_548 = arith.constant 15 : i32
    %swap3A_549 = arith.index_cast %swap3A_548 : i32 to index
    %swap3A_550 = arith.constant 96 : index
    %swap3A_551 = tpu.vector_load %arg10[%swap3A_549, %swap3A_550] {strides = array<i32>} : memref<16x128xf32, #tpu.memory_space<vmem>>, vector<16xf32>,
    tpu.vector_store %arg10[%swap3A_549, %swap3A_550], %broadcast_in_dim3A_44 {strides = array<i32>} : memref<16x128xf32, #tpu.memory_space<vmem>>, vector<16xf32>,
    %swap3A_552 = arith.constant 15 : i32
    %swap3A_553 = arith.index_cast %swap3A_552 : i32 to index
    %swap3A_554 = arith.constant 112 : index
    %swap3A_555 = tpu.vector_load %arg10[%swap3A_553, %swap3A_554] {strides = array<i32>} : memref<16x128xf32, #tpu.memory_space<vmem>>, vector<16xf32>,
    tpu.vector_store %arg10[%swap3A_553, %swap3A_554], %broadcast_in_dim3A_44 {strides = array<i32>} : memref<16x128xf32, #tpu.memory_space<vmem>>, vector<16xf32>,
    %mul3A_556 = arith.constant 640 : i32
    %mul3A_557 = arith.muli %arg1, %mul3A_556 : i32
    %add3A_558 = arith.constant 0 : i32
    %add3A_559 = arith.addi %mul3A_557, %add3A_558 : i32
    "tpu.region"() ({
      %run_scoped3A_847 = tpu.sem_alloc : memref<!tpu.dma_semaphore, #tpu.memory_space<semaphore_mem>>
      %dma_start3A_848 = arith.constant 0 : i32
      %dma_start3A_849 = tpu.memref_slice %arg11[%add3A_559, %dma_start3A_848] : memref<10240x128xf32, #tpu.memory_space<vmem_shared>> -> memref<16x128xf32, #tpu.memory_space<vmem_shared>>
      %dma_start3A_850 = arith.constant 0 : i32
      %dma_start3A_851 = tpu.memref_slice %arg11[%add3A_559, %dma_start3A_850] : memref<10240x128xf32, #tpu.memory_space<vmem_shared>> -> memref<16x128xf32, #tpu.memory_space<vmem_shared>>
      tpu.enqueue_dma source(%arg10 : memref<16x128xf32, #tpu.memory_space<vmem>>) target(%dma_start3A_851 : memref<16x128xf32, #tpu.memory_space<vmem_shared>>) target_semaphore(%run_scoped3A_847 : memref<!tpu.dma_semaphore, #tpu.memory_space<semaphore_mem>>)
      %dma_wait3A_852 = arith.constant 0 : i32
      %dma_wait3A_853 = tpu.memref_slice %arg11[%add3A_559, %dma_wait3A_852] : memref<10240x128xf32, #tpu.memory_space<vmem_shared>> -> memref<16x128xf32, #tpu.memory_space<vmem_shared>>
      %dma_wait3A_854 = arith.constant 0 : i32
      %dma_wait3A_855 = tpu.memref_slice %arg11[%add3A_559, %dma_wait3A_854] : memref<10240x128xf32, #tpu.memory_space<vmem_shared>> -> memref<16x128xf32, #tpu.memory_space<vmem_shared>>
      tpu.wait_dma2 semaphore(%run_scoped3A_847 : memref<!tpu.dma_semaphore, #tpu.memory_space<semaphore_mem>>) src(%arg10 : memref<16x128xf32, #tpu.memory_space<vmem>>) dst(%dma_wait3A_855 : memref<16x128xf32, #tpu.memory_space<vmem_shared>>)
      tpu.yield
    }) : () -> ()
    %add3A_560 = arith.constant 16 : i32
    %add3A_561 = arith.addi %mul3A_557, %add3A_560 : i32
    "tpu.region"() ({
      %run_scoped3A_847 = tpu.sem_alloc : memref<!tpu.dma_semaphore, #tpu.memory_space<semaphore_mem>>
      %dma_start3A_848 = arith.constant 0 : i32
      %dma_start3A_849 = tpu.memref_slice %arg11[%add3A_561, %dma_start3A_848] : memref<10240x128xf32, #tpu.memory_space<vmem_shared>> -> memref<16x128xf32, #tpu.memory_space<vmem_shared>>
      %dma_start3A_850 = arith.constant 0 : i32
      %dma_start3A_851 = tpu.memref_slice %arg11[%add3A_561, %dma_start3A_850] : memref<10240x128xf32, #tpu.memory_space<vmem_shared>> -> memref<16x128xf32, #tpu.memory_space<vmem_shared>>
      tpu.enqueue_dma source(%arg10 : memref<16x128xf32, #tpu.memory_space<vmem>>) target(%dma_start3A_851 : memref<16x128xf32, #tpu.memory_space<vmem_shared>>) target_semaphore(%run_scoped3A_847 : memref<!tpu.dma_semaphore, #tpu.memory_space<semaphore_mem>>)
      %dma_wait3A_852 = arith.constant 0 : i32
      %dma_wait3A_853 = tpu.memref_slice %arg11[%add3A_561, %dma_wait3A_852] : memref<10240x128xf32, #tpu.memory_space<vmem_shared>> -> memref<16x128xf32, #tpu.memory_space<vmem_shared>>
      %dma_wait3A_854 = arith.constant 0 : i32
      %dma_wait3A_855 = tpu.memref_slice %arg11[%add3A_561, %dma_wait3A_854] : memref<10240x128xf32, #tpu.memory_space<vmem_shared>> -> memref<16x128xf32, #tpu.memory_space<vmem_shared>>
      tpu.wait_dma2 semaphore(%run_scoped3A_847 : memref<!tpu.dma_semaphore, #tpu.memory_space<semaphore_mem>>) src(%arg10 : memref<16x128xf32, #tpu.memory_space<vmem>>) dst(%dma_wait3A_855 : memref<16x128xf32, #tpu.memory_space<vmem_shared>>)
      tpu.yield
    }) : () -> ()
    %add3A_562 = arith.constant 32 : i32
    %add3A_563 = arith.addi %mul3A_557, %add3A_562 : i32
    "tpu.region"() ({
      %run_scoped3A_847 = tpu.sem_alloc : memref<!tpu.dma_semaphore, #tpu.memory_space<semaphore_mem>>
      %dma_start3A_848 = arith.constant 0 : i32
      %dma_start3A_849 = tpu.memref_slice %arg11[%add3A_563, %dma_start3A_848] : memref<10240x128xf32, #tpu.memory_space<vmem_shared>> -> memref<16x128xf32, #tpu.memory_space<vmem_shared>>
      %dma_start3A_850 = arith.constant 0 : i32
      %dma_start3A_851 = tpu.memref_slice %arg11[%add3A_563, %dma_start3A_850] : memref<10240x128xf32, #tpu.memory_space<vmem_shared>> -> memref<16x128xf32, #tpu.memory_space<vmem_shared>>
      tpu.enqueue_dma source(%arg10 : memref<16x128xf32, #tpu.memory_space<vmem>>) target(%dma_start3A_851 : memref<16x128xf32, #tpu.memory_space<vmem_shared>>) target_semaphore(%run_scoped3A_847 : memref<!tpu.dma_semaphore, #tpu.memory_space<semaphore_mem>>)
      %dma_wait3A_852 = arith.constant 0 : i32
      %dma_wait3A_853 = tpu.memref_slice %arg11[%add3A_563, %dma_wait3A_852] : memref<10240x128xf32, #tpu.memory_space<vmem_shared>> -> memref<16x128xf32, #tpu.memory_space<vmem_shared>>
      %dma_wait3A_854 = arith.constant 0 : i32
      %dma_wait3A_855 = tpu.memref_slice %arg11[%add3A_563, %dma_wait3A_854] : memref<10240x128xf32, #tpu.memory_space<vmem_shared>> -> memref<16x128xf32, #tpu.memory_space<vmem_shared>>
      tpu.wait_dma2 semaphore(%run_scoped3A_847 : memref<!tpu.dma_semaphore, #tpu.memory_space<semaphore_mem>>) src(%arg10 : memref<16x128xf32, #tpu.memory_space<vmem>>) dst(%dma_wait3A_855 : memref<16x128xf32, #tpu.memory_space<vmem_shared>>)
      tpu.yield
    }) : () -> ()
    %add3A_564 = arith.constant 48 : i32
    %add3A_565 = arith.addi %mul3A_557, %add3A_564 : i32
    "tpu.region"() ({
      %run_scoped3A_847 = tpu.sem_alloc : memref<!tpu.dma_semaphore, #tpu.memory_space<semaphore_mem>>
      %dma_start3A_848 = arith.constant 0 : i32
      %dma_start3A_849 = tpu.memref_slice %arg11[%add3A_565, %dma_start3A_848] : memref<10240x128xf32, #tpu.memory_space<vmem_shared>> -> memref<16x128xf32, #tpu.memory_space<vmem_shared>>
      %dma_start3A_850 = arith.constant 0 : i32
      %dma_start3A_851 = tpu.memref_slice %arg11[%add3A_565, %dma_start3A_850] : memref<10240x128xf32, #tpu.memory_space<vmem_shared>> -> memref<16x128xf32, #tpu.memory_space<vmem_shared>>
      tpu.enqueue_dma source(%arg10 : memref<16x128xf32, #tpu.memory_space<vmem>>) target(%dma_start3A_851 : memref<16x128xf32, #tpu.memory_space<vmem_shared>>) target_semaphore(%run_scoped3A_847 : memref<!tpu.dma_semaphore, #tpu.memory_space<semaphore_mem>>)
      %dma_wait3A_852 = arith.constant 0 : i32
      %dma_wait3A_853 = tpu.memref_slice %arg11[%add3A_565, %dma_wait3A_852] : memref<10240x128xf32, #tpu.memory_space<vmem_shared>> -> memref<16x128xf32, #tpu.memory_space<vmem_shared>>
      %dma_wait3A_854 = arith.constant 0 : i32
      %dma_wait3A_855 = tpu.memref_slice %arg11[%add3A_565, %dma_wait3A_854] : memref<10240x128xf32, #tpu.memory_space<vmem_shared>> -> memref<16x128xf32, #tpu.memory_space<vmem_shared>>
      tpu.wait_dma2 semaphore(%run_scoped3A_847 : memref<!tpu.dma_semaphore, #tpu.memory_space<semaphore_mem>>) src(%arg10 : memref<16x128xf32, #tpu.memory_space<vmem>>) dst(%dma_wait3A_855 : memref<16x128xf32, #tpu.memory_space<vmem_shared>>)
      tpu.yield
    }) : () -> ()
    %add3A_566 = arith.constant 64 : i32
    %add3A_567 = arith.addi %mul3A_557, %add3A_566 : i32
    "tpu.region"() ({
      %run_scoped3A_847 = tpu.sem_alloc : memref<!tpu.dma_semaphore, #tpu.memory_space<semaphore_mem>>
      %dma_start3A_848 = arith.constant 0 : i32
      %dma_start3A_849 = tpu.memref_slice %arg11[%add3A_567, %dma_start3A_848] : memref<10240x128xf32, #tpu.memory_space<vmem_shared>> -> memref<16x128xf32, #tpu.memory_space<vmem_shared>>
      %dma_start3A_850 = arith.constant 0 : i32
      %dma_start3A_851 = tpu.memref_slice %arg11[%add3A_567, %dma_start3A_850] : memref<10240x128xf32, #tpu.memory_space<vmem_shared>> -> memref<16x128xf32, #tpu.memory_space<vmem_shared>>
      tpu.enqueue_dma source(%arg10 : memref<16x128xf32, #tpu.memory_space<vmem>>) target(%dma_start3A_851 : memref<16x128xf32, #tpu.memory_space<vmem_shared>>) target_semaphore(%run_scoped3A_847 : memref<!tpu.dma_semaphore, #tpu.memory_space<semaphore_mem>>)
      %dma_wait3A_852 = arith.constant 0 : i32
      %dma_wait3A_853 = tpu.memref_slice %arg11[%add3A_567, %dma_wait3A_852] : memref<10240x128xf32, #tpu.memory_space<vmem_shared>> -> memref<16x128xf32, #tpu.memory_space<vmem_shared>>
      %dma_wait3A_854 = arith.constant 0 : i32
      %dma_wait3A_855 = tpu.memref_slice %arg11[%add3A_567, %dma_wait3A_854] : memref<10240x128xf32, #tpu.memory_space<vmem_shared>> -> memref<16x128xf32, #tpu.memory_space<vmem_shared>>
      tpu.wait_dma2 semaphore(%run_scoped3A_847 : memref<!tpu.dma_semaphore, #tpu.memory_space<semaphore_mem>>) src(%arg10 : memref<16x128xf32, #tpu.memory_space<vmem>>) dst(%dma_wait3A_855 : memref<16x128xf32, #tpu.memory_space<vmem_shared>>)
      tpu.yield
    }) : () -> ()
    %add3A_568 = arith.constant 80 : i32
    %add3A_569 = arith.addi %mul3A_557, %add3A_568 : i32
    "tpu.region"() ({
      %run_scoped3A_847 = tpu.sem_alloc : memref<!tpu.dma_semaphore, #tpu.memory_space<semaphore_mem>>
      %dma_start3A_848 = arith.constant 0 : i32
      %dma_start3A_849 = tpu.memref_slice %arg11[%add3A_569, %dma_start3A_848] : memref<10240x128xf32, #tpu.memory_space<vmem_shared>> -> memref<16x128xf32, #tpu.memory_space<vmem_shared>>
      %dma_start3A_850 = arith.constant 0 : i32
      %dma_start3A_851 = tpu.memref_slice %arg11[%add3A_569, %dma_start3A_850] : memref<10240x128xf32, #tpu.memory_space<vmem_shared>> -> memref<16x128xf32, #tpu.memory_space<vmem_shared>>
      tpu.enqueue_dma source(%arg10 : memref<16x128xf32, #tpu.memory_space<vmem>>) target(%dma_start3A_851 : memref<16x128xf32, #tpu.memory_space<vmem_shared>>) target_semaphore(%run_scoped3A_847 : memref<!tpu.dma_semaphore, #tpu.memory_space<semaphore_mem>>)
      %dma_wait3A_852 = arith.constant 0 : i32
      %dma_wait3A_853 = tpu.memref_slice %arg11[%add3A_569, %dma_wait3A_852] : memref<10240x128xf32, #tpu.memory_space<vmem_shared>> -> memref<16x128xf32, #tpu.memory_space<vmem_shared>>
      %dma_wait3A_854 = arith.constant 0 : i32
      %dma_wait3A_855 = tpu.memref_slice %arg11[%add3A_569, %dma_wait3A_854] : memref<10240x128xf32, #tpu.memory_space<vmem_shared>> -> memref<16x128xf32, #tpu.memory_space<vmem_shared>>
      tpu.wait_dma2 semaphore(%run_scoped3A_847 : memref<!tpu.dma_semaphore, #tpu.memory_space<semaphore_mem>>) src(%arg10 : memref<16x128xf32, #tpu.memory_space<vmem>>) dst(%dma_wait3A_855 : memref<16x128xf32, #tpu.memory_space<vmem_shared>>)
      tpu.yield
    }) : () -> ()
    %add3A_570 = arith.constant 96 : i32
    %add3A_571 = arith.addi %mul3A_557, %add3A_570 : i32
    "tpu.region"() ({
      %run_scoped3A_847 = tpu.sem_alloc : memref<!tpu.dma_semaphore, #tpu.memory_space<semaphore_mem>>
      %dma_start3A_848 = arith.constant 0 : i32
      %dma_start3A_849 = tpu.memref_slice %arg11[%add3A_571, %dma_start3A_848] : memref<10240x128xf32, #tpu.memory_space<vmem_shared>> -> memref<16x128xf32, #tpu.memory_space<vmem_shared>>
      %dma_start3A_850 = arith.constant 0 : i32
      %dma_start3A_851 = tpu.memref_slice %arg11[%add3A_571, %dma_start3A_850] : memref<10240x128xf32, #tpu.memory_space<vmem_shared>> -> memref<16x128xf32, #tpu.memory_space<vmem_shared>>
      tpu.enqueue_dma source(%arg10 : memref<16x128xf32, #tpu.memory_space<vmem>>) target(%dma_start3A_851 : memref<16x128xf32, #tpu.memory_space<vmem_shared>>) target_semaphore(%run_scoped3A_847 : memref<!tpu.dma_semaphore, #tpu.memory_space<semaphore_mem>>)
      %dma_wait3A_852 = arith.constant 0 : i32
      %dma_wait3A_853 = tpu.memref_slice %arg11[%add3A_571, %dma_wait3A_852] : memref<10240x128xf32, #tpu.memory_space<vmem_shared>> -> memref<16x128xf32, #tpu.memory_space<vmem_shared>>
      %dma_wait3A_854 = arith.constant 0 : i32
      %dma_wait3A_855 = tpu.memref_slice %arg11[%add3A_571, %dma_wait3A_854] : memref<10240x128xf32, #tpu.memory_space<vmem_shared>> -> memref<16x128xf32, #tpu.memory_space<vmem_shared>>
      tpu.wait_dma2 semaphore(%run_scoped3A_847 : memref<!tpu.dma_semaphore, #tpu.memory_space<semaphore_mem>>) src(%arg10 : memref<16x128xf32, #tpu.memory_space<vmem>>) dst(%dma_wait3A_855 : memref<16x128xf32, #tpu.memory_space<vmem_shared>>)
      tpu.yield
    }) : () -> ()
    %add3A_572 = arith.constant 112 : i32
    %add3A_573 = arith.addi %mul3A_557, %add3A_572 : i32
    "tpu.region"() ({
      %run_scoped3A_847 = tpu.sem_alloc : memref<!tpu.dma_semaphore, #tpu.memory_space<semaphore_mem>>
      %dma_start3A_848 = arith.constant 0 : i32
      %dma_start3A_849 = tpu.memref_slice %arg11[%add3A_573, %dma_start3A_848] : memref<10240x128xf32, #tpu.memory_space<vmem_shared>> -> memref<16x128xf32, #tpu.memory_space<vmem_shared>>
      %dma_start3A_850 = arith.constant 0 : i32
      %dma_start3A_851 = tpu.memref_slice %arg11[%add3A_573, %dma_start3A_850] : memref<10240x128xf32, #tpu.memory_space<vmem_shared>> -> memref<16x128xf32, #tpu.memory_space<vmem_shared>>
      tpu.enqueue_dma source(%arg10 : memref<16x128xf32, #tpu.memory_space<vmem>>) target(%dma_start3A_851 : memref<16x128xf32, #tpu.memory_space<vmem_shared>>) target_semaphore(%run_scoped3A_847 : memref<!tpu.dma_semaphore, #tpu.memory_space<semaphore_mem>>)
      %dma_wait3A_852 = arith.constant 0 : i32
      %dma_wait3A_853 = tpu.memref_slice %arg11[%add3A_573, %dma_wait3A_852] : memref<10240x128xf32, #tpu.memory_space<vmem_shared>> -> memref<16x128xf32, #tpu.memory_space<vmem_shared>>
      %dma_wait3A_854 = arith.constant 0 : i32
      %dma_wait3A_855 = tpu.memref_slice %arg11[%add3A_573, %dma_wait3A_854] : memref<10240x128xf32, #tpu.memory_space<vmem_shared>> -> memref<16x128xf32, #tpu.memory_space<vmem_shared>>
      tpu.wait_dma2 semaphore(%run_scoped3A_847 : memref<!tpu.dma_semaphore, #tpu.memory_space<semaphore_mem>>) src(%arg10 : memref<16x128xf32, #tpu.memory_space<vmem>>) dst(%dma_wait3A_855 : memref<16x128xf32, #tpu.memory_space<vmem_shared>>)
      tpu.yield
    }) : () -> ()
    %add3A_574 = arith.constant 128 : i32
    %add3A_575 = arith.addi %mul3A_557, %add3A_574 : i32
    "tpu.region"() ({
      %run_scoped3A_847 = tpu.sem_alloc : memref<!tpu.dma_semaphore, #tpu.memory_space<semaphore_mem>>
      %dma_start3A_848 = arith.constant 0 : i32
      %dma_start3A_849 = tpu.memref_slice %arg11[%add3A_575, %dma_start3A_848] : memref<10240x128xf32, #tpu.memory_space<vmem_shared>> -> memref<16x128xf32, #tpu.memory_space<vmem_shared>>
      %dma_start3A_850 = arith.constant 0 : i32
      %dma_start3A_851 = tpu.memref_slice %arg11[%add3A_575, %dma_start3A_850] : memref<10240x128xf32, #tpu.memory_space<vmem_shared>> -> memref<16x128xf32, #tpu.memory_space<vmem_shared>>
      tpu.enqueue_dma source(%arg10 : memref<16x128xf32, #tpu.memory_space<vmem>>) target(%dma_start3A_851 : memref<16x128xf32, #tpu.memory_space<vmem_shared>>) target_semaphore(%run_scoped3A_847 : memref<!tpu.dma_semaphore, #tpu.memory_space<semaphore_mem>>)
      %dma_wait3A_852 = arith.constant 0 : i32
      %dma_wait3A_853 = tpu.memref_slice %arg11[%add3A_575, %dma_wait3A_852] : memref<10240x128xf32, #tpu.memory_space<vmem_shared>> -> memref<16x128xf32, #tpu.memory_space<vmem_shared>>
      %dma_wait3A_854 = arith.constant 0 : i32
      %dma_wait3A_855 = tpu.memref_slice %arg11[%add3A_575, %dma_wait3A_854] : memref<10240x128xf32, #tpu.memory_space<vmem_shared>> -> memref<16x128xf32, #tpu.memory_space<vmem_shared>>
      tpu.wait_dma2 semaphore(%run_scoped3A_847 : memref<!tpu.dma_semaphore, #tpu.memory_space<semaphore_mem>>) src(%arg10 : memref<16x128xf32, #tpu.memory_space<vmem>>) dst(%dma_wait3A_855 : memref<16x128xf32, #tpu.memory_space<vmem_shared>>)
      tpu.yield
    }) : () -> ()
    %add3A_576 = arith.constant 144 : i32
    %add3A_577 = arith.addi %mul3A_557, %add3A_576 : i32
    "tpu.region"() ({
      %run_scoped3A_847 = tpu.sem_alloc : memref<!tpu.dma_semaphore, #tpu.memory_space<semaphore_mem>>
      %dma_start3A_848 = arith.constant 0 : i32
      %dma_start3A_849 = tpu.memref_slice %arg11[%add3A_577, %dma_start3A_848] : memref<10240x128xf32, #tpu.memory_space<vmem_shared>> -> memref<16x128xf32, #tpu.memory_space<vmem_shared>>
      %dma_start3A_850 = arith.constant 0 : i32
      %dma_start3A_851 = tpu.memref_slice %arg11[%add3A_577, %dma_start3A_850] : memref<10240x128xf32, #tpu.memory_space<vmem_shared>> -> memref<16x128xf32, #tpu.memory_space<vmem_shared>>
      tpu.enqueue_dma source(%arg10 : memref<16x128xf32, #tpu.memory_space<vmem>>) target(%dma_start3A_851 : memref<16x128xf32, #tpu.memory_space<vmem_shared>>) target_semaphore(%run_scoped3A_847 : memref<!tpu.dma_semaphore, #tpu.memory_space<semaphore_mem>>)
      %dma_wait3A_852 = arith.constant 0 : i32
      %dma_wait3A_853 = tpu.memref_slice %arg11[%add3A_577, %dma_wait3A_852] : memref<10240x128xf32, #tpu.memory_space<vmem_shared>> -> memref<16x128xf32, #tpu.memory_space<vmem_shared>>
      %dma_wait3A_854 = arith.constant 0 : i32
      %dma_wait3A_855 = tpu.memref_slice %arg11[%add3A_577, %dma_wait3A_854] : memref<10240x128xf32, #tpu.memory_space<vmem_shared>> -> memref<16x128xf32, #tpu.memory_space<vmem_shared>>
      tpu.wait_dma2 semaphore(%run_scoped3A_847 : memref<!tpu.dma_semaphore, #tpu.memory_space<semaphore_mem>>) src(%arg10 : memref<16x128xf32, #tpu.memory_space<vmem>>) dst(%dma_wait3A_855 : memref<16x128xf32, #tpu.memory_space<vmem_shared>>)
      tpu.yield
    }) : () -> ()
    %add3A_578 = arith.constant 160 : i32
    %add3A_579 = arith.addi %mul3A_557, %add3A_578 : i32
    "tpu.region"() ({
      %run_scoped3A_847 = tpu.sem_alloc : memref<!tpu.dma_semaphore, #tpu.memory_space<semaphore_mem>>
      %dma_start3A_848 = arith.constant 0 : i32
      %dma_start3A_849 = tpu.memref_slice %arg11[%add3A_579, %dma_start3A_848] : memref<10240x128xf32, #tpu.memory_space<vmem_shared>> -> memref<16x128xf32, #tpu.memory_space<vmem_shared>>
      %dma_start3A_850 = arith.constant 0 : i32
      %dma_start3A_851 = tpu.memref_slice %arg11[%add3A_579, %dma_start3A_850] : memref<10240x128xf32, #tpu.memory_space<vmem_shared>> -> memref<16x128xf32, #tpu.memory_space<vmem_shared>>
      tpu.enqueue_dma source(%arg10 : memref<16x128xf32, #tpu.memory_space<vmem>>) target(%dma_start3A_851 : memref<16x128xf32, #tpu.memory_space<vmem_shared>>) target_semaphore(%run_scoped3A_847 : memref<!tpu.dma_semaphore, #tpu.memory_space<semaphore_mem>>)
      %dma_wait3A_852 = arith.constant 0 : i32
      %dma_wait3A_853 = tpu.memref_slice %arg11[%add3A_579, %dma_wait3A_852] : memref<10240x128xf32, #tpu.memory_space<vmem_shared>> -> memref<16x128xf32, #tpu.memory_space<vmem_shared>>
      %dma_wait3A_854 = arith.constant 0 : i32
      %dma_wait3A_855 = tpu.memref_slice %arg11[%add3A_579, %dma_wait3A_854] : memref<10240x128xf32, #tpu.memory_space<vmem_shared>> -> memref<16x128xf32, #tpu.memory_space<vmem_shared>>
      tpu.wait_dma2 semaphore(%run_scoped3A_847 : memref<!tpu.dma_semaphore, #tpu.memory_space<semaphore_mem>>) src(%arg10 : memref<16x128xf32, #tpu.memory_space<vmem>>) dst(%dma_wait3A_855 : memref<16x128xf32, #tpu.memory_space<vmem_shared>>)
      tpu.yield
    }) : () -> ()
    %add3A_580 = arith.constant 176 : i32
    %add3A_581 = arith.addi %mul3A_557, %add3A_580 : i32
    "tpu.region"() ({
      %run_scoped3A_847 = tpu.sem_alloc : memref<!tpu.dma_semaphore, #tpu.memory_space<semaphore_mem>>
      %dma_start3A_848 = arith.constant 0 : i32
      %dma_start3A_849 = tpu.memref_slice %arg11[%add3A_581, %dma_start3A_848] : memref<10240x128xf32, #tpu.memory_space<vmem_shared>> -> memref<16x128xf32, #tpu.memory_space<vmem_shared>>
      %dma_start3A_850 = arith.constant 0 : i32
      %dma_start3A_851 = tpu.memref_slice %arg11[%add3A_581, %dma_start3A_850] : memref<10240x128xf32, #tpu.memory_space<vmem_shared>> -> memref<16x128xf32, #tpu.memory_space<vmem_shared>>
      tpu.enqueue_dma source(%arg10 : memref<16x128xf32, #tpu.memory_space<vmem>>) target(%dma_start3A_851 : memref<16x128xf32, #tpu.memory_space<vmem_shared>>) target_semaphore(%run_scoped3A_847 : memref<!tpu.dma_semaphore, #tpu.memory_space<semaphore_mem>>)
      %dma_wait3A_852 = arith.constant 0 : i32
      %dma_wait3A_853 = tpu.memref_slice %arg11[%add3A_581, %dma_wait3A_852] : memref<10240x128xf32, #tpu.memory_space<vmem_shared>> -> memref<16x128xf32, #tpu.memory_space<vmem_shared>>
      %dma_wait3A_854 = arith.constant 0 : i32
      %dma_wait3A_855 = tpu.memref_slice %arg11[%add3A_581, %dma_wait3A_854] : memref<10240x128xf32, #tpu.memory_space<vmem_shared>> -> memref<16x128xf32, #tpu.memory_space<vmem_shared>>
      tpu.wait_dma2 semaphore(%run_scoped3A_847 : memref<!tpu.dma_semaphore, #tpu.memory_space<semaphore_mem>>) src(%arg10 : memref<16x128xf32, #tpu.memory_space<vmem>>) dst(%dma_wait3A_855 : memref<16x128xf32, #tpu.memory_space<vmem_shared>>)
      tpu.yield
    }) : () -> ()
    %add3A_582 = arith.constant 192 : i32
    %add3A_583 = arith.addi %mul3A_557, %add3A_582 : i32
    "tpu.region"() ({
      %run_scoped3A_847 = tpu.sem_alloc : memref<!tpu.dma_semaphore, #tpu.memory_space<semaphore_mem>>
      %dma_start3A_848 = arith.constant 0 : i32
      %dma_start3A_849 = tpu.memref_slice %arg11[%add3A_583, %dma_start3A_848] : memref<10240x128xf32, #tpu.memory_space<vmem_shared>> -> memref<16x128xf32, #tpu.memory_space<vmem_shared>>
      %dma_start3A_850 = arith.constant 0 : i32
      %dma_start3A_851 = tpu.memref_slice %arg11[%add3A_583, %dma_start3A_850] : memref<10240x128xf32, #tpu.memory_space<vmem_shared>> -> memref<16x128xf32, #tpu.memory_space<vmem_shared>>
      tpu.enqueue_dma source(%arg10 : memref<16x128xf32, #tpu.memory_space<vmem>>) target(%dma_start3A_851 : memref<16x128xf32, #tpu.memory_space<vmem_shared>>) target_semaphore(%run_scoped3A_847 : memref<!tpu.dma_semaphore, #tpu.memory_space<semaphore_mem>>)
      %dma_wait3A_852 = arith.constant 0 : i32
      %dma_wait3A_853 = tpu.memref_slice %arg11[%add3A_583, %dma_wait3A_852] : memref<10240x128xf32, #tpu.memory_space<vmem_shared>> -> memref<16x128xf32, #tpu.memory_space<vmem_shared>>
      %dma_wait3A_854 = arith.constant 0 : i32
      %dma_wait3A_855 = tpu.memref_slice %arg11[%add3A_583, %dma_wait3A_854] : memref<10240x128xf32, #tpu.memory_space<vmem_shared>> -> memref<16x128xf32, #tpu.memory_space<vmem_shared>>
      tpu.wait_dma2 semaphore(%run_scoped3A_847 : memref<!tpu.dma_semaphore, #tpu.memory_space<semaphore_mem>>) src(%arg10 : memref<16x128xf32, #tpu.memory_space<vmem>>) dst(%dma_wait3A_855 : memref<16x128xf32, #tpu.memory_space<vmem_shared>>)
      tpu.yield
    }) : () -> ()
    %add3A_584 = arith.constant 208 : i32
    %add3A_585 = arith.addi %mul3A_557, %add3A_584 : i32
    "tpu.region"() ({
      %run_scoped3A_847 = tpu.sem_alloc : memref<!tpu.dma_semaphore, #tpu.memory_space<semaphore_mem>>
      %dma_start3A_848 = arith.constant 0 : i32
      %dma_start3A_849 = tpu.memref_slice %arg11[%add3A_585, %dma_start3A_848] : memref<10240x128xf32, #tpu.memory_space<vmem_shared>> -> memref<16x128xf32, #tpu.memory_space<vmem_shared>>
      %dma_start3A_850 = arith.constant 0 : i32
      %dma_start3A_851 = tpu.memref_slice %arg11[%add3A_585, %dma_start3A_850] : memref<10240x128xf32, #tpu.memory_space<vmem_shared>> -> memref<16x128xf32, #tpu.memory_space<vmem_shared>>
      tpu.enqueue_dma source(%arg10 : memref<16x128xf32, #tpu.memory_space<vmem>>) target(%dma_start3A_851 : memref<16x128xf32, #tpu.memory_space<vmem_shared>>) target_semaphore(%run_scoped3A_847 : memref<!tpu.dma_semaphore, #tpu.memory_space<semaphore_mem>>)
      %dma_wait3A_852 = arith.constant 0 : i32
      %dma_wait3A_853 = tpu.memref_slice %arg11[%add3A_585, %dma_wait3A_852] : memref<10240x128xf32, #tpu.memory_space<vmem_shared>> -> memref<16x128xf32, #tpu.memory_space<vmem_shared>>
      %dma_wait3A_854 = arith.constant 0 : i32
      %dma_wait3A_855 = tpu.memref_slice %arg11[%add3A_585, %dma_wait3A_854] : memref<10240x128xf32, #tpu.memory_space<vmem_shared>> -> memref<16x128xf32, #tpu.memory_space<vmem_shared>>
      tpu.wait_dma2 semaphore(%run_scoped3A_847 : memref<!tpu.dma_semaphore, #tpu.memory_space<semaphore_mem>>) src(%arg10 : memref<16x128xf32, #tpu.memory_space<vmem>>) dst(%dma_wait3A_855 : memref<16x128xf32, #tpu.memory_space<vmem_shared>>)
      tpu.yield
    }) : () -> ()
    %add3A_586 = arith.constant 224 : i32
    %add3A_587 = arith.addi %mul3A_557, %add3A_586 : i32
    "tpu.region"() ({
      %run_scoped3A_847 = tpu.sem_alloc : memref<!tpu.dma_semaphore, #tpu.memory_space<semaphore_mem>>
      %dma_start3A_848 = arith.constant 0 : i32
      %dma_start3A_849 = tpu.memref_slice %arg11[%add3A_587, %dma_start3A_848] : memref<10240x128xf32, #tpu.memory_space<vmem_shared>> -> memref<16x128xf32, #tpu.memory_space<vmem_shared>>
      %dma_start3A_850 = arith.constant 0 : i32
      %dma_start3A_851 = tpu.memref_slice %arg11[%add3A_587, %dma_start3A_850] : memref<10240x128xf32, #tpu.memory_space<vmem_shared>> -> memref<16x128xf32, #tpu.memory_space<vmem_shared>>
      tpu.enqueue_dma source(%arg10 : memref<16x128xf32, #tpu.memory_space<vmem>>) target(%dma_start3A_851 : memref<16x128xf32, #tpu.memory_space<vmem_shared>>) target_semaphore(%run_scoped3A_847 : memref<!tpu.dma_semaphore, #tpu.memory_space<semaphore_mem>>)
      %dma_wait3A_852 = arith.constant 0 : i32
      %dma_wait3A_853 = tpu.memref_slice %arg11[%add3A_587, %dma_wait3A_852] : memref<10240x128xf32, #tpu.memory_space<vmem_shared>> -> memref<16x128xf32, #tpu.memory_space<vmem_shared>>
      %dma_wait3A_854 = arith.constant 0 : i32
      %dma_wait3A_855 = tpu.memref_slice %arg11[%add3A_587, %dma_wait3A_854] : memref<10240x128xf32, #tpu.memory_space<vmem_shared>> -> memref<16x128xf32, #tpu.memory_space<vmem_shared>>
      tpu.wait_dma2 semaphore(%run_scoped3A_847 : memref<!tpu.dma_semaphore, #tpu.memory_space<semaphore_mem>>) src(%arg10 : memref<16x128xf32, #tpu.memory_space<vmem>>) dst(%dma_wait3A_855 : memref<16x128xf32, #tpu.memory_space<vmem_shared>>)
      tpu.yield
    }) : () -> ()
    %add3A_588 = arith.constant 240 : i32
    %add3A_589 = arith.addi %mul3A_557, %add3A_588 : i32
    "tpu.region"() ({
      %run_scoped3A_847 = tpu.sem_alloc : memref<!tpu.dma_semaphore, #tpu.memory_space<semaphore_mem>>
      %dma_start3A_848 = arith.constant 0 : i32
      %dma_start3A_849 = tpu.memref_slice %arg11[%add3A_589, %dma_start3A_848] : memref<10240x128xf32, #tpu.memory_space<vmem_shared>> -> memref<16x128xf32, #tpu.memory_space<vmem_shared>>
      %dma_start3A_850 = arith.constant 0 : i32
      %dma_start3A_851 = tpu.memref_slice %arg11[%add3A_589, %dma_start3A_850] : memref<10240x128xf32, #tpu.memory_space<vmem_shared>> -> memref<16x128xf32, #tpu.memory_space<vmem_shared>>
      tpu.enqueue_dma source(%arg10 : memref<16x128xf32, #tpu.memory_space<vmem>>) target(%dma_start3A_851 : memref<16x128xf32, #tpu.memory_space<vmem_shared>>) target_semaphore(%run_scoped3A_847 : memref<!tpu.dma_semaphore, #tpu.memory_space<semaphore_mem>>)
      %dma_wait3A_852 = arith.constant 0 : i32
      %dma_wait3A_853 = tpu.memref_slice %arg11[%add3A_589, %dma_wait3A_852] : memref<10240x128xf32, #tpu.memory_space<vmem_shared>> -> memref<16x128xf32, #tpu.memory_space<vmem_shared>>
      %dma_wait3A_854 = arith.constant 0 : i32
      %dma_wait3A_855 = tpu.memref_slice %arg11[%add3A_589, %dma_wait3A_854] : memref<10240x128xf32, #tpu.memory_space<vmem_shared>> -> memref<16x128xf32, #tpu.memory_space<vmem_shared>>
      tpu.wait_dma2 semaphore(%run_scoped3A_847 : memref<!tpu.dma_semaphore, #tpu.memory_space<semaphore_mem>>) src(%arg10 : memref<16x128xf32, #tpu.memory_space<vmem>>) dst(%dma_wait3A_855 : memref<16x128xf32, #tpu.memory_space<vmem_shared>>)
      tpu.yield
    }) : () -> ()
    %add3A_590 = arith.constant 256 : i32
    %add3A_591 = arith.addi %mul3A_557, %add3A_590 : i32
    "tpu.region"() ({
      %run_scoped3A_847 = tpu.sem_alloc : memref<!tpu.dma_semaphore, #tpu.memory_space<semaphore_mem>>
      %dma_start3A_848 = arith.constant 0 : i32
      %dma_start3A_849 = tpu.memref_slice %arg11[%add3A_591, %dma_start3A_848] : memref<10240x128xf32, #tpu.memory_space<vmem_shared>> -> memref<16x128xf32, #tpu.memory_space<vmem_shared>>
      %dma_start3A_850 = arith.constant 0 : i32
      %dma_start3A_851 = tpu.memref_slice %arg11[%add3A_591, %dma_start3A_850] : memref<10240x128xf32, #tpu.memory_space<vmem_shared>> -> memref<16x128xf32, #tpu.memory_space<vmem_shared>>
      tpu.enqueue_dma source(%arg10 : memref<16x128xf32, #tpu.memory_space<vmem>>) target(%dma_start3A_851 : memref<16x128xf32, #tpu.memory_space<vmem_shared>>) target_semaphore(%run_scoped3A_847 : memref<!tpu.dma_semaphore, #tpu.memory_space<semaphore_mem>>)
      %dma_wait3A_852 = arith.constant 0 : i32
      %dma_wait3A_853 = tpu.memref_slice %arg11[%add3A_591, %dma_wait3A_852] : memref<10240x128xf32, #tpu.memory_space<vmem_shared>> -> memref<16x128xf32, #tpu.memory_space<vmem_shared>>
      %dma_wait3A_854 = arith.constant 0 : i32
      %dma_wait3A_855 = tpu.memref_slice %arg11[%add3A_591, %dma_wait3A_854] : memref<10240x128xf32, #tpu.memory_space<vmem_shared>> -> memref<16x128xf32, #tpu.memory_space<vmem_shared>>
      tpu.wait_dma2 semaphore(%run_scoped3A_847 : memref<!tpu.dma_semaphore, #tpu.memory_space<semaphore_mem>>) src(%arg10 : memref<16x128xf32, #tpu.memory_space<vmem>>) dst(%dma_wait3A_855 : memref<16x128xf32, #tpu.memory_space<vmem_shared>>)
      tpu.yield
    }) : () -> ()
    %add3A_592 = arith.constant 272 : i32
    %add3A_593 = arith.addi %mul3A_557, %add3A_592 : i32
    "tpu.region"() ({
      %run_scoped3A_847 = tpu.sem_alloc : memref<!tpu.dma_semaphore, #tpu.memory_space<semaphore_mem>>
      %dma_start3A_848 = arith.constant 0 : i32
      %dma_start3A_849 = tpu.memref_slice %arg11[%add3A_593, %dma_start3A_848] : memref<10240x128xf32, #tpu.memory_space<vmem_shared>> -> memref<16x128xf32, #tpu.memory_space<vmem_shared>>
      %dma_start3A_850 = arith.constant 0 : i32
      %dma_start3A_851 = tpu.memref_slice %arg11[%add3A_593, %dma_start3A_850] : memref<10240x128xf32, #tpu.memory_space<vmem_shared>> -> memref<16x128xf32, #tpu.memory_space<vmem_shared>>
      tpu.enqueue_dma source(%arg10 : memref<16x128xf32, #tpu.memory_space<vmem>>) target(%dma_start3A_851 : memref<16x128xf32, #tpu.memory_space<vmem_shared>>) target_semaphore(%run_scoped3A_847 : memref<!tpu.dma_semaphore, #tpu.memory_space<semaphore_mem>>)
      %dma_wait3A_852 = arith.constant 0 : i32
      %dma_wait3A_853 = tpu.memref_slice %arg11[%add3A_593, %dma_wait3A_852] : memref<10240x128xf32, #tpu.memory_space<vmem_shared>> -> memref<16x128xf32, #tpu.memory_space<vmem_shared>>
      %dma_wait3A_854 = arith.constant 0 : i32
      %dma_wait3A_855 = tpu.memref_slice %arg11[%add3A_593, %dma_wait3A_854] : memref<10240x128xf32, #tpu.memory_space<vmem_shared>> -> memref<16x128xf32, #tpu.memory_space<vmem_shared>>
      tpu.wait_dma2 semaphore(%run_scoped3A_847 : memref<!tpu.dma_semaphore, #tpu.memory_space<semaphore_mem>>) src(%arg10 : memref<16x128xf32, #tpu.memory_space<vmem>>) dst(%dma_wait3A_855 : memref<16x128xf32, #tpu.memory_space<vmem_shared>>)
      tpu.yield
    }) : () -> ()
    %add3A_594 = arith.constant 288 : i32
    %add3A_595 = arith.addi %mul3A_557, %add3A_594 : i32
    "tpu.region"() ({
      %run_scoped3A_847 = tpu.sem_alloc : memref<!tpu.dma_semaphore, #tpu.memory_space<semaphore_mem>>
      %dma_start3A_848 = arith.constant 0 : i32
      %dma_start3A_849 = tpu.memref_slice %arg11[%add3A_595, %dma_start3A_848] : memref<10240x128xf32, #tpu.memory_space<vmem_shared>> -> memref<16x128xf32, #tpu.memory_space<vmem_shared>>
      %dma_start3A_850 = arith.constant 0 : i32
      %dma_start3A_851 = tpu.memref_slice %arg11[%add3A_595, %dma_start3A_850] : memref<10240x128xf32, #tpu.memory_space<vmem_shared>> -> memref<16x128xf32, #tpu.memory_space<vmem_shared>>
      tpu.enqueue_dma source(%arg10 : memref<16x128xf32, #tpu.memory_space<vmem>>) target(%dma_start3A_851 : memref<16x128xf32, #tpu.memory_space<vmem_shared>>) target_semaphore(%run_scoped3A_847 : memref<!tpu.dma_semaphore, #tpu.memory_space<semaphore_mem>>)
      %dma_wait3A_852 = arith.constant 0 : i32
      %dma_wait3A_853 = tpu.memref_slice %arg11[%add3A_595, %dma_wait3A_852] : memref<10240x128xf32, #tpu.memory_space<vmem_shared>> -> memref<16x128xf32, #tpu.memory_space<vmem_shared>>
      %dma_wait3A_854 = arith.constant 0 : i32
      %dma_wait3A_855 = tpu.memref_slice %arg11[%add3A_595, %dma_wait3A_854] : memref<10240x128xf32, #tpu.memory_space<vmem_shared>> -> memref<16x128xf32, #tpu.memory_space<vmem_shared>>
      tpu.wait_dma2 semaphore(%run_scoped3A_847 : memref<!tpu.dma_semaphore, #tpu.memory_space<semaphore_mem>>) src(%arg10 : memref<16x128xf32, #tpu.memory_space<vmem>>) dst(%dma_wait3A_855 : memref<16x128xf32, #tpu.memory_space<vmem_shared>>)
      tpu.yield
    }) : () -> ()
    %add3A_596 = arith.constant 304 : i32
    %add3A_597 = arith.addi %mul3A_557, %add3A_596 : i32
    "tpu.region"() ({
      %run_scoped3A_847 = tpu.sem_alloc : memref<!tpu.dma_semaphore, #tpu.memory_space<semaphore_mem>>
      %dma_start3A_848 = arith.constant 0 : i32
      %dma_start3A_849 = tpu.memref_slice %arg11[%add3A_597, %dma_start3A_848] : memref<10240x128xf32, #tpu.memory_space<vmem_shared>> -> memref<16x128xf32, #tpu.memory_space<vmem_shared>>
      %dma_start3A_850 = arith.constant 0 : i32
      %dma_start3A_851 = tpu.memref_slice %arg11[%add3A_597, %dma_start3A_850] : memref<10240x128xf32, #tpu.memory_space<vmem_shared>> -> memref<16x128xf32, #tpu.memory_space<vmem_shared>>
      tpu.enqueue_dma source(%arg10 : memref<16x128xf32, #tpu.memory_space<vmem>>) target(%dma_start3A_851 : memref<16x128xf32, #tpu.memory_space<vmem_shared>>) target_semaphore(%run_scoped3A_847 : memref<!tpu.dma_semaphore, #tpu.memory_space<semaphore_mem>>)
      %dma_wait3A_852 = arith.constant 0 : i32
      %dma_wait3A_853 = tpu.memref_slice %arg11[%add3A_597, %dma_wait3A_852] : memref<10240x128xf32, #tpu.memory_space<vmem_shared>> -> memref<16x128xf32, #tpu.memory_space<vmem_shared>>
      %dma_wait3A_854 = arith.constant 0 : i32
      %dma_wait3A_855 = tpu.memref_slice %arg11[%add3A_597, %dma_wait3A_854] : memref<10240x128xf32, #tpu.memory_space<vmem_shared>> -> memref<16x128xf32, #tpu.memory_space<vmem_shared>>
      tpu.wait_dma2 semaphore(%run_scoped3A_847 : memref<!tpu.dma_semaphore, #tpu.memory_space<semaphore_mem>>) src(%arg10 : memref<16x128xf32, #tpu.memory_space<vmem>>) dst(%dma_wait3A_855 : memref<16x128xf32, #tpu.memory_space<vmem_shared>>)
      tpu.yield
    }) : () -> ()
    %add3A_598 = arith.constant 320 : i32
    %add3A_599 = arith.addi %mul3A_557, %add3A_598 : i32
    "tpu.region"() ({
      %run_scoped3A_847 = tpu.sem_alloc : memref<!tpu.dma_semaphore, #tpu.memory_space<semaphore_mem>>
      %dma_start3A_848 = arith.constant 0 : i32
      %dma_start3A_849 = tpu.memref_slice %arg11[%add3A_599, %dma_start3A_848] : memref<10240x128xf32, #tpu.memory_space<vmem_shared>> -> memref<16x128xf32, #tpu.memory_space<vmem_shared>>
      %dma_start3A_850 = arith.constant 0 : i32
      %dma_start3A_851 = tpu.memref_slice %arg11[%add3A_599, %dma_start3A_850] : memref<10240x128xf32, #tpu.memory_space<vmem_shared>> -> memref<16x128xf32, #tpu.memory_space<vmem_shared>>
      tpu.enqueue_dma source(%arg10 : memref<16x128xf32, #tpu.memory_space<vmem>>) target(%dma_start3A_851 : memref<16x128xf32, #tpu.memory_space<vmem_shared>>) target_semaphore(%run_scoped3A_847 : memref<!tpu.dma_semaphore, #tpu.memory_space<semaphore_mem>>)
      %dma_wait3A_852 = arith.constant 0 : i32
      %dma_wait3A_853 = tpu.memref_slice %arg11[%add3A_599, %dma_wait3A_852] : memref<10240x128xf32, #tpu.memory_space<vmem_shared>> -> memref<16x128xf32, #tpu.memory_space<vmem_shared>>
      %dma_wait3A_854 = arith.constant 0 : i32
      %dma_wait3A_855 = tpu.memref_slice %arg11[%add3A_599, %dma_wait3A_854] : memref<10240x128xf32, #tpu.memory_space<vmem_shared>> -> memref<16x128xf32, #tpu.memory_space<vmem_shared>>
      tpu.wait_dma2 semaphore(%run_scoped3A_847 : memref<!tpu.dma_semaphore, #tpu.memory_space<semaphore_mem>>) src(%arg10 : memref<16x128xf32, #tpu.memory_space<vmem>>) dst(%dma_wait3A_855 : memref<16x128xf32, #tpu.memory_space<vmem_shared>>)
      tpu.yield
    }) : () -> ()
    %add3A_600 = arith.constant 336 : i32
    %add3A_601 = arith.addi %mul3A_557, %add3A_600 : i32
    "tpu.region"() ({
      %run_scoped3A_847 = tpu.sem_alloc : memref<!tpu.dma_semaphore, #tpu.memory_space<semaphore_mem>>
      %dma_start3A_848 = arith.constant 0 : i32
      %dma_start3A_849 = tpu.memref_slice %arg11[%add3A_601, %dma_start3A_848] : memref<10240x128xf32, #tpu.memory_space<vmem_shared>> -> memref<16x128xf32, #tpu.memory_space<vmem_shared>>
      %dma_start3A_850 = arith.constant 0 : i32
      %dma_start3A_851 = tpu.memref_slice %arg11[%add3A_601, %dma_start3A_850] : memref<10240x128xf32, #tpu.memory_space<vmem_shared>> -> memref<16x128xf32, #tpu.memory_space<vmem_shared>>
      tpu.enqueue_dma source(%arg10 : memref<16x128xf32, #tpu.memory_space<vmem>>) target(%dma_start3A_851 : memref<16x128xf32, #tpu.memory_space<vmem_shared>>) target_semaphore(%run_scoped3A_847 : memref<!tpu.dma_semaphore, #tpu.memory_space<semaphore_mem>>)
      %dma_wait3A_852 = arith.constant 0 : i32
      %dma_wait3A_853 = tpu.memref_slice %arg11[%add3A_601, %dma_wait3A_852] : memref<10240x128xf32, #tpu.memory_space<vmem_shared>> -> memref<16x128xf32, #tpu.memory_space<vmem_shared>>
      %dma_wait3A_854 = arith.constant 0 : i32
      %dma_wait3A_855 = tpu.memref_slice %arg11[%add3A_601, %dma_wait3A_854] : memref<10240x128xf32, #tpu.memory_space<vmem_shared>> -> memref<16x128xf32, #tpu.memory_space<vmem_shared>>
      tpu.wait_dma2 semaphore(%run_scoped3A_847 : memref<!tpu.dma_semaphore, #tpu.memory_space<semaphore_mem>>) src(%arg10 : memref<16x128xf32, #tpu.memory_space<vmem>>) dst(%dma_wait3A_855 : memref<16x128xf32, #tpu.memory_space<vmem_shared>>)
      tpu.yield
    }) : () -> ()
    %add3A_602 = arith.constant 352 : i32
    %add3A_603 = arith.addi %mul3A_557, %add3A_602 : i32
    "tpu.region"() ({
      %run_scoped3A_847 = tpu.sem_alloc : memref<!tpu.dma_semaphore, #tpu.memory_space<semaphore_mem>>
      %dma_start3A_848 = arith.constant 0 : i32
      %dma_start3A_849 = tpu.memref_slice %arg11[%add3A_603, %dma_start3A_848] : memref<10240x128xf32, #tpu.memory_space<vmem_shared>> -> memref<16x128xf32, #tpu.memory_space<vmem_shared>>
      %dma_start3A_850 = arith.constant 0 : i32
      %dma_start3A_851 = tpu.memref_slice %arg11[%add3A_603, %dma_start3A_850] : memref<10240x128xf32, #tpu.memory_space<vmem_shared>> -> memref<16x128xf32, #tpu.memory_space<vmem_shared>>
      tpu.enqueue_dma source(%arg10 : memref<16x128xf32, #tpu.memory_space<vmem>>) target(%dma_start3A_851 : memref<16x128xf32, #tpu.memory_space<vmem_shared>>) target_semaphore(%run_scoped3A_847 : memref<!tpu.dma_semaphore, #tpu.memory_space<semaphore_mem>>)
      %dma_wait3A_852 = arith.constant 0 : i32
      %dma_wait3A_853 = tpu.memref_slice %arg11[%add3A_603, %dma_wait3A_852] : memref<10240x128xf32, #tpu.memory_space<vmem_shared>> -> memref<16x128xf32, #tpu.memory_space<vmem_shared>>
      %dma_wait3A_854 = arith.constant 0 : i32
      %dma_wait3A_855 = tpu.memref_slice %arg11[%add3A_603, %dma_wait3A_854] : memref<10240x128xf32, #tpu.memory_space<vmem_shared>> -> memref<16x128xf32, #tpu.memory_space<vmem_shared>>
      tpu.wait_dma2 semaphore(%run_scoped3A_847 : memref<!tpu.dma_semaphore, #tpu.memory_space<semaphore_mem>>) src(%arg10 : memref<16x128xf32, #tpu.memory_space<vmem>>) dst(%dma_wait3A_855 : memref<16x128xf32, #tpu.memory_space<vmem_shared>>)
      tpu.yield
    }) : () -> ()
    %add3A_604 = arith.constant 368 : i32
    %add3A_605 = arith.addi %mul3A_557, %add3A_604 : i32
    "tpu.region"() ({
      %run_scoped3A_847 = tpu.sem_alloc : memref<!tpu.dma_semaphore, #tpu.memory_space<semaphore_mem>>
      %dma_start3A_848 = arith.constant 0 : i32
      %dma_start3A_849 = tpu.memref_slice %arg11[%add3A_605, %dma_start3A_848] : memref<10240x128xf32, #tpu.memory_space<vmem_shared>> -> memref<16x128xf32, #tpu.memory_space<vmem_shared>>
      %dma_start3A_850 = arith.constant 0 : i32
      %dma_start3A_851 = tpu.memref_slice %arg11[%add3A_605, %dma_start3A_850] : memref<10240x128xf32, #tpu.memory_space<vmem_shared>> -> memref<16x128xf32, #tpu.memory_space<vmem_shared>>
      tpu.enqueue_dma source(%arg10 : memref<16x128xf32, #tpu.memory_space<vmem>>) target(%dma_start3A_851 : memref<16x128xf32, #tpu.memory_space<vmem_shared>>) target_semaphore(%run_scoped3A_847 : memref<!tpu.dma_semaphore, #tpu.memory_space<semaphore_mem>>)
      %dma_wait3A_852 = arith.constant 0 : i32
      %dma_wait3A_853 = tpu.memref_slice %arg11[%add3A_605, %dma_wait3A_852] : memref<10240x128xf32, #tpu.memory_space<vmem_shared>> -> memref<16x128xf32, #tpu.memory_space<vmem_shared>>
      %dma_wait3A_854 = arith.constant 0 : i32
      %dma_wait3A_855 = tpu.memref_slice %arg11[%add3A_605, %dma_wait3A_854] : memref<10240x128xf32, #tpu.memory_space<vmem_shared>> -> memref<16x128xf32, #tpu.memory_space<vmem_shared>>
      tpu.wait_dma2 semaphore(%run_scoped3A_847 : memref<!tpu.dma_semaphore, #tpu.memory_space<semaphore_mem>>) src(%arg10 : memref<16x128xf32, #tpu.memory_space<vmem>>) dst(%dma_wait3A_855 : memref<16x128xf32, #tpu.memory_space<vmem_shared>>)
      tpu.yield
    }) : () -> ()
    %add3A_606 = arith.constant 384 : i32
    %add3A_607 = arith.addi %mul3A_557, %add3A_606 : i32
    "tpu.region"() ({
      %run_scoped3A_847 = tpu.sem_alloc : memref<!tpu.dma_semaphore, #tpu.memory_space<semaphore_mem>>
      %dma_start3A_848 = arith.constant 0 : i32
      %dma_start3A_849 = tpu.memref_slice %arg11[%add3A_607, %dma_start3A_848] : memref<10240x128xf32, #tpu.memory_space<vmem_shared>> -> memref<16x128xf32, #tpu.memory_space<vmem_shared>>
      %dma_start3A_850 = arith.constant 0 : i32
      %dma_start3A_851 = tpu.memref_slice %arg11[%add3A_607, %dma_start3A_850] : memref<10240x128xf32, #tpu.memory_space<vmem_shared>> -> memref<16x128xf32, #tpu.memory_space<vmem_shared>>
      tpu.enqueue_dma source(%arg10 : memref<16x128xf32, #tpu.memory_space<vmem>>) target(%dma_start3A_851 : memref<16x128xf32, #tpu.memory_space<vmem_shared>>) target_semaphore(%run_scoped3A_847 : memref<!tpu.dma_semaphore, #tpu.memory_space<semaphore_mem>>)
      %dma_wait3A_852 = arith.constant 0 : i32
      %dma_wait3A_853 = tpu.memref_slice %arg11[%add3A_607, %dma_wait3A_852] : memref<10240x128xf32, #tpu.memory_space<vmem_shared>> -> memref<16x128xf32, #tpu.memory_space<vmem_shared>>
      %dma_wait3A_854 = arith.constant 0 : i32
      %dma_wait3A_855 = tpu.memref_slice %arg11[%add3A_607, %dma_wait3A_854] : memref<10240x128xf32, #tpu.memory_space<vmem_shared>> -> memref<16x128xf32, #tpu.memory_space<vmem_shared>>
      tpu.wait_dma2 semaphore(%run_scoped3A_847 : memref<!tpu.dma_semaphore, #tpu.memory_space<semaphore_mem>>) src(%arg10 : memref<16x128xf32, #tpu.memory_space<vmem>>) dst(%dma_wait3A_855 : memref<16x128xf32, #tpu.memory_space<vmem_shared>>)
      tpu.yield
    }) : () -> ()
    %add3A_608 = arith.constant 400 : i32
    %add3A_609 = arith.addi %mul3A_557, %add3A_608 : i32
    "tpu.region"() ({
      %run_scoped3A_847 = tpu.sem_alloc : memref<!tpu.dma_semaphore, #tpu.memory_space<semaphore_mem>>
      %dma_start3A_848 = arith.constant 0 : i32
      %dma_start3A_849 = tpu.memref_slice %arg11[%add3A_609, %dma_start3A_848] : memref<10240x128xf32, #tpu.memory_space<vmem_shared>> -> memref<16x128xf32, #tpu.memory_space<vmem_shared>>
      %dma_start3A_850 = arith.constant 0 : i32
      %dma_start3A_851 = tpu.memref_slice %arg11[%add3A_609, %dma_start3A_850] : memref<10240x128xf32, #tpu.memory_space<vmem_shared>> -> memref<16x128xf32, #tpu.memory_space<vmem_shared>>
      tpu.enqueue_dma source(%arg10 : memref<16x128xf32, #tpu.memory_space<vmem>>) target(%dma_start3A_851 : memref<16x128xf32, #tpu.memory_space<vmem_shared>>) target_semaphore(%run_scoped3A_847 : memref<!tpu.dma_semaphore, #tpu.memory_space<semaphore_mem>>)
      %dma_wait3A_852 = arith.constant 0 : i32
      %dma_wait3A_853 = tpu.memref_slice %arg11[%add3A_609, %dma_wait3A_852] : memref<10240x128xf32, #tpu.memory_space<vmem_shared>> -> memref<16x128xf32, #tpu.memory_space<vmem_shared>>
      %dma_wait3A_854 = arith.constant 0 : i32
      %dma_wait3A_855 = tpu.memref_slice %arg11[%add3A_609, %dma_wait3A_854] : memref<10240x128xf32, #tpu.memory_space<vmem_shared>> -> memref<16x128xf32, #tpu.memory_space<vmem_shared>>
      tpu.wait_dma2 semaphore(%run_scoped3A_847 : memref<!tpu.dma_semaphore, #tpu.memory_space<semaphore_mem>>) src(%arg10 : memref<16x128xf32, #tpu.memory_space<vmem>>) dst(%dma_wait3A_855 : memref<16x128xf32, #tpu.memory_space<vmem_shared>>)
      tpu.yield
    }) : () -> ()
    %add3A_610 = arith.constant 416 : i32
    %add3A_611 = arith.addi %mul3A_557, %add3A_610 : i32
    "tpu.region"() ({
      %run_scoped3A_847 = tpu.sem_alloc : memref<!tpu.dma_semaphore, #tpu.memory_space<semaphore_mem>>
      %dma_start3A_848 = arith.constant 0 : i32
      %dma_start3A_849 = tpu.memref_slice %arg11[%add3A_611, %dma_start3A_848] : memref<10240x128xf32, #tpu.memory_space<vmem_shared>> -> memref<16x128xf32, #tpu.memory_space<vmem_shared>>
      %dma_start3A_850 = arith.constant 0 : i32
      %dma_start3A_851 = tpu.memref_slice %arg11[%add3A_611, %dma_start3A_850] : memref<10240x128xf32, #tpu.memory_space<vmem_shared>> -> memref<16x128xf32, #tpu.memory_space<vmem_shared>>
      tpu.enqueue_dma source(%arg10 : memref<16x128xf32, #tpu.memory_space<vmem>>) target(%dma_start3A_851 : memref<16x128xf32, #tpu.memory_space<vmem_shared>>) target_semaphore(%run_scoped3A_847 : memref<!tpu.dma_semaphore, #tpu.memory_space<semaphore_mem>>)
      %dma_wait3A_852 = arith.constant 0 : i32
      %dma_wait3A_853 = tpu.memref_slice %arg11[%add3A_611, %dma_wait3A_852] : memref<10240x128xf32, #tpu.memory_space<vmem_shared>> -> memref<16x128xf32, #tpu.memory_space<vmem_shared>>
      %dma_wait3A_854 = arith.constant 0 : i32
      %dma_wait3A_855 = tpu.memref_slice %arg11[%add3A_611, %dma_wait3A_854] : memref<10240x128xf32, #tpu.memory_space<vmem_shared>> -> memref<16x128xf32, #tpu.memory_space<vmem_shared>>
      tpu.wait_dma2 semaphore(%run_scoped3A_847 : memref<!tpu.dma_semaphore, #tpu.memory_space<semaphore_mem>>) src(%arg10 : memref<16x128xf32, #tpu.memory_space<vmem>>) dst(%dma_wait3A_855 : memref<16x128xf32, #tpu.memory_space<vmem_shared>>)
      tpu.yield
    }) : () -> ()
    %add3A_612 = arith.constant 432 : i32
    %add3A_613 = arith.addi %mul3A_557, %add3A_612 : i32
    "tpu.region"() ({
      %run_scoped3A_847 = tpu.sem_alloc : memref<!tpu.dma_semaphore, #tpu.memory_space<semaphore_mem>>
      %dma_start3A_848 = arith.constant 0 : i32
      %dma_start3A_849 = tpu.memref_slice %arg11[%add3A_613, %dma_start3A_848] : memref<10240x128xf32, #tpu.memory_space<vmem_shared>> -> memref<16x128xf32, #tpu.memory_space<vmem_shared>>
      %dma_start3A_850 = arith.constant 0 : i32
      %dma_start3A_851 = tpu.memref_slice %arg11[%add3A_613, %dma_start3A_850] : memref<10240x128xf32, #tpu.memory_space<vmem_shared>> -> memref<16x128xf32, #tpu.memory_space<vmem_shared>>
      tpu.enqueue_dma source(%arg10 : memref<16x128xf32, #tpu.memory_space<vmem>>) target(%dma_start3A_851 : memref<16x128xf32, #tpu.memory_space<vmem_shared>>) target_semaphore(%run_scoped3A_847 : memref<!tpu.dma_semaphore, #tpu.memory_space<semaphore_mem>>)
      %dma_wait3A_852 = arith.constant 0 : i32
      %dma_wait3A_853 = tpu.memref_slice %arg11[%add3A_613, %dma_wait3A_852] : memref<10240x128xf32, #tpu.memory_space<vmem_shared>> -> memref<16x128xf32, #tpu.memory_space<vmem_shared>>
      %dma_wait3A_854 = arith.constant 0 : i32
      %dma_wait3A_855 = tpu.memref_slice %arg11[%add3A_613, %dma_wait3A_854] : memref<10240x128xf32, #tpu.memory_space<vmem_shared>> -> memref<16x128xf32, #tpu.memory_space<vmem_shared>>
      tpu.wait_dma2 semaphore(%run_scoped3A_847 : memref<!tpu.dma_semaphore, #tpu.memory_space<semaphore_mem>>) src(%arg10 : memref<16x128xf32, #tpu.memory_space<vmem>>) dst(%dma_wait3A_855 : memref<16x128xf32, #tpu.memory_space<vmem_shared>>)
      tpu.yield
    }) : () -> ()
    %add3A_614 = arith.constant 448 : i32
    %add3A_615 = arith.addi %mul3A_557, %add3A_614 : i32
    "tpu.region"() ({
      %run_scoped3A_847 = tpu.sem_alloc : memref<!tpu.dma_semaphore, #tpu.memory_space<semaphore_mem>>
      %dma_start3A_848 = arith.constant 0 : i32
      %dma_start3A_849 = tpu.memref_slice %arg11[%add3A_615, %dma_start3A_848] : memref<10240x128xf32, #tpu.memory_space<vmem_shared>> -> memref<16x128xf32, #tpu.memory_space<vmem_shared>>
      %dma_start3A_850 = arith.constant 0 : i32
      %dma_start3A_851 = tpu.memref_slice %arg11[%add3A_615, %dma_start3A_850] : memref<10240x128xf32, #tpu.memory_space<vmem_shared>> -> memref<16x128xf32, #tpu.memory_space<vmem_shared>>
      tpu.enqueue_dma source(%arg10 : memref<16x128xf32, #tpu.memory_space<vmem>>) target(%dma_start3A_851 : memref<16x128xf32, #tpu.memory_space<vmem_shared>>) target_semaphore(%run_scoped3A_847 : memref<!tpu.dma_semaphore, #tpu.memory_space<semaphore_mem>>)
      %dma_wait3A_852 = arith.constant 0 : i32
      %dma_wait3A_853 = tpu.memref_slice %arg11[%add3A_615, %dma_wait3A_852] : memref<10240x128xf32, #tpu.memory_space<vmem_shared>> -> memref<16x128xf32, #tpu.memory_space<vmem_shared>>
      %dma_wait3A_854 = arith.constant 0 : i32
      %dma_wait3A_855 = tpu.memref_slice %arg11[%add3A_615, %dma_wait3A_854] : memref<10240x128xf32, #tpu.memory_space<vmem_shared>> -> memref<16x128xf32, #tpu.memory_space<vmem_shared>>
      tpu.wait_dma2 semaphore(%run_scoped3A_847 : memref<!tpu.dma_semaphore, #tpu.memory_space<semaphore_mem>>) src(%arg10 : memref<16x128xf32, #tpu.memory_space<vmem>>) dst(%dma_wait3A_855 : memref<16x128xf32, #tpu.memory_space<vmem_shared>>)
      tpu.yield
    }) : () -> ()
    %add3A_616 = arith.constant 464 : i32
    %add3A_617 = arith.addi %mul3A_557, %add3A_616 : i32
    "tpu.region"() ({
      %run_scoped3A_847 = tpu.sem_alloc : memref<!tpu.dma_semaphore, #tpu.memory_space<semaphore_mem>>
      %dma_start3A_848 = arith.constant 0 : i32
      %dma_start3A_849 = tpu.memref_slice %arg11[%add3A_617, %dma_start3A_848] : memref<10240x128xf32, #tpu.memory_space<vmem_shared>> -> memref<16x128xf32, #tpu.memory_space<vmem_shared>>
      %dma_start3A_850 = arith.constant 0 : i32
      %dma_start3A_851 = tpu.memref_slice %arg11[%add3A_617, %dma_start3A_850] : memref<10240x128xf32, #tpu.memory_space<vmem_shared>> -> memref<16x128xf32, #tpu.memory_space<vmem_shared>>
      tpu.enqueue_dma source(%arg10 : memref<16x128xf32, #tpu.memory_space<vmem>>) target(%dma_start3A_851 : memref<16x128xf32, #tpu.memory_space<vmem_shared>>) target_semaphore(%run_scoped3A_847 : memref<!tpu.dma_semaphore, #tpu.memory_space<semaphore_mem>>)
      %dma_wait3A_852 = arith.constant 0 : i32
      %dma_wait3A_853 = tpu.memref_slice %arg11[%add3A_617, %dma_wait3A_852] : memref<10240x128xf32, #tpu.memory_space<vmem_shared>> -> memref<16x128xf32, #tpu.memory_space<vmem_shared>>
      %dma_wait3A_854 = arith.constant 0 : i32
      %dma_wait3A_855 = tpu.memref_slice %arg11[%add3A_617, %dma_wait3A_854] : memref<10240x128xf32, #tpu.memory_space<vmem_shared>> -> memref<16x128xf32, #tpu.memory_space<vmem_shared>>
      tpu.wait_dma2 semaphore(%run_scoped3A_847 : memref<!tpu.dma_semaphore, #tpu.memory_space<semaphore_mem>>) src(%arg10 : memref<16x128xf32, #tpu.memory_space<vmem>>) dst(%dma_wait3A_855 : memref<16x128xf32, #tpu.memory_space<vmem_shared>>)
      tpu.yield
    }) : () -> ()
    %add3A_618 = arith.constant 480 : i32
    %add3A_619 = arith.addi %mul3A_557, %add3A_618 : i32
    "tpu.region"() ({
      %run_scoped3A_847 = tpu.sem_alloc : memref<!tpu.dma_semaphore, #tpu.memory_space<semaphore_mem>>
      %dma_start3A_848 = arith.constant 0 : i32
      %dma_start3A_849 = tpu.memref_slice %arg11[%add3A_619, %dma_start3A_848] : memref<10240x128xf32, #tpu.memory_space<vmem_shared>> -> memref<16x128xf32, #tpu.memory_space<vmem_shared>>
      %dma_start3A_850 = arith.constant 0 : i32
      %dma_start3A_851 = tpu.memref_slice %arg11[%add3A_619, %dma_start3A_850] : memref<10240x128xf32, #tpu.memory_space<vmem_shared>> -> memref<16x128xf32, #tpu.memory_space<vmem_shared>>
      tpu.enqueue_dma source(%arg10 : memref<16x128xf32, #tpu.memory_space<vmem>>) target(%dma_start3A_851 : memref<16x128xf32, #tpu.memory_space<vmem_shared>>) target_semaphore(%run_scoped3A_847 : memref<!tpu.dma_semaphore, #tpu.memory_space<semaphore_mem>>)
      %dma_wait3A_852 = arith.constant 0 : i32
      %dma_wait3A_853 = tpu.memref_slice %arg11[%add3A_619, %dma_wait3A_852] : memref<10240x128xf32, #tpu.memory_space<vmem_shared>> -> memref<16x128xf32, #tpu.memory_space<vmem_shared>>
      %dma_wait3A_854 = arith.constant 0 : i32
      %dma_wait3A_855 = tpu.memref_slice %arg11[%add3A_619, %dma_wait3A_854] : memref<10240x128xf32, #tpu.memory_space<vmem_shared>> -> memref<16x128xf32, #tpu.memory_space<vmem_shared>>
      tpu.wait_dma2 semaphore(%run_scoped3A_847 : memref<!tpu.dma_semaphore, #tpu.memory_space<semaphore_mem>>) src(%arg10 : memref<16x128xf32, #tpu.memory_space<vmem>>) dst(%dma_wait3A_855 : memref<16x128xf32, #tpu.memory_space<vmem_shared>>)
      tpu.yield
    }) : () -> ()
    %add3A_620 = arith.constant 496 : i32
    %add3A_621 = arith.addi %mul3A_557, %add3A_620 : i32
    "tpu.region"() ({
      %run_scoped3A_847 = tpu.sem_alloc : memref<!tpu.dma_semaphore, #tpu.memory_space<semaphore_mem>>
      %dma_start3A_848 = arith.constant 0 : i32
      %dma_start3A_849 = tpu.memref_slice %arg11[%add3A_621, %dma_start3A_848] : memref<10240x128xf32, #tpu.memory_space<vmem_shared>> -> memref<16x128xf32, #tpu.memory_space<vmem_shared>>
      %dma_start3A_850 = arith.constant 0 : i32
      %dma_start3A_851 = tpu.memref_slice %arg11[%add3A_621, %dma_start3A_850] : memref<10240x128xf32, #tpu.memory_space<vmem_shared>> -> memref<16x128xf32, #tpu.memory_space<vmem_shared>>
      tpu.enqueue_dma source(%arg10 : memref<16x128xf32, #tpu.memory_space<vmem>>) target(%dma_start3A_851 : memref<16x128xf32, #tpu.memory_space<vmem_shared>>) target_semaphore(%run_scoped3A_847 : memref<!tpu.dma_semaphore, #tpu.memory_space<semaphore_mem>>)
      %dma_wait3A_852 = arith.constant 0 : i32
      %dma_wait3A_853 = tpu.memref_slice %arg11[%add3A_621, %dma_wait3A_852] : memref<10240x128xf32, #tpu.memory_space<vmem_shared>> -> memref<16x128xf32, #tpu.memory_space<vmem_shared>>
      %dma_wait3A_854 = arith.constant 0 : i32
      %dma_wait3A_855 = tpu.memref_slice %arg11[%add3A_621, %dma_wait3A_854] : memref<10240x128xf32, #tpu.memory_space<vmem_shared>> -> memref<16x128xf32, #tpu.memory_space<vmem_shared>>
      tpu.wait_dma2 semaphore(%run_scoped3A_847 : memref<!tpu.dma_semaphore, #tpu.memory_space<semaphore_mem>>) src(%arg10 : memref<16x128xf32, #tpu.memory_space<vmem>>) dst(%dma_wait3A_855 : memref<16x128xf32, #tpu.memory_space<vmem_shared>>)
      tpu.yield
    }) : () -> ()
    %add3A_622 = arith.constant 512 : i32
    %add3A_623 = arith.addi %mul3A_557, %add3A_622 : i32
    "tpu.region"() ({
      %run_scoped3A_847 = tpu.sem_alloc : memref<!tpu.dma_semaphore, #tpu.memory_space<semaphore_mem>>
      %dma_start3A_848 = arith.constant 0 : i32
      %dma_start3A_849 = tpu.memref_slice %arg11[%add3A_623, %dma_start3A_848] : memref<10240x128xf32, #tpu.memory_space<vmem_shared>> -> memref<16x128xf32, #tpu.memory_space<vmem_shared>>
      %dma_start3A_850 = arith.constant 0 : i32
      %dma_start3A_851 = tpu.memref_slice %arg11[%add3A_623, %dma_start3A_850] : memref<10240x128xf32, #tpu.memory_space<vmem_shared>> -> memref<16x128xf32, #tpu.memory_space<vmem_shared>>
      tpu.enqueue_dma source(%arg10 : memref<16x128xf32, #tpu.memory_space<vmem>>) target(%dma_start3A_851 : memref<16x128xf32, #tpu.memory_space<vmem_shared>>) target_semaphore(%run_scoped3A_847 : memref<!tpu.dma_semaphore, #tpu.memory_space<semaphore_mem>>)
      %dma_wait3A_852 = arith.constant 0 : i32
      %dma_wait3A_853 = tpu.memref_slice %arg11[%add3A_623, %dma_wait3A_852] : memref<10240x128xf32, #tpu.memory_space<vmem_shared>> -> memref<16x128xf32, #tpu.memory_space<vmem_shared>>
      %dma_wait3A_854 = arith.constant 0 : i32
      %dma_wait3A_855 = tpu.memref_slice %arg11[%add3A_623, %dma_wait3A_854] : memref<10240x128xf32, #tpu.memory_space<vmem_shared>> -> memref<16x128xf32, #tpu.memory_space<vmem_shared>>
      tpu.wait_dma2 semaphore(%run_scoped3A_847 : memref<!tpu.dma_semaphore, #tpu.memory_space<semaphore_mem>>) src(%arg10 : memref<16x128xf32, #tpu.memory_space<vmem>>) dst(%dma_wait3A_855 : memref<16x128xf32, #tpu.memory_space<vmem_shared>>)
      tpu.yield
    }) : () -> ()
    %add3A_624 = arith.constant 528 : i32
    %add3A_625 = arith.addi %mul3A_557, %add3A_624 : i32
    "tpu.region"() ({
      %run_scoped3A_847 = tpu.sem_alloc : memref<!tpu.dma_semaphore, #tpu.memory_space<semaphore_mem>>
      %dma_start3A_848 = arith.constant 0 : i32
      %dma_start3A_849 = tpu.memref_slice %arg11[%add3A_625, %dma_start3A_848] : memref<10240x128xf32, #tpu.memory_space<vmem_shared>> -> memref<16x128xf32, #tpu.memory_space<vmem_shared>>
      %dma_start3A_850 = arith.constant 0 : i32
      %dma_start3A_851 = tpu.memref_slice %arg11[%add3A_625, %dma_start3A_850] : memref<10240x128xf32, #tpu.memory_space<vmem_shared>> -> memref<16x128xf32, #tpu.memory_space<vmem_shared>>
      tpu.enqueue_dma source(%arg10 : memref<16x128xf32, #tpu.memory_space<vmem>>) target(%dma_start3A_851 : memref<16x128xf32, #tpu.memory_space<vmem_shared>>) target_semaphore(%run_scoped3A_847 : memref<!tpu.dma_semaphore, #tpu.memory_space<semaphore_mem>>)
      %dma_wait3A_852 = arith.constant 0 : i32
      %dma_wait3A_853 = tpu.memref_slice %arg11[%add3A_625, %dma_wait3A_852] : memref<10240x128xf32, #tpu.memory_space<vmem_shared>> -> memref<16x128xf32, #tpu.memory_space<vmem_shared>>
      %dma_wait3A_854 = arith.constant 0 : i32
      %dma_wait3A_855 = tpu.memref_slice %arg11[%add3A_625, %dma_wait3A_854] : memref<10240x128xf32, #tpu.memory_space<vmem_shared>> -> memref<16x128xf32, #tpu.memory_space<vmem_shared>>
      tpu.wait_dma2 semaphore(%run_scoped3A_847 : memref<!tpu.dma_semaphore, #tpu.memory_space<semaphore_mem>>) src(%arg10 : memref<16x128xf32, #tpu.memory_space<vmem>>) dst(%dma_wait3A_855 : memref<16x128xf32, #tpu.memory_space<vmem_shared>>)
      tpu.yield
    }) : () -> ()
    %add3A_626 = arith.constant 544 : i32
    %add3A_627 = arith.addi %mul3A_557, %add3A_626 : i32
    "tpu.region"() ({
      %run_scoped3A_847 = tpu.sem_alloc : memref<!tpu.dma_semaphore, #tpu.memory_space<semaphore_mem>>
      %dma_start3A_848 = arith.constant 0 : i32
      %dma_start3A_849 = tpu.memref_slice %arg11[%add3A_627, %dma_start3A_848] : memref<10240x128xf32, #tpu.memory_space<vmem_shared>> -> memref<16x128xf32, #tpu.memory_space<vmem_shared>>
      %dma_start3A_850 = arith.constant 0 : i32
      %dma_start3A_851 = tpu.memref_slice %arg11[%add3A_627, %dma_start3A_850] : memref<10240x128xf32, #tpu.memory_space<vmem_shared>> -> memref<16x128xf32, #tpu.memory_space<vmem_shared>>
      tpu.enqueue_dma source(%arg10 : memref<16x128xf32, #tpu.memory_space<vmem>>) target(%dma_start3A_851 : memref<16x128xf32, #tpu.memory_space<vmem_shared>>) target_semaphore(%run_scoped3A_847 : memref<!tpu.dma_semaphore, #tpu.memory_space<semaphore_mem>>)
      %dma_wait3A_852 = arith.constant 0 : i32
      %dma_wait3A_853 = tpu.memref_slice %arg11[%add3A_627, %dma_wait3A_852] : memref<10240x128xf32, #tpu.memory_space<vmem_shared>> -> memref<16x128xf32, #tpu.memory_space<vmem_shared>>
      %dma_wait3A_854 = arith.constant 0 : i32
      %dma_wait3A_855 = tpu.memref_slice %arg11[%add3A_627, %dma_wait3A_854] : memref<10240x128xf32, #tpu.memory_space<vmem_shared>> -> memref<16x128xf32, #tpu.memory_space<vmem_shared>>
      tpu.wait_dma2 semaphore(%run_scoped3A_847 : memref<!tpu.dma_semaphore, #tpu.memory_space<semaphore_mem>>) src(%arg10 : memref<16x128xf32, #tpu.memory_space<vmem>>) dst(%dma_wait3A_855 : memref<16x128xf32, #tpu.memory_space<vmem_shared>>)
      tpu.yield
    }) : () -> ()
    %add3A_628 = arith.constant 560 : i32
    %add3A_629 = arith.addi %mul3A_557, %add3A_628 : i32
    "tpu.region"() ({
      %run_scoped3A_847 = tpu.sem_alloc : memref<!tpu.dma_semaphore, #tpu.memory_space<semaphore_mem>>
      %dma_start3A_848 = arith.constant 0 : i32
      %dma_start3A_849 = tpu.memref_slice %arg11[%add3A_629, %dma_start3A_848] : memref<10240x128xf32, #tpu.memory_space<vmem_shared>> -> memref<16x128xf32, #tpu.memory_space<vmem_shared>>
      %dma_start3A_850 = arith.constant 0 : i32
      %dma_start3A_851 = tpu.memref_slice %arg11[%add3A_629, %dma_start3A_850] : memref<10240x128xf32, #tpu.memory_space<vmem_shared>> -> memref<16x128xf32, #tpu.memory_space<vmem_shared>>
      tpu.enqueue_dma source(%arg10 : memref<16x128xf32, #tpu.memory_space<vmem>>) target(%dma_start3A_851 : memref<16x128xf32, #tpu.memory_space<vmem_shared>>) target_semaphore(%run_scoped3A_847 : memref<!tpu.dma_semaphore, #tpu.memory_space<semaphore_mem>>)
      %dma_wait3A_852 = arith.constant 0 : i32
      %dma_wait3A_853 = tpu.memref_slice %arg11[%add3A_629, %dma_wait3A_852] : memref<10240x128xf32, #tpu.memory_space<vmem_shared>> -> memref<16x128xf32, #tpu.memory_space<vmem_shared>>
      %dma_wait3A_854 = arith.constant 0 : i32
      %dma_wait3A_855 = tpu.memref_slice %arg11[%add3A_629, %dma_wait3A_854] : memref<10240x128xf32, #tpu.memory_space<vmem_shared>> -> memref<16x128xf32, #tpu.memory_space<vmem_shared>>
      tpu.wait_dma2 semaphore(%run_scoped3A_847 : memref<!tpu.dma_semaphore, #tpu.memory_space<semaphore_mem>>) src(%arg10 : memref<16x128xf32, #tpu.memory_space<vmem>>) dst(%dma_wait3A_855 : memref<16x128xf32, #tpu.memory_space<vmem_shared>>)
      tpu.yield
    }) : () -> ()
    %add3A_630 = arith.constant 576 : i32
    %add3A_631 = arith.addi %mul3A_557, %add3A_630 : i32
    "tpu.region"() ({
      %run_scoped3A_847 = tpu.sem_alloc : memref<!tpu.dma_semaphore, #tpu.memory_space<semaphore_mem>>
      %dma_start3A_848 = arith.constant 0 : i32
      %dma_start3A_849 = tpu.memref_slice %arg11[%add3A_631, %dma_start3A_848] : memref<10240x128xf32, #tpu.memory_space<vmem_shared>> -> memref<16x128xf32, #tpu.memory_space<vmem_shared>>
      %dma_start3A_850 = arith.constant 0 : i32
      %dma_start3A_851 = tpu.memref_slice %arg11[%add3A_631, %dma_start3A_850] : memref<10240x128xf32, #tpu.memory_space<vmem_shared>> -> memref<16x128xf32, #tpu.memory_space<vmem_shared>>
      tpu.enqueue_dma source(%arg10 : memref<16x128xf32, #tpu.memory_space<vmem>>) target(%dma_start3A_851 : memref<16x128xf32, #tpu.memory_space<vmem_shared>>) target_semaphore(%run_scoped3A_847 : memref<!tpu.dma_semaphore, #tpu.memory_space<semaphore_mem>>)
      %dma_wait3A_852 = arith.constant 0 : i32
      %dma_wait3A_853 = tpu.memref_slice %arg11[%add3A_631, %dma_wait3A_852] : memref<10240x128xf32, #tpu.memory_space<vmem_shared>> -> memref<16x128xf32, #tpu.memory_space<vmem_shared>>
      %dma_wait3A_854 = arith.constant 0 : i32
      %dma_wait3A_855 = tpu.memref_slice %arg11[%add3A_631, %dma_wait3A_854] : memref<10240x128xf32, #tpu.memory_space<vmem_shared>> -> memref<16x128xf32, #tpu.memory_space<vmem_shared>>
      tpu.wait_dma2 semaphore(%run_scoped3A_847 : memref<!tpu.dma_semaphore, #tpu.memory_space<semaphore_mem>>) src(%arg10 : memref<16x128xf32, #tpu.memory_space<vmem>>) dst(%dma_wait3A_855 : memref<16x128xf32, #tpu.memory_space<vmem_shared>>)
      tpu.yield
    }) : () -> ()
    %add3A_632 = arith.constant 592 : i32
    %add3A_633 = arith.addi %mul3A_557, %add3A_632 : i32
    "tpu.region"() ({
      %run_scoped3A_847 = tpu.sem_alloc : memref<!tpu.dma_semaphore, #tpu.memory_space<semaphore_mem>>
      %dma_start3A_848 = arith.constant 0 : i32
      %dma_start3A_849 = tpu.memref_slice %arg11[%add3A_633, %dma_start3A_848] : memref<10240x128xf32, #tpu.memory_space<vmem_shared>> -> memref<16x128xf32, #tpu.memory_space<vmem_shared>>
      %dma_start3A_850 = arith.constant 0 : i32
      %dma_start3A_851 = tpu.memref_slice %arg11[%add3A_633, %dma_start3A_850] : memref<10240x128xf32, #tpu.memory_space<vmem_shared>> -> memref<16x128xf32, #tpu.memory_space<vmem_shared>>
      tpu.enqueue_dma source(%arg10 : memref<16x128xf32, #tpu.memory_space<vmem>>) target(%dma_start3A_851 : memref<16x128xf32, #tpu.memory_space<vmem_shared>>) target_semaphore(%run_scoped3A_847 : memref<!tpu.dma_semaphore, #tpu.memory_space<semaphore_mem>>)
      %dma_wait3A_852 = arith.constant 0 : i32
      %dma_wait3A_853 = tpu.memref_slice %arg11[%add3A_633, %dma_wait3A_852] : memref<10240x128xf32, #tpu.memory_space<vmem_shared>> -> memref<16x128xf32, #tpu.memory_space<vmem_shared>>
      %dma_wait3A_854 = arith.constant 0 : i32
      %dma_wait3A_855 = tpu.memref_slice %arg11[%add3A_633, %dma_wait3A_854] : memref<10240x128xf32, #tpu.memory_space<vmem_shared>> -> memref<16x128xf32, #tpu.memory_space<vmem_shared>>
      tpu.wait_dma2 semaphore(%run_scoped3A_847 : memref<!tpu.dma_semaphore, #tpu.memory_space<semaphore_mem>>) src(%arg10 : memref<16x128xf32, #tpu.memory_space<vmem>>) dst(%dma_wait3A_855 : memref<16x128xf32, #tpu.memory_space<vmem_shared>>)
      tpu.yield
    }) : () -> ()
    %add3A_634 = arith.constant 608 : i32
    %add3A_635 = arith.addi %mul3A_557, %add3A_634 : i32
    "tpu.region"() ({
      %run_scoped3A_847 = tpu.sem_alloc : memref<!tpu.dma_semaphore, #tpu.memory_space<semaphore_mem>>
      %dma_start3A_848 = arith.constant 0 : i32
      %dma_start3A_849 = tpu.memref_slice %arg11[%add3A_635, %dma_start3A_848] : memref<10240x128xf32, #tpu.memory_space<vmem_shared>> -> memref<16x128xf32, #tpu.memory_space<vmem_shared>>
      %dma_start3A_850 = arith.constant 0 : i32
      %dma_start3A_851 = tpu.memref_slice %arg11[%add3A_635, %dma_start3A_850] : memref<10240x128xf32, #tpu.memory_space<vmem_shared>> -> memref<16x128xf32, #tpu.memory_space<vmem_shared>>
      tpu.enqueue_dma source(%arg10 : memref<16x128xf32, #tpu.memory_space<vmem>>) target(%dma_start3A_851 : memref<16x128xf32, #tpu.memory_space<vmem_shared>>) target_semaphore(%run_scoped3A_847 : memref<!tpu.dma_semaphore, #tpu.memory_space<semaphore_mem>>)
      %dma_wait3A_852 = arith.constant 0 : i32
      %dma_wait3A_853 = tpu.memref_slice %arg11[%add3A_635, %dma_wait3A_852] : memref<10240x128xf32, #tpu.memory_space<vmem_shared>> -> memref<16x128xf32, #tpu.memory_space<vmem_shared>>
      %dma_wait3A_854 = arith.constant 0 : i32
      %dma_wait3A_855 = tpu.memref_slice %arg11[%add3A_635, %dma_wait3A_854] : memref<10240x128xf32, #tpu.memory_space<vmem_shared>> -> memref<16x128xf32, #tpu.memory_space<vmem_shared>>
      tpu.wait_dma2 semaphore(%run_scoped3A_847 : memref<!tpu.dma_semaphore, #tpu.memory_space<semaphore_mem>>) src(%arg10 : memref<16x128xf32, #tpu.memory_space<vmem>>) dst(%dma_wait3A_855 : memref<16x128xf32, #tpu.memory_space<vmem_shared>>)
      tpu.yield
    }) : () -> ()
    %add3A_636 = arith.constant 624 : i32
    %add3A_637 = arith.addi %mul3A_557, %add3A_636 : i32
    "tpu.region"() ({
      %run_scoped3A_847 = tpu.sem_alloc : memref<!tpu.dma_semaphore, #tpu.memory_space<semaphore_mem>>
      %dma_start3A_848 = arith.constant 0 : i32
      %dma_start3A_849 = tpu.memref_slice %arg11[%add3A_637, %dma_start3A_848] : memref<10240x128xf32, #tpu.memory_space<vmem_shared>> -> memref<16x128xf32, #tpu.memory_space<vmem_shared>>
      %dma_start3A_850 = arith.constant 0 : i32
      %dma_start3A_851 = tpu.memref_slice %arg11[%add3A_637, %dma_start3A_850] : memref<10240x128xf32, #tpu.memory_space<vmem_shared>> -> memref<16x128xf32, #tpu.memory_space<vmem_shared>>
      tpu.enqueue_dma source(%arg10 : memref<16x128xf32, #tpu.memory_space<vmem>>) target(%dma_start3A_851 : memref<16x128xf32, #tpu.memory_space<vmem_shared>>) target_semaphore(%run_scoped3A_847 : memref<!tpu.dma_semaphore, #tpu.memory_space<semaphore_mem>>)
      %dma_wait3A_852 = arith.constant 0 : i32
      %dma_wait3A_853 = tpu.memref_slice %arg11[%add3A_637, %dma_wait3A_852] : memref<10240x128xf32, #tpu.memory_space<vmem_shared>> -> memref<16x128xf32, #tpu.memory_space<vmem_shared>>
      %dma_wait3A_854 = arith.constant 0 : i32
      %dma_wait3A_855 = tpu.memref_slice %arg11[%add3A_637, %dma_wait3A_854] : memref<10240x128xf32, #tpu.memory_space<vmem_shared>> -> memref<16x128xf32, #tpu.memory_space<vmem_shared>>
      tpu.wait_dma2 semaphore(%run_scoped3A_847 : memref<!tpu.dma_semaphore, #tpu.memory_space<semaphore_mem>>) src(%arg10 : memref<16x128xf32, #tpu.memory_space<vmem>>) dst(%dma_wait3A_855 : memref<16x128xf32, #tpu.memory_space<vmem_shared>>)
      tpu.yield
    }) : () -> ()
    %barrier3A = arith.constant 0 : index
    tpu.barrier barrier_id(%barrier3A)
    %scan3A = arith.constant 0 : i32
    %scan3A_638 = arith.constant 0 : i32
    %scan3A_639 = arith.constant 19 : i32
    %scan3A_640 = arith.addi %scan3A_638, %scan3A_639 : i32
    %scan3A_641 = arith.constant 1 : i32
    scf.for %scan3A_847 = %scan3A_638 to %scan3A_640 step %scan3A_641  : i32 {
      %mul3A_848 = arith.constant 2 : i32
      %mul3A_849 = arith.muli %scan3A_847, %mul3A_848 : i32
      %dma_wait3A_850 = arith.constant 0 : i32
      %dma_wait3A_851 = arith.constant 0 : i32
      %dma_wait3A_852 = tpu.memref_slice %arg6[%dma_wait3A_850, %dma_wait3A_851] : memref<40x128xi32, #tpu.memory_space<vmem>> -> memref<1x128xi32, #tpu.memory_space<vmem>>
      %dma_wait3A_853 = tpu.memref_squeeze %dma_wait3A_852 : memref<1x128xi32, #tpu.memory_space<vmem>> -> memref<128xi32, #tpu.memory_space<vmem>>
      %dma_wait3A_854 = arith.constant 0 : i32
      %dma_wait3A_855 = arith.constant 0 : i32
      %dma_wait3A_856 = tpu.memref_slice %arg2[%dma_wait3A_854, %dma_wait3A_855] : memref<10000x128xf32, #tpu.memory_space<hbm>> -> memref<10000x128xf32, #tpu.memory_space<hbm>>
      tpu.wait_indirect_dma semaphore(%arg12 : memref<!tpu.dma_semaphore, #tpu.memory_space<semaphore_mem>>) src(%dma_wait3A_856 : memref<10000x128xf32, #tpu.memory_space<hbm>>) dst(%arg8 : memref<128x128xf32, #tpu.memory_space<vmem>>)
      "tpu.region"() ({
        %run_scoped3A_906 = tpu.sem_alloc : memref<!tpu.dma_semaphore, #tpu.memory_space<semaphore_mem>>
        %dma_start3A_907 = arith.constant 0 : i32
        %dma_start3A_908 = tpu.memref_slice %arg7[%mul3A_849, %dma_start3A_907] : memref<40x128xi32, #tpu.memory_space<vmem>> -> memref<1x128xi32, #tpu.memory_space<vmem>>
        %dma_start3A_909 = tpu.memref_squeeze %dma_start3A_908 : memref<1x128xi32, #tpu.memory_space<vmem>> -> memref<128xi32, #tpu.memory_space<vmem>>
        %dma_start3A_910 = arith.constant 0 : i32
        %dma_start3A_911 = arith.constant 0 : i32
        %dma_start3A_912 = tpu.memref_slice %arg11[%dma_start3A_910, %dma_start3A_911] : memref<10240x128xf32, #tpu.memory_space<vmem_shared>> -> memref<10240x128xf32, #tpu.memory_space<vmem_shared>>
        tpu.enqueue_indirect_dma source(%arg8 : memref<128x128xf32, #tpu.memory_space<vmem>>) target(%dma_start3A_912 : memref<10240x128xf32, #tpu.memory_space<vmem_shared>>) offsets(%dma_start3A_909 : memref<128xi32, #tpu.memory_space<vmem>>) semaphore(%run_scoped3A_906 : memref<!tpu.dma_semaphore, #tpu.memory_space<semaphore_mem>>) {add = true}
        %dma_wait3A_913 = arith.constant 0 : i32
        %dma_wait3A_914 = tpu.memref_slice %arg7[%mul3A_849, %dma_wait3A_913] : memref<40x128xi32, #tpu.memory_space<vmem>> -> memref<1x128xi32, #tpu.memory_space<vmem>>
        %dma_wait3A_915 = tpu.memref_squeeze %dma_wait3A_914 : memref<1x128xi32, #tpu.memory_space<vmem>> -> memref<128xi32, #tpu.memory_space<vmem>>
        %dma_wait3A_916 = arith.constant 0 : i32
        %dma_wait3A_917 = arith.constant 0 : i32
        %dma_wait3A_918 = tpu.memref_slice %arg11[%dma_wait3A_916, %dma_wait3A_917] : memref<10240x128xf32, #tpu.memory_space<vmem_shared>> -> memref<10240x128xf32, #tpu.memory_space<vmem_shared>>
        tpu.wait_indirect_dma semaphore(%run_scoped3A_906 : memref<!tpu.dma_semaphore, #tpu.memory_space<semaphore_mem>>) src(%arg8 : memref<128x128xf32, #tpu.memory_space<vmem>>) dst(%dma_wait3A_918 : memref<10240x128xf32, #tpu.memory_space<vmem_shared>>)
        tpu.yield
      }) : () -> ()
      %add3A_857 = arith.constant 2 : i32
      %add3A_858 = arith.addi %mul3A_849, %add3A_857 : i32
      %dma_start3A_859 = arith.constant 0 : i32
      %dma_start3A_860 = arith.constant 0 : i32
      %dma_start3A_861 = tpu.memref_slice %arg8[%dma_start3A_859, %dma_start3A_860] : memref<128x128xf32, #tpu.memory_space<vmem>> -> memref<64x128xf32, #tpu.memory_space<vmem>>
      %dma_start3A_862 = arith.constant 0 : i32
      %dma_start3A_863 = tpu.memref_slice %arg6[%add3A_858, %dma_start3A_862] : memref<40x128xi32, #tpu.memory_space<vmem>> -> memref<1x64xi32, #tpu.memory_space<vmem>>
      %dma_start3A_864 = tpu.memref_squeeze %dma_start3A_863 : memref<1x64xi32, #tpu.memory_space<vmem>> -> memref<64xi32, #tpu.memory_space<vmem>>
      %dma_start3A_865 = arith.constant 0 : i32
      %dma_start3A_866 = arith.constant 0 : i32
      %dma_start3A_867 = tpu.memref_slice %arg2[%dma_start3A_865, %dma_start3A_866] : memref<10000x128xf32, #tpu.memory_space<hbm>> -> memref<10000x128xf32, #tpu.memory_space<hbm>>
      tpu.enqueue_indirect_dma source(%dma_start3A_867 : memref<10000x128xf32, #tpu.memory_space<hbm>>) target(%dma_start3A_861 : memref<64x128xf32, #tpu.memory_space<vmem>>) offsets(%dma_start3A_864 : memref<64xi32, #tpu.memory_space<vmem>>) semaphore(%arg12 : memref<!tpu.dma_semaphore, #tpu.memory_space<semaphore_mem>>)
      %dma_start3A_868 = arith.constant 64 : i32
      %dma_start3A_869 = arith.constant 0 : i32
      %dma_start3A_870 = tpu.memref_slice %arg8[%dma_start3A_868, %dma_start3A_869] : memref<128x128xf32, #tpu.memory_space<vmem>> -> memref<64x128xf32, #tpu.memory_space<vmem>>
      %dma_start3A_871 = arith.constant 64 : i32
      %dma_start3A_872 = tpu.memref_slice %arg6[%add3A_858, %dma_start3A_871] : memref<40x128xi32, #tpu.memory_space<vmem>> -> memref<1x64xi32, #tpu.memory_space<vmem>>
      %dma_start3A_873 = tpu.memref_squeeze %dma_start3A_872 : memref<1x64xi32, #tpu.memory_space<vmem>> -> memref<64xi32, #tpu.memory_space<vmem>>
      %dma_start3A_874 = arith.constant 0 : i32
      %dma_start3A_875 = arith.constant 0 : i32
      %dma_start3A_876 = tpu.memref_slice %arg2[%dma_start3A_874, %dma_start3A_875] : memref<10000x128xf32, #tpu.memory_space<hbm>> -> memref<10000x128xf32, #tpu.memory_space<hbm>>
      tpu.enqueue_indirect_dma source(%dma_start3A_876 : memref<10000x128xf32, #tpu.memory_space<hbm>>) target(%dma_start3A_870 : memref<64x128xf32, #tpu.memory_space<vmem>>) offsets(%dma_start3A_873 : memref<64xi32, #tpu.memory_space<vmem>>) semaphore(%arg12 : memref<!tpu.dma_semaphore, #tpu.memory_space<semaphore_mem>>)
      %dma_wait3A_877 = arith.constant 0 : i32
      %dma_wait3A_878 = arith.constant 0 : i32
      %dma_wait3A_879 = tpu.memref_slice %arg6[%dma_wait3A_877, %dma_wait3A_878] : memref<40x128xi32, #tpu.memory_space<vmem>> -> memref<1x128xi32, #tpu.memory_space<vmem>>
      %dma_wait3A_880 = tpu.memref_squeeze %dma_wait3A_879 : memref<1x128xi32, #tpu.memory_space<vmem>> -> memref<128xi32, #tpu.memory_space<vmem>>
      %dma_wait3A_881 = arith.constant 0 : i32
      %dma_wait3A_882 = arith.constant 0 : i32
      %dma_wait3A_883 = tpu.memref_slice %arg2[%dma_wait3A_881, %dma_wait3A_882] : memref<10000x128xf32, #tpu.memory_space<hbm>> -> memref<10000x128xf32, #tpu.memory_space<hbm>>
      tpu.wait_indirect_dma semaphore(%arg13 : memref<!tpu.dma_semaphore, #tpu.memory_space<semaphore_mem>>) src(%dma_wait3A_883 : memref<10000x128xf32, #tpu.memory_space<hbm>>) dst(%arg9 : memref<128x128xf32, #tpu.memory_space<vmem>>)
      %add3A_884 = arith.constant 1 : i32
      %add3A_885 = arith.addi %mul3A_849, %add3A_884 : i32
      "tpu.region"() ({
        %run_scoped3A_906 = tpu.sem_alloc : memref<!tpu.dma_semaphore, #tpu.memory_space<semaphore_mem>>
        %dma_start3A_907 = arith.constant 0 : i32
        %dma_start3A_908 = tpu.memref_slice %arg7[%add3A_885, %dma_start3A_907] : memref<40x128xi32, #tpu.memory_space<vmem>> -> memref<1x128xi32, #tpu.memory_space<vmem>>
        %dma_start3A_909 = tpu.memref_squeeze %dma_start3A_908 : memref<1x128xi32, #tpu.memory_space<vmem>> -> memref<128xi32, #tpu.memory_space<vmem>>
        %dma_start3A_910 = arith.constant 0 : i32
        %dma_start3A_911 = arith.constant 0 : i32
        %dma_start3A_912 = tpu.memref_slice %arg11[%dma_start3A_910, %dma_start3A_911] : memref<10240x128xf32, #tpu.memory_space<vmem_shared>> -> memref<10240x128xf32, #tpu.memory_space<vmem_shared>>
        tpu.enqueue_indirect_dma source(%arg9 : memref<128x128xf32, #tpu.memory_space<vmem>>) target(%dma_start3A_912 : memref<10240x128xf32, #tpu.memory_space<vmem_shared>>) offsets(%dma_start3A_909 : memref<128xi32, #tpu.memory_space<vmem>>) semaphore(%run_scoped3A_906 : memref<!tpu.dma_semaphore, #tpu.memory_space<semaphore_mem>>) {add = true}
        %dma_wait3A_913 = arith.constant 0 : i32
        %dma_wait3A_914 = tpu.memref_slice %arg7[%add3A_885, %dma_wait3A_913] : memref<40x128xi32, #tpu.memory_space<vmem>> -> memref<1x128xi32, #tpu.memory_space<vmem>>
        %dma_wait3A_915 = tpu.memref_squeeze %dma_wait3A_914 : memref<1x128xi32, #tpu.memory_space<vmem>> -> memref<128xi32, #tpu.memory_space<vmem>>
        %dma_wait3A_916 = arith.constant 0 : i32
        %dma_wait3A_917 = arith.constant 0 : i32
        %dma_wait3A_918 = tpu.memref_slice %arg11[%dma_wait3A_916, %dma_wait3A_917] : memref<10240x128xf32, #tpu.memory_space<vmem_shared>> -> memref<10240x128xf32, #tpu.memory_space<vmem_shared>>
        tpu.wait_indirect_dma semaphore(%run_scoped3A_906 : memref<!tpu.dma_semaphore, #tpu.memory_space<semaphore_mem>>) src(%arg9 : memref<128x128xf32, #tpu.memory_space<vmem>>) dst(%dma_wait3A_918 : memref<10240x128xf32, #tpu.memory_space<vmem_shared>>)
        tpu.yield
      }) : () -> ()
      %add3A_886 = arith.constant 3 : i32
      %add3A_887 = arith.addi %mul3A_849, %add3A_886 : i32
      %dma_start3A_888 = arith.constant 0 : i32
      %dma_start3A_889 = arith.constant 0 : i32
      %dma_start3A_890 = tpu.memref_slice %arg9[%dma_start3A_888, %dma_start3A_889] : memref<128x128xf32, #tpu.memory_space<vmem>> -> memref<64x128xf32, #tpu.memory_space<vmem>>
      %dma_start3A_891 = arith.constant 0 : i32
      %dma_start3A_892 = tpu.memref_slice %arg6[%add3A_887, %dma_start3A_891] : memref<40x128xi32, #tpu.memory_space<vmem>> -> memref<1x64xi32, #tpu.memory_space<vmem>>
      %dma_start3A_893 = tpu.memref_squeeze %dma_start3A_892 : memref<1x64xi32, #tpu.memory_space<vmem>> -> memref<64xi32, #tpu.memory_space<vmem>>
      %dma_start3A_894 = arith.constant 0 : i32
      %dma_start3A_895 = arith.constant 0 : i32
      %dma_start3A_896 = tpu.memref_slice %arg2[%dma_start3A_894, %dma_start3A_895] : memref<10000x128xf32, #tpu.memory_space<hbm>> -> memref<10000x128xf32, #tpu.memory_space<hbm>>
      tpu.enqueue_indirect_dma source(%dma_start3A_896 : memref<10000x128xf32, #tpu.memory_space<hbm>>) target(%dma_start3A_890 : memref<64x128xf32, #tpu.memory_space<vmem>>) offsets(%dma_start3A_893 : memref<64xi32, #tpu.memory_space<vmem>>) semaphore(%arg13 : memref<!tpu.dma_semaphore, #tpu.memory_space<semaphore_mem>>)
      %dma_start3A_897 = arith.constant 64 : i32
      %dma_start3A_898 = arith.constant 0 : i32
      %dma_start3A_899 = tpu.memref_slice %arg9[%dma_start3A_897, %dma_start3A_898] : memref<128x128xf32, #tpu.memory_space<vmem>> -> memref<64x128xf32, #tpu.memory_space<vmem>>
      %dma_start3A_900 = arith.constant 64 : i32
      %dma_start3A_901 = tpu.memref_slice %arg6[%add3A_887, %dma_start3A_900] : memref<40x128xi32, #tpu.memory_space<vmem>> -> memref<1x64xi32, #tpu.memory_space<vmem>>
      %dma_start3A_902 = tpu.memref_squeeze %dma_start3A_901 : memref<1x64xi32, #tpu.memory_space<vmem>> -> memref<64xi32, #tpu.memory_space<vmem>>
      %dma_start3A_903 = arith.constant 0 : i32
      %dma_start3A_904 = arith.constant 0 : i32
      %dma_start3A_905 = tpu.memref_slice %arg2[%dma_start3A_903, %dma_start3A_904] : memref<10000x128xf32, #tpu.memory_space<hbm>> -> memref<10000x128xf32, #tpu.memory_space<hbm>>
      tpu.enqueue_indirect_dma source(%dma_start3A_905 : memref<10000x128xf32, #tpu.memory_space<hbm>>) target(%dma_start3A_899 : memref<64x128xf32, #tpu.memory_space<vmem>>) offsets(%dma_start3A_902 : memref<64xi32, #tpu.memory_space<vmem>>) semaphore(%arg13 : memref<!tpu.dma_semaphore, #tpu.memory_space<semaphore_mem>>)
    }
    %scan3A_642 = arith.constant 19 : i32
    %dma_wait3A = arith.constant 0 : i32
    %dma_wait3A_643 = arith.constant 0 : i32
    %dma_wait3A_644 = tpu.memref_slice %arg6[%dma_wait3A, %dma_wait3A_643] : memref<40x128xi32, #tpu.memory_space<vmem>> -> memref<1x128xi32, #tpu.memory_space<vmem>>
    %dma_wait3A_645 = tpu.memref_squeeze %dma_wait3A_644 : memref<1x128xi32, #tpu.memory_space<vmem>> -> memref<128xi32, #tpu.memory_space<vmem>>
    %dma_wait3A_646 = arith.constant 0 : i32
    %dma_wait3A_647 = arith.constant 0 : i32
    %dma_wait3A_648 = tpu.memref_slice %arg2[%dma_wait3A_646, %dma_wait3A_647] : memref<10000x128xf32, #tpu.memory_space<hbm>> -> memref<10000x128xf32, #tpu.memory_space<hbm>>
    tpu.wait_indirect_dma semaphore(%arg12 : memref<!tpu.dma_semaphore, #tpu.memory_space<semaphore_mem>>) src(%dma_wait3A_648 : memref<10000x128xf32, #tpu.memory_space<hbm>>) dst(%arg8 : memref<128x128xf32, #tpu.memory_space<vmem>>)
    %run_scoped3A = arith.constant 38 : i32
    "tpu.region"() ({
      %run_scoped3A_847 = tpu.sem_alloc : memref<!tpu.dma_semaphore, #tpu.memory_space<semaphore_mem>>
      %dma_start3A_848 = arith.constant 0 : i32
      %dma_start3A_849 = tpu.memref_slice %arg7[%run_scoped3A, %dma_start3A_848] : memref<40x128xi32, #tpu.memory_space<vmem>> -> memref<1x128xi32, #tpu.memory_space<vmem>>
      %dma_start3A_850 = tpu.memref_squeeze %dma_start3A_849 : memref<1x128xi32, #tpu.memory_space<vmem>> -> memref<128xi32, #tpu.memory_space<vmem>>
      %dma_start3A_851 = arith.constant 0 : i32
      %dma_start3A_852 = arith.constant 0 : i32
      %dma_start3A_853 = tpu.memref_slice %arg11[%dma_start3A_851, %dma_start3A_852] : memref<10240x128xf32, #tpu.memory_space<vmem_shared>> -> memref<10240x128xf32, #tpu.memory_space<vmem_shared>>
      tpu.enqueue_indirect_dma source(%arg8 : memref<128x128xf32, #tpu.memory_space<vmem>>) target(%dma_start3A_853 : memref<10240x128xf32, #tpu.memory_space<vmem_shared>>) offsets(%dma_start3A_850 : memref<128xi32, #tpu.memory_space<vmem>>) semaphore(%run_scoped3A_847 : memref<!tpu.dma_semaphore, #tpu.memory_space<semaphore_mem>>) {add = true}
      %dma_wait3A_854 = arith.constant 0 : i32
      %dma_wait3A_855 = tpu.memref_slice %arg7[%run_scoped3A, %dma_wait3A_854] : memref<40x128xi32, #tpu.memory_space<vmem>> -> memref<1x128xi32, #tpu.memory_space<vmem>>
      %dma_wait3A_856 = tpu.memref_squeeze %dma_wait3A_855 : memref<1x128xi32, #tpu.memory_space<vmem>> -> memref<128xi32, #tpu.memory_space<vmem>>
      %dma_wait3A_857 = arith.constant 0 : i32
      %dma_wait3A_858 = arith.constant 0 : i32
      %dma_wait3A_859 = tpu.memref_slice %arg11[%dma_wait3A_857, %dma_wait3A_858] : memref<10240x128xf32, #tpu.memory_space<vmem_shared>> -> memref<10240x128xf32, #tpu.memory_space<vmem_shared>>
      tpu.wait_indirect_dma semaphore(%run_scoped3A_847 : memref<!tpu.dma_semaphore, #tpu.memory_space<semaphore_mem>>) src(%arg8 : memref<128x128xf32, #tpu.memory_space<vmem>>) dst(%dma_wait3A_859 : memref<10240x128xf32, #tpu.memory_space<vmem_shared>>)
      tpu.yield
    }) : () -> ()
    %dma_wait3A_649 = arith.constant 0 : i32
    %dma_wait3A_650 = arith.constant 0 : i32
    %dma_wait3A_651 = tpu.memref_slice %arg6[%dma_wait3A_649, %dma_wait3A_650] : memref<40x128xi32, #tpu.memory_space<vmem>> -> memref<1x128xi32, #tpu.memory_space<vmem>>
    %dma_wait3A_652 = tpu.memref_squeeze %dma_wait3A_651 : memref<1x128xi32, #tpu.memory_space<vmem>> -> memref<128xi32, #tpu.memory_space<vmem>>
    %dma_wait3A_653 = arith.constant 0 : i32
    %dma_wait3A_654 = arith.constant 0 : i32
    %dma_wait3A_655 = tpu.memref_slice %arg2[%dma_wait3A_653, %dma_wait3A_654] : memref<10000x128xf32, #tpu.memory_space<hbm>> -> memref<10000x128xf32, #tpu.memory_space<hbm>>
    tpu.wait_indirect_dma semaphore(%arg13 : memref<!tpu.dma_semaphore, #tpu.memory_space<semaphore_mem>>) src(%dma_wait3A_655 : memref<10000x128xf32, #tpu.memory_space<hbm>>) dst(%arg9 : memref<128x128xf32, #tpu.memory_space<vmem>>)
    %run_scoped3A_656 = arith.constant 39 : i32
    "tpu.region"() ({
      %run_scoped3A_847 = tpu.sem_alloc : memref<!tpu.dma_semaphore, #tpu.memory_space<semaphore_mem>>
      %dma_start3A_848 = arith.constant 0 : i32
      %dma_start3A_849 = tpu.memref_slice %arg7[%run_scoped3A_656, %dma_start3A_848] : memref<40x128xi32, #tpu.memory_space<vmem>> -> memref<1x128xi32, #tpu.memory_space<vmem>>
      %dma_start3A_850 = tpu.memref_squeeze %dma_start3A_849 : memref<1x128xi32, #tpu.memory_space<vmem>> -> memref<128xi32, #tpu.memory_space<vmem>>
      %dma_start3A_851 = arith.constant 0 : i32
      %dma_start3A_852 = arith.constant 0 : i32
      %dma_start3A_853 = tpu.memref_slice %arg11[%dma_start3A_851, %dma_start3A_852] : memref<10240x128xf32, #tpu.memory_space<vmem_shared>> -> memref<10240x128xf32, #tpu.memory_space<vmem_shared>>
      tpu.enqueue_indirect_dma source(%arg9 : memref<128x128xf32, #tpu.memory_space<vmem>>) target(%dma_start3A_853 : memref<10240x128xf32, #tpu.memory_space<vmem_shared>>) offsets(%dma_start3A_850 : memref<128xi32, #tpu.memory_space<vmem>>) semaphore(%run_scoped3A_847 : memref<!tpu.dma_semaphore, #tpu.memory_space<semaphore_mem>>) {add = true}
      %dma_wait3A_854 = arith.constant 0 : i32
      %dma_wait3A_855 = tpu.memref_slice %arg7[%run_scoped3A_656, %dma_wait3A_854] : memref<40x128xi32, #tpu.memory_space<vmem>> -> memref<1x128xi32, #tpu.memory_space<vmem>>
      %dma_wait3A_856 = tpu.memref_squeeze %dma_wait3A_855 : memref<1x128xi32, #tpu.memory_space<vmem>> -> memref<128xi32, #tpu.memory_space<vmem>>
      %dma_wait3A_857 = arith.constant 0 : i32
      %dma_wait3A_858 = arith.constant 0 : i32
      %dma_wait3A_859 = tpu.memref_slice %arg11[%dma_wait3A_857, %dma_wait3A_858] : memref<10240x128xf32, #tpu.memory_space<vmem_shared>> -> memref<10240x128xf32, #tpu.memory_space<vmem_shared>>
      tpu.wait_indirect_dma semaphore(%run_scoped3A_847 : memref<!tpu.dma_semaphore, #tpu.memory_space<semaphore_mem>>) src(%arg9 : memref<128x128xf32, #tpu.memory_space<vmem>>) dst(%dma_wait3A_859 : memref<10240x128xf32, #tpu.memory_space<vmem_shared>>)
      tpu.yield
    }) : () -> ()
    %add3A_657 = arith.constant 40 : i32
    %add3A_658 = arith.addi %multiple_of3A, %add3A_657 : i32
    "tpu.region"() ({
      %run_scoped3A_847 = tpu.sem_alloc : memref<!tpu.dma_semaphore, #tpu.memory_space<semaphore_mem>>
      %dma_start3A_848 = arith.constant 0 : i32
      %dma_start3A_849 = tpu.memref_slice %arg3[%add3A_658, %dma_start3A_848] : memref<2560x128xi32, #tpu.memory_space<hbm>> -> memref<40x128xi32, #tpu.memory_space<hbm>>
      %dma_start3A_850 = arith.constant 0 : i32
      %dma_start3A_851 = tpu.memref_slice %arg3[%add3A_658, %dma_start3A_850] : memref<2560x128xi32, #tpu.memory_space<hbm>> -> memref<40x128xi32, #tpu.memory_space<hbm>>
      tpu.enqueue_dma source(%dma_start3A_851 : memref<40x128xi32, #tpu.memory_space<hbm>>) target(%arg6 : memref<40x128xi32, #tpu.memory_space<vmem>>) target_semaphore(%run_scoped3A_847 : memref<!tpu.dma_semaphore, #tpu.memory_space<semaphore_mem>>)
      %dma_wait3A_852 = arith.constant 0 : i32
      %dma_wait3A_853 = tpu.memref_slice %arg3[%add3A_658, %dma_wait3A_852] : memref<2560x128xi32, #tpu.memory_space<hbm>> -> memref<40x128xi32, #tpu.memory_space<hbm>>
      %dma_wait3A_854 = arith.constant 0 : i32
      %dma_wait3A_855 = tpu.memref_slice %arg3[%add3A_658, %dma_wait3A_854] : memref<2560x128xi32, #tpu.memory_space<hbm>> -> memref<40x128xi32, #tpu.memory_space<hbm>>
      tpu.wait_dma2 semaphore(%run_scoped3A_847 : memref<!tpu.dma_semaphore, #tpu.memory_space<semaphore_mem>>) src(%dma_wait3A_855 : memref<40x128xi32, #tpu.memory_space<hbm>>) dst(%arg6 : memref<40x128xi32, #tpu.memory_space<vmem>>)
      tpu.yield
    }) : () -> ()
    "tpu.region"() ({
      %run_scoped3A_847 = tpu.sem_alloc : memref<!tpu.dma_semaphore, #tpu.memory_space<semaphore_mem>>
      %dma_start3A_848 = arith.constant 0 : i32
      %dma_start3A_849 = tpu.memref_slice %arg4[%add3A_658, %dma_start3A_848] : memref<2560x128xi32, #tpu.memory_space<hbm>> -> memref<40x128xi32, #tpu.memory_space<hbm>>
      %dma_start3A_850 = arith.constant 0 : i32
      %dma_start3A_851 = tpu.memref_slice %arg4[%add3A_658, %dma_start3A_850] : memref<2560x128xi32, #tpu.memory_space<hbm>> -> memref<40x128xi32, #tpu.memory_space<hbm>>
      tpu.enqueue_dma source(%dma_start3A_851 : memref<40x128xi32, #tpu.memory_space<hbm>>) target(%arg7 : memref<40x128xi32, #tpu.memory_space<vmem>>) target_semaphore(%run_scoped3A_847 : memref<!tpu.dma_semaphore, #tpu.memory_space<semaphore_mem>>)
      %dma_wait3A_852 = arith.constant 0 : i32
      %dma_wait3A_853 = tpu.memref_slice %arg4[%add3A_658, %dma_wait3A_852] : memref<2560x128xi32, #tpu.memory_space<hbm>> -> memref<40x128xi32, #tpu.memory_space<hbm>>
      %dma_wait3A_854 = arith.constant 0 : i32
      %dma_wait3A_855 = tpu.memref_slice %arg4[%add3A_658, %dma_wait3A_854] : memref<2560x128xi32, #tpu.memory_space<hbm>> -> memref<40x128xi32, #tpu.memory_space<hbm>>
      tpu.wait_dma2 semaphore(%run_scoped3A_847 : memref<!tpu.dma_semaphore, #tpu.memory_space<semaphore_mem>>) src(%dma_wait3A_855 : memref<40x128xi32, #tpu.memory_space<hbm>>) dst(%arg7 : memref<40x128xi32, #tpu.memory_space<vmem>>)
      tpu.yield
    }) : () -> ()
    %dma_start3A_659 = arith.constant 0 : i32
    %dma_start3A_660 = arith.constant 0 : i32
    %dma_start3A_661 = arith.constant 0 : i32
    %dma_start3A_662 = tpu.memref_slice %arg8[%dma_start3A_660, %dma_start3A_661] : memref<128x128xf32, #tpu.memory_space<vmem>> -> memref<64x128xf32, #tpu.memory_space<vmem>>
    %dma_start3A_663 = arith.constant 0 : i32
    %dma_start3A_664 = tpu.memref_slice %arg6[%dma_start3A_659, %dma_start3A_663] : memref<40x128xi32, #tpu.memory_space<vmem>> -> memref<1x64xi32, #tpu.memory_space<vmem>>
    %dma_start3A_665 = tpu.memref_squeeze %dma_start3A_664 : memref<1x64xi32, #tpu.memory_space<vmem>> -> memref<64xi32, #tpu.memory_space<vmem>>
    %dma_start3A_666 = arith.constant 0 : i32
    %dma_start3A_667 = arith.constant 0 : i32
    %dma_start3A_668 = tpu.memref_slice %arg2[%dma_start3A_666, %dma_start3A_667] : memref<10000x128xf32, #tpu.memory_space<hbm>> -> memref<10000x128xf32, #tpu.memory_space<hbm>>
    tpu.enqueue_indirect_dma source(%dma_start3A_668 : memref<10000x128xf32, #tpu.memory_space<hbm>>) target(%dma_start3A_662 : memref<64x128xf32, #tpu.memory_space<vmem>>) offsets(%dma_start3A_665 : memref<64xi32, #tpu.memory_space<vmem>>) semaphore(%arg12 : memref<!tpu.dma_semaphore, #tpu.memory_space<semaphore_mem>>)
    %dma_start3A_669 = arith.constant 0 : i32
    %dma_start3A_670 = arith.constant 64 : i32
    %dma_start3A_671 = arith.constant 0 : i32
    %dma_start3A_672 = tpu.memref_slice %arg8[%dma_start3A_670, %dma_start3A_671] : memref<128x128xf32, #tpu.memory_space<vmem>> -> memref<64x128xf32, #tpu.memory_space<vmem>>
    %dma_start3A_673 = arith.constant 64 : i32
    %dma_start3A_674 = tpu.memref_slice %arg6[%dma_start3A_669, %dma_start3A_673] : memref<40x128xi32, #tpu.memory_space<vmem>> -> memref<1x64xi32, #tpu.memory_space<vmem>>
    %dma_start3A_675 = tpu.memref_squeeze %dma_start3A_674 : memref<1x64xi32, #tpu.memory_space<vmem>> -> memref<64xi32, #tpu.memory_space<vmem>>
    %dma_start3A_676 = arith.constant 0 : i32
    %dma_start3A_677 = arith.constant 0 : i32
    %dma_start3A_678 = tpu.memref_slice %arg2[%dma_start3A_676, %dma_start3A_677] : memref<10000x128xf32, #tpu.memory_space<hbm>> -> memref<10000x128xf32, #tpu.memory_space<hbm>>
    tpu.enqueue_indirect_dma source(%dma_start3A_678 : memref<10000x128xf32, #tpu.memory_space<hbm>>) target(%dma_start3A_672 : memref<64x128xf32, #tpu.memory_space<vmem>>) offsets(%dma_start3A_675 : memref<64xi32, #tpu.memory_space<vmem>>) semaphore(%arg12 : memref<!tpu.dma_semaphore, #tpu.memory_space<semaphore_mem>>)
    %dma_start3A_679 = arith.constant 1 : i32
    %dma_start3A_680 = arith.constant 0 : i32
    %dma_start3A_681 = arith.constant 0 : i32
    %dma_start3A_682 = tpu.memref_slice %arg9[%dma_start3A_680, %dma_start3A_681] : memref<128x128xf32, #tpu.memory_space<vmem>> -> memref<64x128xf32, #tpu.memory_space<vmem>>
    %dma_start3A_683 = arith.constant 0 : i32
    %dma_start3A_684 = tpu.memref_slice %arg6[%dma_start3A_679, %dma_start3A_683] : memref<40x128xi32, #tpu.memory_space<vmem>> -> memref<1x64xi32, #tpu.memory_space<vmem>>
    %dma_start3A_685 = tpu.memref_squeeze %dma_start3A_684 : memref<1x64xi32, #tpu.memory_space<vmem>> -> memref<64xi32, #tpu.memory_space<vmem>>
    %dma_start3A_686 = arith.constant 0 : i32
    %dma_start3A_687 = arith.constant 0 : i32
    %dma_start3A_688 = tpu.memref_slice %arg2[%dma_start3A_686, %dma_start3A_687] : memref<10000x128xf32, #tpu.memory_space<hbm>> -> memref<10000x128xf32, #tpu.memory_space<hbm>>
    tpu.enqueue_indirect_dma source(%dma_start3A_688 : memref<10000x128xf32, #tpu.memory_space<hbm>>) target(%dma_start3A_682 : memref<64x128xf32, #tpu.memory_space<vmem>>) offsets(%dma_start3A_685 : memref<64xi32, #tpu.memory_space<vmem>>) semaphore(%arg13 : memref<!tpu.dma_semaphore, #tpu.memory_space<semaphore_mem>>)
    %dma_start3A_689 = arith.constant 1 : i32
    %dma_start3A_690 = arith.constant 64 : i32
    %dma_start3A_691 = arith.constant 0 : i32
    %dma_start3A_692 = tpu.memref_slice %arg9[%dma_start3A_690, %dma_start3A_691] : memref<128x128xf32, #tpu.memory_space<vmem>> -> memref<64x128xf32, #tpu.memory_space<vmem>>
    %dma_start3A_693 = arith.constant 64 : i32
    %dma_start3A_694 = tpu.memref_slice %arg6[%dma_start3A_689, %dma_start3A_693] : memref<40x128xi32, #tpu.memory_space<vmem>> -> memref<1x64xi32, #tpu.memory_space<vmem>>
    %dma_start3A_695 = tpu.memref_squeeze %dma_start3A_694 : memref<1x64xi32, #tpu.memory_space<vmem>> -> memref<64xi32, #tpu.memory_space<vmem>>
    %dma_start3A_696 = arith.constant 0 : i32
    %dma_start3A_697 = arith.constant 0 : i32
    %dma_start3A_698 = tpu.memref_slice %arg2[%dma_start3A_696, %dma_start3A_697] : memref<10000x128xf32, #tpu.memory_space<hbm>> -> memref<10000x128xf32, #tpu.memory_space<hbm>>
    tpu.enqueue_indirect_dma source(%dma_start3A_698 : memref<10000x128xf32, #tpu.memory_space<hbm>>) target(%dma_start3A_692 : memref<64x128xf32, #tpu.memory_space<vmem>>) offsets(%dma_start3A_695 : memref<64xi32, #tpu.memory_space<vmem>>) semaphore(%arg13 : memref<!tpu.dma_semaphore, #tpu.memory_space<semaphore_mem>>)
    %scan3A_699 = arith.constant 0 : i32
    %scan3A_700 = arith.constant 0 : i32
    %scan3A_701 = arith.constant 19 : i32
    %scan3A_702 = arith.addi %scan3A_700, %scan3A_701 : i32
    %scan3A_703 = arith.constant 1 : i32
    scf.for %scan3A_847 = %scan3A_700 to %scan3A_702 step %scan3A_703  : i32 {
      %mul3A_848 = arith.constant 2 : i32
      %mul3A_849 = arith.muli %scan3A_847, %mul3A_848 : i32
      %dma_wait3A_850 = arith.constant 0 : i32
      %dma_wait3A_851 = arith.constant 0 : i32
      %dma_wait3A_852 = tpu.memref_slice %arg6[%dma_wait3A_850, %dma_wait3A_851] : memref<40x128xi32, #tpu.memory_space<vmem>> -> memref<1x128xi32, #tpu.memory_space<vmem>>
      %dma_wait3A_853 = tpu.memref_squeeze %dma_wait3A_852 : memref<1x128xi32, #tpu.memory_space<vmem>> -> memref<128xi32, #tpu.memory_space<vmem>>
      %dma_wait3A_854 = arith.constant 0 : i32
      %dma_wait3A_855 = arith.constant 0 : i32
      %dma_wait3A_856 = tpu.memref_slice %arg2[%dma_wait3A_854, %dma_wait3A_855] : memref<10000x128xf32, #tpu.memory_space<hbm>> -> memref<10000x128xf32, #tpu.memory_space<hbm>>
      tpu.wait_indirect_dma semaphore(%arg12 : memref<!tpu.dma_semaphore, #tpu.memory_space<semaphore_mem>>) src(%dma_wait3A_856 : memref<10000x128xf32, #tpu.memory_space<hbm>>) dst(%arg8 : memref<128x128xf32, #tpu.memory_space<vmem>>)
      "tpu.region"() ({
        %run_scoped3A_906 = tpu.sem_alloc : memref<!tpu.dma_semaphore, #tpu.memory_space<semaphore_mem>>
        %dma_start3A_907 = arith.constant 0 : i32
        %dma_start3A_908 = tpu.memref_slice %arg7[%mul3A_849, %dma_start3A_907] : memref<40x128xi32, #tpu.memory_space<vmem>> -> memref<1x128xi32, #tpu.memory_space<vmem>>
        %dma_start3A_909 = tpu.memref_squeeze %dma_start3A_908 : memref<1x128xi32, #tpu.memory_space<vmem>> -> memref<128xi32, #tpu.memory_space<vmem>>
        %dma_start3A_910 = arith.constant 0 : i32
        %dma_start3A_911 = arith.constant 0 : i32
        %dma_start3A_912 = tpu.memref_slice %arg11[%dma_start3A_910, %dma_start3A_911] : memref<10240x128xf32, #tpu.memory_space<vmem_shared>> -> memref<10240x128xf32, #tpu.memory_space<vmem_shared>>
        tpu.enqueue_indirect_dma source(%arg8 : memref<128x128xf32, #tpu.memory_space<vmem>>) target(%dma_start3A_912 : memref<10240x128xf32, #tpu.memory_space<vmem_shared>>) offsets(%dma_start3A_909 : memref<128xi32, #tpu.memory_space<vmem>>) semaphore(%run_scoped3A_906 : memref<!tpu.dma_semaphore, #tpu.memory_space<semaphore_mem>>) {add = true}
        %dma_wait3A_913 = arith.constant 0 : i32
        %dma_wait3A_914 = tpu.memref_slice %arg7[%mul3A_849, %dma_wait3A_913] : memref<40x128xi32, #tpu.memory_space<vmem>> -> memref<1x128xi32, #tpu.memory_space<vmem>>
        %dma_wait3A_915 = tpu.memref_squeeze %dma_wait3A_914 : memref<1x128xi32, #tpu.memory_space<vmem>> -> memref<128xi32, #tpu.memory_space<vmem>>
        %dma_wait3A_916 = arith.constant 0 : i32
        %dma_wait3A_917 = arith.constant 0 : i32
        %dma_wait3A_918 = tpu.memref_slice %arg11[%dma_wait3A_916, %dma_wait3A_917] : memref<10240x128xf32, #tpu.memory_space<vmem_shared>> -> memref<10240x128xf32, #tpu.memory_space<vmem_shared>>
        tpu.wait_indirect_dma semaphore(%run_scoped3A_906 : memref<!tpu.dma_semaphore, #tpu.memory_space<semaphore_mem>>) src(%arg8 : memref<128x128xf32, #tpu.memory_space<vmem>>) dst(%dma_wait3A_918 : memref<10240x128xf32, #tpu.memory_space<vmem_shared>>)
        tpu.yield
      }) : () -> ()
      %add3A_857 = arith.constant 2 : i32
      %add3A_858 = arith.addi %mul3A_849, %add3A_857 : i32
      %dma_start3A_859 = arith.constant 0 : i32
      %dma_start3A_860 = arith.constant 0 : i32
      %dma_start3A_861 = tpu.memref_slice %arg8[%dma_start3A_859, %dma_start3A_860] : memref<128x128xf32, #tpu.memory_space<vmem>> -> memref<64x128xf32, #tpu.memory_space<vmem>>
      %dma_start3A_862 = arith.constant 0 : i32
      %dma_start3A_863 = tpu.memref_slice %arg6[%add3A_858, %dma_start3A_862] : memref<40x128xi32, #tpu.memory_space<vmem>> -> memref<1x64xi32, #tpu.memory_space<vmem>>
      %dma_start3A_864 = tpu.memref_squeeze %dma_start3A_863 : memref<1x64xi32, #tpu.memory_space<vmem>> -> memref<64xi32, #tpu.memory_space<vmem>>
      %dma_start3A_865 = arith.constant 0 : i32
      %dma_start3A_866 = arith.constant 0 : i32
      %dma_start3A_867 = tpu.memref_slice %arg2[%dma_start3A_865, %dma_start3A_866] : memref<10000x128xf32, #tpu.memory_space<hbm>> -> memref<10000x128xf32, #tpu.memory_space<hbm>>
      tpu.enqueue_indirect_dma source(%dma_start3A_867 : memref<10000x128xf32, #tpu.memory_space<hbm>>) target(%dma_start3A_861 : memref<64x128xf32, #tpu.memory_space<vmem>>) offsets(%dma_start3A_864 : memref<64xi32, #tpu.memory_space<vmem>>) semaphore(%arg12 : memref<!tpu.dma_semaphore, #tpu.memory_space<semaphore_mem>>)
      %dma_start3A_868 = arith.constant 64 : i32
      %dma_start3A_869 = arith.constant 0 : i32
      %dma_start3A_870 = tpu.memref_slice %arg8[%dma_start3A_868, %dma_start3A_869] : memref<128x128xf32, #tpu.memory_space<vmem>> -> memref<64x128xf32, #tpu.memory_space<vmem>>
      %dma_start3A_871 = arith.constant 64 : i32
      %dma_start3A_872 = tpu.memref_slice %arg6[%add3A_858, %dma_start3A_871] : memref<40x128xi32, #tpu.memory_space<vmem>> -> memref<1x64xi32, #tpu.memory_space<vmem>>
      %dma_start3A_873 = tpu.memref_squeeze %dma_start3A_872 : memref<1x64xi32, #tpu.memory_space<vmem>> -> memref<64xi32, #tpu.memory_space<vmem>>
      %dma_start3A_874 = arith.constant 0 : i32
      %dma_start3A_875 = arith.constant 0 : i32
      %dma_start3A_876 = tpu.memref_slice %arg2[%dma_start3A_874, %dma_start3A_875] : memref<10000x128xf32, #tpu.memory_space<hbm>> -> memref<10000x128xf32, #tpu.memory_space<hbm>>
      tpu.enqueue_indirect_dma source(%dma_start3A_876 : memref<10000x128xf32, #tpu.memory_space<hbm>>) target(%dma_start3A_870 : memref<64x128xf32, #tpu.memory_space<vmem>>) offsets(%dma_start3A_873 : memref<64xi32, #tpu.memory_space<vmem>>) semaphore(%arg12 : memref<!tpu.dma_semaphore, #tpu.memory_space<semaphore_mem>>)
      %dma_wait3A_877 = arith.constant 0 : i32
      %dma_wait3A_878 = arith.constant 0 : i32
      %dma_wait3A_879 = tpu.memref_slice %arg6[%dma_wait3A_877, %dma_wait3A_878] : memref<40x128xi32, #tpu.memory_space<vmem>> -> memref<1x128xi32, #tpu.memory_space<vmem>>
      %dma_wait3A_880 = tpu.memref_squeeze %dma_wait3A_879 : memref<1x128xi32, #tpu.memory_space<vmem>> -> memref<128xi32, #tpu.memory_space<vmem>>
      %dma_wait3A_881 = arith.constant 0 : i32
      %dma_wait3A_882 = arith.constant 0 : i32
      %dma_wait3A_883 = tpu.memref_slice %arg2[%dma_wait3A_881, %dma_wait3A_882] : memref<10000x128xf32, #tpu.memory_space<hbm>> -> memref<10000x128xf32, #tpu.memory_space<hbm>>
      tpu.wait_indirect_dma semaphore(%arg13 : memref<!tpu.dma_semaphore, #tpu.memory_space<semaphore_mem>>) src(%dma_wait3A_883 : memref<10000x128xf32, #tpu.memory_space<hbm>>) dst(%arg9 : memref<128x128xf32, #tpu.memory_space<vmem>>)
      %add3A_884 = arith.constant 1 : i32
      %add3A_885 = arith.addi %mul3A_849, %add3A_884 : i32
      "tpu.region"() ({
        %run_scoped3A_906 = tpu.sem_alloc : memref<!tpu.dma_semaphore, #tpu.memory_space<semaphore_mem>>
        %dma_start3A_907 = arith.constant 0 : i32
        %dma_start3A_908 = tpu.memref_slice %arg7[%add3A_885, %dma_start3A_907] : memref<40x128xi32, #tpu.memory_space<vmem>> -> memref<1x128xi32, #tpu.memory_space<vmem>>
        %dma_start3A_909 = tpu.memref_squeeze %dma_start3A_908 : memref<1x128xi32, #tpu.memory_space<vmem>> -> memref<128xi32, #tpu.memory_space<vmem>>
        %dma_start3A_910 = arith.constant 0 : i32
        %dma_start3A_911 = arith.constant 0 : i32
        %dma_start3A_912 = tpu.memref_slice %arg11[%dma_start3A_910, %dma_start3A_911] : memref<10240x128xf32, #tpu.memory_space<vmem_shared>> -> memref<10240x128xf32, #tpu.memory_space<vmem_shared>>
        tpu.enqueue_indirect_dma source(%arg9 : memref<128x128xf32, #tpu.memory_space<vmem>>) target(%dma_start3A_912 : memref<10240x128xf32, #tpu.memory_space<vmem_shared>>) offsets(%dma_start3A_909 : memref<128xi32, #tpu.memory_space<vmem>>) semaphore(%run_scoped3A_906 : memref<!tpu.dma_semaphore, #tpu.memory_space<semaphore_mem>>) {add = true}
        %dma_wait3A_913 = arith.constant 0 : i32
        %dma_wait3A_914 = tpu.memref_slice %arg7[%add3A_885, %dma_wait3A_913] : memref<40x128xi32, #tpu.memory_space<vmem>> -> memref<1x128xi32, #tpu.memory_space<vmem>>
        %dma_wait3A_915 = tpu.memref_squeeze %dma_wait3A_914 : memref<1x128xi32, #tpu.memory_space<vmem>> -> memref<128xi32, #tpu.memory_space<vmem>>
        %dma_wait3A_916 = arith.constant 0 : i32
        %dma_wait3A_917 = arith.constant 0 : i32
        %dma_wait3A_918 = tpu.memref_slice %arg11[%dma_wait3A_916, %dma_wait3A_917] : memref<10240x128xf32, #tpu.memory_space<vmem_shared>> -> memref<10240x128xf32, #tpu.memory_space<vmem_shared>>
        tpu.wait_indirect_dma semaphore(%run_scoped3A_906 : memref<!tpu.dma_semaphore, #tpu.memory_space<semaphore_mem>>) src(%arg9 : memref<128x128xf32, #tpu.memory_space<vmem>>) dst(%dma_wait3A_918 : memref<10240x128xf32, #tpu.memory_space<vmem_shared>>)
        tpu.yield
      }) : () -> ()
      %add3A_886 = arith.constant 3 : i32
      %add3A_887 = arith.addi %mul3A_849, %add3A_886 : i32
      %dma_start3A_888 = arith.constant 0 : i32
      %dma_start3A_889 = arith.constant 0 : i32
      %dma_start3A_890 = tpu.memref_slice %arg9[%dma_start3A_888, %dma_start3A_889] : memref<128x128xf32, #tpu.memory_space<vmem>> -> memref<64x128xf32, #tpu.memory_space<vmem>>
      %dma_start3A_891 = arith.constant 0 : i32
      %dma_start3A_892 = tpu.memref_slice %arg6[%add3A_887, %dma_start3A_891] : memref<40x128xi32, #tpu.memory_space<vmem>> -> memref<1x64xi32, #tpu.memory_space<vmem>>
      %dma_start3A_893 = tpu.memref_squeeze %dma_start3A_892 : memref<1x64xi32, #tpu.memory_space<vmem>> -> memref<64xi32, #tpu.memory_space<vmem>>
      %dma_start3A_894 = arith.constant 0 : i32
      %dma_start3A_895 = arith.constant 0 : i32
      %dma_start3A_896 = tpu.memref_slice %arg2[%dma_start3A_894, %dma_start3A_895] : memref<10000x128xf32, #tpu.memory_space<hbm>> -> memref<10000x128xf32, #tpu.memory_space<hbm>>
      tpu.enqueue_indirect_dma source(%dma_start3A_896 : memref<10000x128xf32, #tpu.memory_space<hbm>>) target(%dma_start3A_890 : memref<64x128xf32, #tpu.memory_space<vmem>>) offsets(%dma_start3A_893 : memref<64xi32, #tpu.memory_space<vmem>>) semaphore(%arg13 : memref<!tpu.dma_semaphore, #tpu.memory_space<semaphore_mem>>)
      %dma_start3A_897 = arith.constant 64 : i32
      %dma_start3A_898 = arith.constant 0 : i32
      %dma_start3A_899 = tpu.memref_slice %arg9[%dma_start3A_897, %dma_start3A_898] : memref<128x128xf32, #tpu.memory_space<vmem>> -> memref<64x128xf32, #tpu.memory_space<vmem>>
      %dma_start3A_900 = arith.constant 64 : i32
      %dma_start3A_901 = tpu.memref_slice %arg6[%add3A_887, %dma_start3A_900] : memref<40x128xi32, #tpu.memory_space<vmem>> -> memref<1x64xi32, #tpu.memory_space<vmem>>
      %dma_start3A_902 = tpu.memref_squeeze %dma_start3A_901 : memref<1x64xi32, #tpu.memory_space<vmem>> -> memref<64xi32, #tpu.memory_space<vmem>>
      %dma_start3A_903 = arith.constant 0 : i32
      %dma_start3A_904 = arith.constant 0 : i32
      %dma_start3A_905 = tpu.memref_slice %arg2[%dma_start3A_903, %dma_start3A_904] : memref<10000x128xf32, #tpu.memory_space<hbm>> -> memref<10000x128xf32, #tpu.memory_space<hbm>>
      tpu.enqueue_indirect_dma source(%dma_start3A_905 : memref<10000x128xf32, #tpu.memory_space<hbm>>) target(%dma_start3A_899 : memref<64x128xf32, #tpu.memory_space<vmem>>) offsets(%dma_start3A_902 : memref<64xi32, #tpu.memory_space<vmem>>) semaphore(%arg13 : memref<!tpu.dma_semaphore, #tpu.memory_space<semaphore_mem>>)
    }
    %scan3A_704 = arith.constant 19 : i32
    %dma_wait3A_705 = arith.constant 0 : i32
    %dma_wait3A_706 = arith.constant 0 : i32
    %dma_wait3A_707 = tpu.memref_slice %arg6[%dma_wait3A_705, %dma_wait3A_706] : memref<40x128xi32, #tpu.memory_space<vmem>> -> memref<1x128xi32, #tpu.memory_space<vmem>>
    %dma_wait3A_708 = tpu.memref_squeeze %dma_wait3A_707 : memref<1x128xi32, #tpu.memory_space<vmem>> -> memref<128xi32, #tpu.memory_space<vmem>>
    %dma_wait3A_709 = arith.constant 0 : i32
    %dma_wait3A_710 = arith.constant 0 : i32
    %dma_wait3A_711 = tpu.memref_slice %arg2[%dma_wait3A_709, %dma_wait3A_710] : memref<10000x128xf32, #tpu.memory_space<hbm>> -> memref<10000x128xf32, #tpu.memory_space<hbm>>
    tpu.wait_indirect_dma semaphore(%arg12 : memref<!tpu.dma_semaphore, #tpu.memory_space<semaphore_mem>>) src(%dma_wait3A_711 : memref<10000x128xf32, #tpu.memory_space<hbm>>) dst(%arg8 : memref<128x128xf32, #tpu.memory_space<vmem>>)
    %run_scoped3A_712 = arith.constant 38 : i32
    "tpu.region"() ({
      %run_scoped3A_847 = tpu.sem_alloc : memref<!tpu.dma_semaphore, #tpu.memory_space<semaphore_mem>>
      %dma_start3A_848 = arith.constant 0 : i32
      %dma_start3A_849 = tpu.memref_slice %arg7[%run_scoped3A_712, %dma_start3A_848] : memref<40x128xi32, #tpu.memory_space<vmem>> -> memref<1x128xi32, #tpu.memory_space<vmem>>
      %dma_start3A_850 = tpu.memref_squeeze %dma_start3A_849 : memref<1x128xi32, #tpu.memory_space<vmem>> -> memref<128xi32, #tpu.memory_space<vmem>>
      %dma_start3A_851 = arith.constant 0 : i32
      %dma_start3A_852 = arith.constant 0 : i32
      %dma_start3A_853 = tpu.memref_slice %arg11[%dma_start3A_851, %dma_start3A_852] : memref<10240x128xf32, #tpu.memory_space<vmem_shared>> -> memref<10240x128xf32, #tpu.memory_space<vmem_shared>>
      tpu.enqueue_indirect_dma source(%arg8 : memref<128x128xf32, #tpu.memory_space<vmem>>) target(%dma_start3A_853 : memref<10240x128xf32, #tpu.memory_space<vmem_shared>>) offsets(%dma_start3A_850 : memref<128xi32, #tpu.memory_space<vmem>>) semaphore(%run_scoped3A_847 : memref<!tpu.dma_semaphore, #tpu.memory_space<semaphore_mem>>) {add = true}
      %dma_wait3A_854 = arith.constant 0 : i32
      %dma_wait3A_855 = tpu.memref_slice %arg7[%run_scoped3A_712, %dma_wait3A_854] : memref<40x128xi32, #tpu.memory_space<vmem>> -> memref<1x128xi32, #tpu.memory_space<vmem>>
      %dma_wait3A_856 = tpu.memref_squeeze %dma_wait3A_855 : memref<1x128xi32, #tpu.memory_space<vmem>> -> memref<128xi32, #tpu.memory_space<vmem>>
      %dma_wait3A_857 = arith.constant 0 : i32
      %dma_wait3A_858 = arith.constant 0 : i32
      %dma_wait3A_859 = tpu.memref_slice %arg11[%dma_wait3A_857, %dma_wait3A_858] : memref<10240x128xf32, #tpu.memory_space<vmem_shared>> -> memref<10240x128xf32, #tpu.memory_space<vmem_shared>>
      tpu.wait_indirect_dma semaphore(%run_scoped3A_847 : memref<!tpu.dma_semaphore, #tpu.memory_space<semaphore_mem>>) src(%arg8 : memref<128x128xf32, #tpu.memory_space<vmem>>) dst(%dma_wait3A_859 : memref<10240x128xf32, #tpu.memory_space<vmem_shared>>)
      tpu.yield
    }) : () -> ()
    %dma_wait3A_713 = arith.constant 0 : i32
    %dma_wait3A_714 = arith.constant 0 : i32
    %dma_wait3A_715 = tpu.memref_slice %arg6[%dma_wait3A_713, %dma_wait3A_714] : memref<40x128xi32, #tpu.memory_space<vmem>> -> memref<1x128xi32, #tpu.memory_space<vmem>>
    %dma_wait3A_716 = tpu.memref_squeeze %dma_wait3A_715 : memref<1x128xi32, #tpu.memory_space<vmem>> -> memref<128xi32, #tpu.memory_space<vmem>>
    %dma_wait3A_717 = arith.constant 0 : i32
    %dma_wait3A_718 = arith.constant 0 : i32
    %dma_wait3A_719 = tpu.memref_slice %arg2[%dma_wait3A_717, %dma_wait3A_718] : memref<10000x128xf32, #tpu.memory_space<hbm>> -> memref<10000x128xf32, #tpu.memory_space<hbm>>
    tpu.wait_indirect_dma semaphore(%arg13 : memref<!tpu.dma_semaphore, #tpu.memory_space<semaphore_mem>>) src(%dma_wait3A_719 : memref<10000x128xf32, #tpu.memory_space<hbm>>) dst(%arg9 : memref<128x128xf32, #tpu.memory_space<vmem>>)
    %run_scoped3A_720 = arith.constant 39 : i32
    "tpu.region"() ({
      %run_scoped3A_847 = tpu.sem_alloc : memref<!tpu.dma_semaphore, #tpu.memory_space<semaphore_mem>>
      %dma_start3A_848 = arith.constant 0 : i32
      %dma_start3A_849 = tpu.memref_slice %arg7[%run_scoped3A_720, %dma_start3A_848] : memref<40x128xi32, #tpu.memory_space<vmem>> -> memref<1x128xi32, #tpu.memory_space<vmem>>
      %dma_start3A_850 = tpu.memref_squeeze %dma_start3A_849 : memref<1x128xi32, #tpu.memory_space<vmem>> -> memref<128xi32, #tpu.memory_space<vmem>>
      %dma_start3A_851 = arith.constant 0 : i32
      %dma_start3A_852 = arith.constant 0 : i32
      %dma_start3A_853 = tpu.memref_slice %arg11[%dma_start3A_851, %dma_start3A_852] : memref<10240x128xf32, #tpu.memory_space<vmem_shared>> -> memref<10240x128xf32, #tpu.memory_space<vmem_shared>>
      tpu.enqueue_indirect_dma source(%arg9 : memref<128x128xf32, #tpu.memory_space<vmem>>) target(%dma_start3A_853 : memref<10240x128xf32, #tpu.memory_space<vmem_shared>>) offsets(%dma_start3A_850 : memref<128xi32, #tpu.memory_space<vmem>>) semaphore(%run_scoped3A_847 : memref<!tpu.dma_semaphore, #tpu.memory_space<semaphore_mem>>) {add = true}
      %dma_wait3A_854 = arith.constant 0 : i32
      %dma_wait3A_855 = tpu.memref_slice %arg7[%run_scoped3A_720, %dma_wait3A_854] : memref<40x128xi32, #tpu.memory_space<vmem>> -> memref<1x128xi32, #tpu.memory_space<vmem>>
      %dma_wait3A_856 = tpu.memref_squeeze %dma_wait3A_855 : memref<1x128xi32, #tpu.memory_space<vmem>> -> memref<128xi32, #tpu.memory_space<vmem>>
      %dma_wait3A_857 = arith.constant 0 : i32
      %dma_wait3A_858 = arith.constant 0 : i32
      %dma_wait3A_859 = tpu.memref_slice %arg11[%dma_wait3A_857, %dma_wait3A_858] : memref<10240x128xf32, #tpu.memory_space<vmem_shared>> -> memref<10240x128xf32, #tpu.memory_space<vmem_shared>>
      tpu.wait_indirect_dma semaphore(%run_scoped3A_847 : memref<!tpu.dma_semaphore, #tpu.memory_space<semaphore_mem>>) src(%arg9 : memref<128x128xf32, #tpu.memory_space<vmem>>) dst(%dma_wait3A_859 : memref<10240x128xf32, #tpu.memory_space<vmem_shared>>)
      tpu.yield
    }) : () -> ()
    %barrier3A_721 = arith.constant 0 : index
    tpu.barrier barrier_id(%barrier3A_721)
    %mul3A_722 = arith.constant 624 : i32
    %mul3A_723 = arith.muli %arg1, %mul3A_722 : i32
    %multiple_of3A_724 = tpu.assume_multiple %mul3A_723, 8 : i32
    %add3A_725 = arith.constant 0 : i32
    %add3A_726 = arith.addi %multiple_of3A_724, %add3A_725 : i32
    %dma_start3A_727 = arith.constant 0 : i32
    %dma_start3A_728 = arith.constant 0 : i32
    %dma_start3A_729 = tpu.memref_slice %arg8[%dma_start3A_727, %dma_start3A_728] : memref<128x128xf32, #tpu.memory_space<vmem>> -> memref<128x128xf32, #tpu.memory_space<vmem>>
    %dma_start3A_730 = arith.constant 0 : i32
    %dma_start3A_731 = tpu.memref_slice %arg11[%add3A_726, %dma_start3A_730] : memref<10240x128xf32, #tpu.memory_space<vmem_shared>> -> memref<128x128xf32, #tpu.memory_space<vmem_shared>>
    %dma_start3A_732 = arith.constant 0 : i32
    %dma_start3A_733 = arith.constant 0 : i32
    %dma_start3A_734 = tpu.memref_slice %arg8[%dma_start3A_732, %dma_start3A_733] : memref<128x128xf32, #tpu.memory_space<vmem>> -> memref<128x128xf32, #tpu.memory_space<vmem>>
    %dma_start3A_735 = arith.constant 0 : i32
    %dma_start3A_736 = tpu.memref_slice %arg11[%add3A_726, %dma_start3A_735] : memref<10240x128xf32, #tpu.memory_space<vmem_shared>> -> memref<128x128xf32, #tpu.memory_space<vmem_shared>>
    tpu.enqueue_dma source(%dma_start3A_736 : memref<128x128xf32, #tpu.memory_space<vmem_shared>>) target(%dma_start3A_734 : memref<128x128xf32, #tpu.memory_space<vmem>>) target_semaphore(%arg12 : memref<!tpu.dma_semaphore, #tpu.memory_space<semaphore_mem>>)
    %add3A_737 = arith.constant 128 : i32
    %add3A_738 = arith.addi %multiple_of3A_724, %add3A_737 : i32
    %dma_start3A_739 = arith.constant 0 : i32
    %dma_start3A_740 = arith.constant 0 : i32
    %dma_start3A_741 = tpu.memref_slice %arg9[%dma_start3A_739, %dma_start3A_740] : memref<128x128xf32, #tpu.memory_space<vmem>> -> memref<128x128xf32, #tpu.memory_space<vmem>>
    %dma_start3A_742 = arith.constant 0 : i32
    %dma_start3A_743 = tpu.memref_slice %arg11[%add3A_738, %dma_start3A_742] : memref<10240x128xf32, #tpu.memory_space<vmem_shared>> -> memref<128x128xf32, #tpu.memory_space<vmem_shared>>
    %dma_start3A_744 = arith.constant 0 : i32
    %dma_start3A_745 = arith.constant 0 : i32
    %dma_start3A_746 = tpu.memref_slice %arg9[%dma_start3A_744, %dma_start3A_745] : memref<128x128xf32, #tpu.memory_space<vmem>> -> memref<128x128xf32, #tpu.memory_space<vmem>>
    %dma_start3A_747 = arith.constant 0 : i32
    %dma_start3A_748 = tpu.memref_slice %arg11[%add3A_738, %dma_start3A_747] : memref<10240x128xf32, #tpu.memory_space<vmem_shared>> -> memref<128x128xf32, #tpu.memory_space<vmem_shared>>
    tpu.enqueue_dma source(%dma_start3A_748 : memref<128x128xf32, #tpu.memory_space<vmem_shared>>) target(%dma_start3A_746 : memref<128x128xf32, #tpu.memory_space<vmem>>) target_semaphore(%arg13 : memref<!tpu.dma_semaphore, #tpu.memory_space<semaphore_mem>>)
    %dma_wait3A_749 = arith.constant 0 : i32
    %dma_wait3A_750 = arith.constant 0 : i32
    %dma_wait3A_751 = tpu.memref_slice %arg8[%dma_wait3A_749, %dma_wait3A_750] : memref<128x128xf32, #tpu.memory_space<vmem>> -> memref<128x128xf32, #tpu.memory_space<vmem>>
    %dma_wait3A_752 = arith.constant 0 : i32
    %dma_wait3A_753 = tpu.memref_slice %arg11[%multiple_of3A_724, %dma_wait3A_752] : memref<10240x128xf32, #tpu.memory_space<vmem_shared>> -> memref<128x128xf32, #tpu.memory_space<vmem_shared>>
    %dma_wait3A_754 = arith.constant 0 : i32
    %dma_wait3A_755 = arith.constant 0 : i32
    %dma_wait3A_756 = tpu.memref_slice %arg8[%dma_wait3A_754, %dma_wait3A_755] : memref<128x128xf32, #tpu.memory_space<vmem>> -> memref<128x128xf32, #tpu.memory_space<vmem>>
    %dma_wait3A_757 = arith.constant 0 : i32
    %dma_wait3A_758 = tpu.memref_slice %arg11[%multiple_of3A_724, %dma_wait3A_757] : memref<10240x128xf32, #tpu.memory_space<vmem_shared>> -> memref<128x128xf32, #tpu.memory_space<vmem_shared>>
    tpu.wait_dma2 semaphore(%arg12 : memref<!tpu.dma_semaphore, #tpu.memory_space<semaphore_mem>>) src(%dma_wait3A_758 : memref<128x128xf32, #tpu.memory_space<vmem_shared>>) dst(%dma_wait3A_756 : memref<128x128xf32, #tpu.memory_space<vmem>>)
    %add3A_759 = arith.constant 0 : i32
    %add3A_760 = arith.addi %multiple_of3A_724, %add3A_759 : i32
    "tpu.region"() ({
      %run_scoped3A_847 = tpu.sem_alloc : memref<!tpu.dma_semaphore, #tpu.memory_space<semaphore_mem>>
      %dma_start3A_848 = arith.constant 0 : i32
      %dma_start3A_849 = arith.constant 0 : i32
      %dma_start3A_850 = tpu.memref_slice %arg8[%dma_start3A_848, %dma_start3A_849] : memref<128x128xf32, #tpu.memory_space<vmem>> -> memref<128x128xf32, #tpu.memory_space<vmem>>
      %dma_start3A_851 = arith.constant 0 : i32
      %dma_start3A_852 = tpu.memref_slice %arg5[%arg0, %add3A_760, %dma_start3A_851] : memref<2x10000x128xf32, #tpu.memory_space<hbm>> -> memref<1x128x128xf32, #tpu.memory_space<hbm>>
      %dma_start3A_853 = tpu.memref_squeeze %dma_start3A_852 : memref<1x128x128xf32, #tpu.memory_space<hbm>> -> memref<128x128xf32, #tpu.memory_space<hbm>>
      %dma_start3A_854 = arith.constant 0 : i32
      %dma_start3A_855 = tpu.memref_slice %arg5[%arg0, %add3A_760, %dma_start3A_854] : memref<2x10000x128xf32, #tpu.memory_space<hbm>> -> memref<1x128x128xf32, #tpu.memory_space<hbm>>
      %dma_start3A_856 = tpu.memref_squeeze %dma_start3A_855 : memref<1x128x128xf32, #tpu.memory_space<hbm>> -> memref<128x128xf32, #tpu.memory_space<hbm>>
      %dma_start3A_857 = arith.constant 0 : i32
      %dma_start3A_858 = arith.constant 0 : i32
      %dma_start3A_859 = tpu.memref_slice %arg8[%dma_start3A_857, %dma_start3A_858] : memref<128x128xf32, #tpu.memory_space<vmem>> -> memref<128x128xf32, #tpu.memory_space<vmem>>
      tpu.enqueue_dma source(%dma_start3A_859 : memref<128x128xf32, #tpu.memory_space<vmem>>) target(%dma_start3A_856 : memref<128x128xf32, #tpu.memory_space<hbm>>) target_semaphore(%run_scoped3A_847 : memref<!tpu.dma_semaphore, #tpu.memory_space<semaphore_mem>>)
      %dma_wait3A_860 = arith.constant 0 : i32
      %dma_wait3A_861 = arith.constant 0 : i32
      %dma_wait3A_862 = tpu.memref_slice %arg8[%dma_wait3A_860, %dma_wait3A_861] : memref<128x128xf32, #tpu.memory_space<vmem>> -> memref<128x128xf32, #tpu.memory_space<vmem>>
      %dma_wait3A_863 = arith.constant 0 : i32
      %dma_wait3A_864 = tpu.memref_slice %arg5[%arg0, %add3A_760, %dma_wait3A_863] : memref<2x10000x128xf32, #tpu.memory_space<hbm>> -> memref<1x128x128xf32, #tpu.memory_space<hbm>>
      %dma_wait3A_865 = tpu.memref_squeeze %dma_wait3A_864 : memref<1x128x128xf32, #tpu.memory_space<hbm>> -> memref<128x128xf32, #tpu.memory_space<hbm>>
      %dma_wait3A_866 = arith.constant 0 : i32
      %dma_wait3A_867 = tpu.memref_slice %arg5[%arg0, %add3A_760, %dma_wait3A_866] : memref<2x10000x128xf32, #tpu.memory_space<hbm>> -> memref<1x128x128xf32, #tpu.memory_space<hbm>>
      %dma_wait3A_868 = tpu.memref_squeeze %dma_wait3A_867 : memref<1x128x128xf32, #tpu.memory_space<hbm>> -> memref<128x128xf32, #tpu.memory_space<hbm>>
      %dma_wait3A_869 = arith.constant 0 : i32
      %dma_wait3A_870 = arith.constant 0 : i32
      %dma_wait3A_871 = tpu.memref_slice %arg8[%dma_wait3A_869, %dma_wait3A_870] : memref<128x128xf32, #tpu.memory_space<vmem>> -> memref<128x128xf32, #tpu.memory_space<vmem>>
      tpu.wait_dma2 semaphore(%run_scoped3A_847 : memref<!tpu.dma_semaphore, #tpu.memory_space<semaphore_mem>>) src(%dma_wait3A_871 : memref<128x128xf32, #tpu.memory_space<vmem>>) dst(%dma_wait3A_868 : memref<128x128xf32, #tpu.memory_space<hbm>>)
      tpu.yield
    }) : () -> ()
    %add3A_761 = arith.constant 256 : i32
    %add3A_762 = arith.addi %multiple_of3A_724, %add3A_761 : i32
    %dma_start3A_763 = arith.constant 0 : i32
    %dma_start3A_764 = arith.constant 0 : i32
    %dma_start3A_765 = tpu.memref_slice %arg8[%dma_start3A_763, %dma_start3A_764] : memref<128x128xf32, #tpu.memory_space<vmem>> -> memref<128x128xf32, #tpu.memory_space<vmem>>
    %dma_start3A_766 = arith.constant 0 : i32
    %dma_start3A_767 = tpu.memref_slice %arg11[%add3A_762, %dma_start3A_766] : memref<10240x128xf32, #tpu.memory_space<vmem_shared>> -> memref<128x128xf32, #tpu.memory_space<vmem_shared>>
    %dma_start3A_768 = arith.constant 0 : i32
    %dma_start3A_769 = arith.constant 0 : i32
    %dma_start3A_770 = tpu.memref_slice %arg8[%dma_start3A_768, %dma_start3A_769] : memref<128x128xf32, #tpu.memory_space<vmem>> -> memref<128x128xf32, #tpu.memory_space<vmem>>
    %dma_start3A_771 = arith.constant 0 : i32
    %dma_start3A_772 = tpu.memref_slice %arg11[%add3A_762, %dma_start3A_771] : memref<10240x128xf32, #tpu.memory_space<vmem_shared>> -> memref<128x128xf32, #tpu.memory_space<vmem_shared>>
    tpu.enqueue_dma source(%dma_start3A_772 : memref<128x128xf32, #tpu.memory_space<vmem_shared>>) target(%dma_start3A_770 : memref<128x128xf32, #tpu.memory_space<vmem>>) target_semaphore(%arg12 : memref<!tpu.dma_semaphore, #tpu.memory_space<semaphore_mem>>)
    %dma_wait3A_773 = arith.constant 0 : i32
    %dma_wait3A_774 = arith.constant 0 : i32
    %dma_wait3A_775 = tpu.memref_slice %arg9[%dma_wait3A_773, %dma_wait3A_774] : memref<128x128xf32, #tpu.memory_space<vmem>> -> memref<128x128xf32, #tpu.memory_space<vmem>>
    %dma_wait3A_776 = arith.constant 0 : i32
    %dma_wait3A_777 = tpu.memref_slice %arg11[%multiple_of3A_724, %dma_wait3A_776] : memref<10240x128xf32, #tpu.memory_space<vmem_shared>> -> memref<128x128xf32, #tpu.memory_space<vmem_shared>>
    %dma_wait3A_778 = arith.constant 0 : i32
    %dma_wait3A_779 = arith.constant 0 : i32
    %dma_wait3A_780 = tpu.memref_slice %arg9[%dma_wait3A_778, %dma_wait3A_779] : memref<128x128xf32, #tpu.memory_space<vmem>> -> memref<128x128xf32, #tpu.memory_space<vmem>>
    %dma_wait3A_781 = arith.constant 0 : i32
    %dma_wait3A_782 = tpu.memref_slice %arg11[%multiple_of3A_724, %dma_wait3A_781] : memref<10240x128xf32, #tpu.memory_space<vmem_shared>> -> memref<128x128xf32, #tpu.memory_space<vmem_shared>>
    tpu.wait_dma2 semaphore(%arg13 : memref<!tpu.dma_semaphore, #tpu.memory_space<semaphore_mem>>) src(%dma_wait3A_782 : memref<128x128xf32, #tpu.memory_space<vmem_shared>>) dst(%dma_wait3A_780 : memref<128x128xf32, #tpu.memory_space<vmem>>)
    %add3A_783 = arith.constant 128 : i32
    %add3A_784 = arith.addi %multiple_of3A_724, %add3A_783 : i32
    "tpu.region"() ({
      %run_scoped3A_847 = tpu.sem_alloc : memref<!tpu.dma_semaphore, #tpu.memory_space<semaphore_mem>>
      %dma_start3A_848 = arith.constant 0 : i32
      %dma_start3A_849 = arith.constant 0 : i32
      %dma_start3A_850 = tpu.memref_slice %arg9[%dma_start3A_848, %dma_start3A_849] : memref<128x128xf32, #tpu.memory_space<vmem>> -> memref<128x128xf32, #tpu.memory_space<vmem>>
      %dma_start3A_851 = arith.constant 0 : i32
      %dma_start3A_852 = tpu.memref_slice %arg5[%arg0, %add3A_784, %dma_start3A_851] : memref<2x10000x128xf32, #tpu.memory_space<hbm>> -> memref<1x128x128xf32, #tpu.memory_space<hbm>>
      %dma_start3A_853 = tpu.memref_squeeze %dma_start3A_852 : memref<1x128x128xf32, #tpu.memory_space<hbm>> -> memref<128x128xf32, #tpu.memory_space<hbm>>
      %dma_start3A_854 = arith.constant 0 : i32
      %dma_start3A_855 = tpu.memref_slice %arg5[%arg0, %add3A_784, %dma_start3A_854] : memref<2x10000x128xf32, #tpu.memory_space<hbm>> -> memref<1x128x128xf32, #tpu.memory_space<hbm>>
      %dma_start3A_856 = tpu.memref_squeeze %dma_start3A_855 : memref<1x128x128xf32, #tpu.memory_space<hbm>> -> memref<128x128xf32, #tpu.memory_space<hbm>>
      %dma_start3A_857 = arith.constant 0 : i32
      %dma_start3A_858 = arith.constant 0 : i32
      %dma_start3A_859 = tpu.memref_slice %arg9[%dma_start3A_857, %dma_start3A_858] : memref<128x128xf32, #tpu.memory_space<vmem>> -> memref<128x128xf32, #tpu.memory_space<vmem>>
      tpu.enqueue_dma source(%dma_start3A_859 : memref<128x128xf32, #tpu.memory_space<vmem>>) target(%dma_start3A_856 : memref<128x128xf32, #tpu.memory_space<hbm>>) target_semaphore(%run_scoped3A_847 : memref<!tpu.dma_semaphore, #tpu.memory_space<semaphore_mem>>)
      %dma_wait3A_860 = arith.constant 0 : i32
      %dma_wait3A_861 = arith.constant 0 : i32
      %dma_wait3A_862 = tpu.memref_slice %arg9[%dma_wait3A_860, %dma_wait3A_861] : memref<128x128xf32, #tpu.memory_space<vmem>> -> memref<128x128xf32, #tpu.memory_space<vmem>>
      %dma_wait3A_863 = arith.constant 0 : i32
      %dma_wait3A_864 = tpu.memref_slice %arg5[%arg0, %add3A_784, %dma_wait3A_863] : memref<2x10000x128xf32, #tpu.memory_space<hbm>> -> memref<1x128x128xf32, #tpu.memory_space<hbm>>
      %dma_wait3A_865 = tpu.memref_squeeze %dma_wait3A_864 : memref<1x128x128xf32, #tpu.memory_space<hbm>> -> memref<128x128xf32, #tpu.memory_space<hbm>>
      %dma_wait3A_866 = arith.constant 0 : i32
      %dma_wait3A_867 = tpu.memref_slice %arg5[%arg0, %add3A_784, %dma_wait3A_866] : memref<2x10000x128xf32, #tpu.memory_space<hbm>> -> memref<1x128x128xf32, #tpu.memory_space<hbm>>
      %dma_wait3A_868 = tpu.memref_squeeze %dma_wait3A_867 : memref<1x128x128xf32, #tpu.memory_space<hbm>> -> memref<128x128xf32, #tpu.memory_space<hbm>>
      %dma_wait3A_869 = arith.constant 0 : i32
      %dma_wait3A_870 = arith.constant 0 : i32
      %dma_wait3A_871 = tpu.memref_slice %arg9[%dma_wait3A_869, %dma_wait3A_870] : memref<128x128xf32, #tpu.memory_space<vmem>> -> memref<128x128xf32, #tpu.memory_space<vmem>>
      tpu.wait_dma2 semaphore(%run_scoped3A_847 : memref<!tpu.dma_semaphore, #tpu.memory_space<semaphore_mem>>) src(%dma_wait3A_871 : memref<128x128xf32, #tpu.memory_space<vmem>>) dst(%dma_wait3A_868 : memref<128x128xf32, #tpu.memory_space<hbm>>)
      tpu.yield
    }) : () -> ()
    %add3A_785 = arith.constant 384 : i32
    %add3A_786 = arith.addi %multiple_of3A_724, %add3A_785 : i32
    %dma_start3A_787 = arith.constant 0 : i32
    %dma_start3A_788 = arith.constant 0 : i32
    %dma_start3A_789 = tpu.memref_slice %arg9[%dma_start3A_787, %dma_start3A_788] : memref<128x128xf32, #tpu.memory_space<vmem>> -> memref<128x128xf32, #tpu.memory_space<vmem>>
    %dma_start3A_790 = arith.constant 0 : i32
    %dma_start3A_791 = tpu.memref_slice %arg11[%add3A_786, %dma_start3A_790] : memref<10240x128xf32, #tpu.memory_space<vmem_shared>> -> memref<128x128xf32, #tpu.memory_space<vmem_shared>>
    %dma_start3A_792 = arith.constant 0 : i32
    %dma_start3A_793 = arith.constant 0 : i32
    %dma_start3A_794 = tpu.memref_slice %arg9[%dma_start3A_792, %dma_start3A_793] : memref<128x128xf32, #tpu.memory_space<vmem>> -> memref<128x128xf32, #tpu.memory_space<vmem>>
    %dma_start3A_795 = arith.constant 0 : i32
    %dma_start3A_796 = tpu.memref_slice %arg11[%add3A_786, %dma_start3A_795] : memref<10240x128xf32, #tpu.memory_space<vmem_shared>> -> memref<128x128xf32, #tpu.memory_space<vmem_shared>>
    tpu.enqueue_dma source(%dma_start3A_796 : memref<128x128xf32, #tpu.memory_space<vmem_shared>>) target(%dma_start3A_794 : memref<128x128xf32, #tpu.memory_space<vmem>>) target_semaphore(%arg13 : memref<!tpu.dma_semaphore, #tpu.memory_space<semaphore_mem>>)
    %dma_wait3A_797 = arith.constant 0 : i32
    %dma_wait3A_798 = arith.constant 0 : i32
    %dma_wait3A_799 = tpu.memref_slice %arg8[%dma_wait3A_797, %dma_wait3A_798] : memref<128x128xf32, #tpu.memory_space<vmem>> -> memref<128x128xf32, #tpu.memory_space<vmem>>
    %dma_wait3A_800 = arith.constant 0 : i32
    %dma_wait3A_801 = tpu.memref_slice %arg11[%multiple_of3A_724, %dma_wait3A_800] : memref<10240x128xf32, #tpu.memory_space<vmem_shared>> -> memref<128x128xf32, #tpu.memory_space<vmem_shared>>
    %dma_wait3A_802 = arith.constant 0 : i32
    %dma_wait3A_803 = arith.constant 0 : i32
    %dma_wait3A_804 = tpu.memref_slice %arg8[%dma_wait3A_802, %dma_wait3A_803] : memref<128x128xf32, #tpu.memory_space<vmem>> -> memref<128x128xf32, #tpu.memory_space<vmem>>
    %dma_wait3A_805 = arith.constant 0 : i32
    %dma_wait3A_806 = tpu.memref_slice %arg11[%multiple_of3A_724, %dma_wait3A_805] : memref<10240x128xf32, #tpu.memory_space<vmem_shared>> -> memref<128x128xf32, #tpu.memory_space<vmem_shared>>
    tpu.wait_dma2 semaphore(%arg12 : memref<!tpu.dma_semaphore, #tpu.memory_space<semaphore_mem>>) src(%dma_wait3A_806 : memref<128x128xf32, #tpu.memory_space<vmem_shared>>) dst(%dma_wait3A_804 : memref<128x128xf32, #tpu.memory_space<vmem>>)
    %add3A_807 = arith.constant 256 : i32
    %add3A_808 = arith.addi %multiple_of3A_724, %add3A_807 : i32
    "tpu.region"() ({
      %run_scoped3A_847 = tpu.sem_alloc : memref<!tpu.dma_semaphore, #tpu.memory_space<semaphore_mem>>
      %dma_start3A_848 = arith.constant 0 : i32
      %dma_start3A_849 = arith.constant 0 : i32
      %dma_start3A_850 = tpu.memref_slice %arg8[%dma_start3A_848, %dma_start3A_849] : memref<128x128xf32, #tpu.memory_space<vmem>> -> memref<128x128xf32, #tpu.memory_space<vmem>>
      %dma_start3A_851 = arith.constant 0 : i32
      %dma_start3A_852 = tpu.memref_slice %arg5[%arg0, %add3A_808, %dma_start3A_851] : memref<2x10000x128xf32, #tpu.memory_space<hbm>> -> memref<1x128x128xf32, #tpu.memory_space<hbm>>
      %dma_start3A_853 = tpu.memref_squeeze %dma_start3A_852 : memref<1x128x128xf32, #tpu.memory_space<hbm>> -> memref<128x128xf32, #tpu.memory_space<hbm>>
      %dma_start3A_854 = arith.constant 0 : i32
      %dma_start3A_855 = tpu.memref_slice %arg5[%arg0, %add3A_808, %dma_start3A_854] : memref<2x10000x128xf32, #tpu.memory_space<hbm>> -> memref<1x128x128xf32, #tpu.memory_space<hbm>>
      %dma_start3A_856 = tpu.memref_squeeze %dma_start3A_855 : memref<1x128x128xf32, #tpu.memory_space<hbm>> -> memref<128x128xf32, #tpu.memory_space<hbm>>
      %dma_start3A_857 = arith.constant 0 : i32
      %dma_start3A_858 = arith.constant 0 : i32
      %dma_start3A_859 = tpu.memref_slice %arg8[%dma_start3A_857, %dma_start3A_858] : memref<128x128xf32, #tpu.memory_space<vmem>> -> memref<128x128xf32, #tpu.memory_space<vmem>>
      tpu.enqueue_dma source(%dma_start3A_859 : memref<128x128xf32, #tpu.memory_space<vmem>>) target(%dma_start3A_856 : memref<128x128xf32, #tpu.memory_space<hbm>>) target_semaphore(%run_scoped3A_847 : memref<!tpu.dma_semaphore, #tpu.memory_space<semaphore_mem>>)
      %dma_wait3A_860 = arith.constant 0 : i32
      %dma_wait3A_861 = arith.constant 0 : i32
      %dma_wait3A_862 = tpu.memref_slice %arg8[%dma_wait3A_860, %dma_wait3A_861] : memref<128x128xf32, #tpu.memory_space<vmem>> -> memref<128x128xf32, #tpu.memory_space<vmem>>
      %dma_wait3A_863 = arith.constant 0 : i32
      %dma_wait3A_864 = tpu.memref_slice %arg5[%arg0, %add3A_808, %dma_wait3A_863] : memref<2x10000x128xf32, #tpu.memory_space<hbm>> -> memref<1x128x128xf32, #tpu.memory_space<hbm>>
      %dma_wait3A_865 = tpu.memref_squeeze %dma_wait3A_864 : memref<1x128x128xf32, #tpu.memory_space<hbm>> -> memref<128x128xf32, #tpu.memory_space<hbm>>
      %dma_wait3A_866 = arith.constant 0 : i32
      %dma_wait3A_867 = tpu.memref_slice %arg5[%arg0, %add3A_808, %dma_wait3A_866] : memref<2x10000x128xf32, #tpu.memory_space<hbm>> -> memref<1x128x128xf32, #tpu.memory_space<hbm>>
      %dma_wait3A_868 = tpu.memref_squeeze %dma_wait3A_867 : memref<1x128x128xf32, #tpu.memory_space<hbm>> -> memref<128x128xf32, #tpu.memory_space<hbm>>
      %dma_wait3A_869 = arith.constant 0 : i32
      %dma_wait3A_870 = arith.constant 0 : i32
      %dma_wait3A_871 = tpu.memref_slice %arg8[%dma_wait3A_869, %dma_wait3A_870] : memref<128x128xf32, #tpu.memory_space<vmem>> -> memref<128x128xf32, #tpu.memory_space<vmem>>
      tpu.wait_dma2 semaphore(%run_scoped3A_847 : memref<!tpu.dma_semaphore, #tpu.memory_space<semaphore_mem>>) src(%dma_wait3A_871 : memref<128x128xf32, #tpu.memory_space<vmem>>) dst(%dma_wait3A_868 : memref<128x128xf32, #tpu.memory_space<hbm>>)
      tpu.yield
    }) : () -> ()
    %add3A_809 = arith.constant 512 : i32
    %add3A_810 = arith.addi %multiple_of3A_724, %add3A_809 : i32
    %dma_start3A_811 = arith.constant 0 : i32
    %dma_start3A_812 = arith.constant 0 : i32
    %dma_start3A_813 = tpu.memref_slice %arg8[%dma_start3A_811, %dma_start3A_812] : memref<128x128xf32, #tpu.memory_space<vmem>> -> memref<112x128xf32, #tpu.memory_space<vmem>>
    %dma_start3A_814 = arith.constant 0 : i32
    %dma_start3A_815 = tpu.memref_slice %arg11[%add3A_810, %dma_start3A_814] : memref<10240x128xf32, #tpu.memory_space<vmem_shared>> -> memref<112x128xf32, #tpu.memory_space<vmem_shared>>
    %dma_start3A_816 = arith.constant 0 : i32
    %dma_start3A_817 = arith.constant 0 : i32
    %dma_start3A_818 = tpu.memref_slice %arg8[%dma_start3A_816, %dma_start3A_817] : memref<128x128xf32, #tpu.memory_space<vmem>> -> memref<112x128xf32, #tpu.memory_space<vmem>>
    %dma_start3A_819 = arith.constant 0 : i32
    %dma_start3A_820 = tpu.memref_slice %arg11[%add3A_810, %dma_start3A_819] : memref<10240x128xf32, #tpu.memory_space<vmem_shared>> -> memref<112x128xf32, #tpu.memory_space<vmem_shared>>
    tpu.enqueue_dma source(%dma_start3A_820 : memref<112x128xf32, #tpu.memory_space<vmem_shared>>) target(%dma_start3A_818 : memref<112x128xf32, #tpu.memory_space<vmem>>) target_semaphore(%arg12 : memref<!tpu.dma_semaphore, #tpu.memory_space<semaphore_mem>>)
    %dma_wait3A_821 = arith.constant 0 : i32
    %dma_wait3A_822 = arith.constant 0 : i32
    %dma_wait3A_823 = tpu.memref_slice %arg9[%dma_wait3A_821, %dma_wait3A_822] : memref<128x128xf32, #tpu.memory_space<vmem>> -> memref<128x128xf32, #tpu.memory_space<vmem>>
    %dma_wait3A_824 = arith.constant 0 : i32
    %dma_wait3A_825 = tpu.memref_slice %arg11[%multiple_of3A_724, %dma_wait3A_824] : memref<10240x128xf32, #tpu.memory_space<vmem_shared>> -> memref<128x128xf32, #tpu.memory_space<vmem_shared>>
    %dma_wait3A_826 = arith.constant 0 : i32
    %dma_wait3A_827 = arith.constant 0 : i32
    %dma_wait3A_828 = tpu.memref_slice %arg9[%dma_wait3A_826, %dma_wait3A_827] : memref<128x128xf32, #tpu.memory_space<vmem>> -> memref<128x128xf32, #tpu.memory_space<vmem>>
    %dma_wait3A_829 = arith.constant 0 : i32
    %dma_wait3A_830 = tpu.memref_slice %arg11[%multiple_of3A_724, %dma_wait3A_829] : memref<10240x128xf32, #tpu.memory_space<vmem_shared>> -> memref<128x128xf32, #tpu.memory_space<vmem_shared>>
    tpu.wait_dma2 semaphore(%arg13 : memref<!tpu.dma_semaphore, #tpu.memory_space<semaphore_mem>>) src(%dma_wait3A_830 : memref<128x128xf32, #tpu.memory_space<vmem_shared>>) dst(%dma_wait3A_828 : memref<128x128xf32, #tpu.memory_space<vmem>>)
    %add3A_831 = arith.constant 384 : i32
    %add3A_832 = arith.addi %multiple_of3A_724, %add3A_831 : i32
    "tpu.region"() ({
      %run_scoped3A_847 = tpu.sem_alloc : memref<!tpu.dma_semaphore, #tpu.memory_space<semaphore_mem>>
      %dma_start3A_848 = arith.constant 0 : i32
      %dma_start3A_849 = arith.constant 0 : i32
      %dma_start3A_850 = tpu.memref_slice %arg9[%dma_start3A_848, %dma_start3A_849] : memref<128x128xf32, #tpu.memory_space<vmem>> -> memref<128x128xf32, #tpu.memory_space<vmem>>
      %dma_start3A_851 = arith.constant 0 : i32
      %dma_start3A_852 = tpu.memref_slice %arg5[%arg0, %add3A_832, %dma_start3A_851] : memref<2x10000x128xf32, #tpu.memory_space<hbm>> -> memref<1x128x128xf32, #tpu.memory_space<hbm>>
      %dma_start3A_853 = tpu.memref_squeeze %dma_start3A_852 : memref<1x128x128xf32, #tpu.memory_space<hbm>> -> memref<128x128xf32, #tpu.memory_space<hbm>>
      %dma_start3A_854 = arith.constant 0 : i32
      %dma_start3A_855 = tpu.memref_slice %arg5[%arg0, %add3A_832, %dma_start3A_854] : memref<2x10000x128xf32, #tpu.memory_space<hbm>> -> memref<1x128x128xf32, #tpu.memory_space<hbm>>
      %dma_start3A_856 = tpu.memref_squeeze %dma_start3A_855 : memref<1x128x128xf32, #tpu.memory_space<hbm>> -> memref<128x128xf32, #tpu.memory_space<hbm>>
      %dma_start3A_857 = arith.constant 0 : i32
      %dma_start3A_858 = arith.constant 0 : i32
      %dma_start3A_859 = tpu.memref_slice %arg9[%dma_start3A_857, %dma_start3A_858] : memref<128x128xf32, #tpu.memory_space<vmem>> -> memref<128x128xf32, #tpu.memory_space<vmem>>
      tpu.enqueue_dma source(%dma_start3A_859 : memref<128x128xf32, #tpu.memory_space<vmem>>) target(%dma_start3A_856 : memref<128x128xf32, #tpu.memory_space<hbm>>) target_semaphore(%run_scoped3A_847 : memref<!tpu.dma_semaphore, #tpu.memory_space<semaphore_mem>>)
      %dma_wait3A_860 = arith.constant 0 : i32
      %dma_wait3A_861 = arith.constant 0 : i32
      %dma_wait3A_862 = tpu.memref_slice %arg9[%dma_wait3A_860, %dma_wait3A_861] : memref<128x128xf32, #tpu.memory_space<vmem>> -> memref<128x128xf32, #tpu.memory_space<vmem>>
      %dma_wait3A_863 = arith.constant 0 : i32
      %dma_wait3A_864 = tpu.memref_slice %arg5[%arg0, %add3A_832, %dma_wait3A_863] : memref<2x10000x128xf32, #tpu.memory_space<hbm>> -> memref<1x128x128xf32, #tpu.memory_space<hbm>>
      %dma_wait3A_865 = tpu.memref_squeeze %dma_wait3A_864 : memref<1x128x128xf32, #tpu.memory_space<hbm>> -> memref<128x128xf32, #tpu.memory_space<hbm>>
      %dma_wait3A_866 = arith.constant 0 : i32
      %dma_wait3A_867 = tpu.memref_slice %arg5[%arg0, %add3A_832, %dma_wait3A_866] : memref<2x10000x128xf32, #tpu.memory_space<hbm>> -> memref<1x128x128xf32, #tpu.memory_space<hbm>>
      %dma_wait3A_868 = tpu.memref_squeeze %dma_wait3A_867 : memref<1x128x128xf32, #tpu.memory_space<hbm>> -> memref<128x128xf32, #tpu.memory_space<hbm>>
      %dma_wait3A_869 = arith.constant 0 : i32
      %dma_wait3A_870 = arith.constant 0 : i32
      %dma_wait3A_871 = tpu.memref_slice %arg9[%dma_wait3A_869, %dma_wait3A_870] : memref<128x128xf32, #tpu.memory_space<vmem>> -> memref<128x128xf32, #tpu.memory_space<vmem>>
      tpu.wait_dma2 semaphore(%run_scoped3A_847 : memref<!tpu.dma_semaphore, #tpu.memory_space<semaphore_mem>>) src(%dma_wait3A_871 : memref<128x128xf32, #tpu.memory_space<vmem>>) dst(%dma_wait3A_868 : memref<128x128xf32, #tpu.memory_space<hbm>>)
      tpu.yield
    }) : () -> ()
    %dma_wait3A_833 = arith.constant 0 : i32
    %dma_wait3A_834 = arith.constant 0 : i32
    %dma_wait3A_835 = tpu.memref_slice %arg8[%dma_wait3A_833, %dma_wait3A_834] : memref<128x128xf32, #tpu.memory_space<vmem>> -> memref<112x128xf32, #tpu.memory_space<vmem>>
    %dma_wait3A_836 = arith.constant 0 : i32
    %dma_wait3A_837 = tpu.memref_slice %arg11[%multiple_of3A_724, %dma_wait3A_836] : memref<10240x128xf32, #tpu.memory_space<vmem_shared>> -> memref<112x128xf32, #tpu.memory_space<vmem_shared>>
    %dma_wait3A_838 = arith.constant 0 : i32
    %dma_wait3A_839 = arith.constant 0 : i32
    %dma_wait3A_840 = tpu.memref_slice %arg8[%dma_wait3A_838, %dma_wait3A_839] : memref<128x128xf32, #tpu.memory_space<vmem>> -> memref<112x128xf32, #tpu.memory_space<vmem>>
    %dma_wait3A_841 = arith.constant 0 : i32
    %dma_wait3A_842 = tpu.memref_slice %arg11[%multiple_of3A_724, %dma_wait3A_841] : memref<10240x128xf32, #tpu.memory_space<vmem_shared>> -> memref<112x128xf32, #tpu.memory_space<vmem_shared>>
    tpu.wait_dma2 semaphore(%arg12 : memref<!tpu.dma_semaphore, #tpu.memory_space<semaphore_mem>>) src(%dma_wait3A_842 : memref<112x128xf32, #tpu.memory_space<vmem_shared>>) dst(%dma_wait3A_840 : memref<112x128xf32, #tpu.memory_space<vmem>>)
    %add3A_843 = arith.constant 512 : i32
    %add3A_844 = arith.addi %multiple_of3A_724, %add3A_843 : i32
    "tpu.region"() ({
      %run_scoped3A_847 = tpu.sem_alloc : memref<!tpu.dma_semaphore, #tpu.memory_space<semaphore_mem>>
      %dma_start3A_848 = arith.constant 0 : i32
      %dma_start3A_849 = arith.constant 0 : i32
      %dma_start3A_850 = tpu.memref_slice %arg8[%dma_start3A_848, %dma_start3A_849] : memref<128x128xf32, #tpu.memory_space<vmem>> -> memref<112x128xf32, #tpu.memory_space<vmem>>
      %dma_start3A_851 = arith.constant 0 : i32
      %dma_start3A_852 = tpu.memref_slice %arg5[%arg0, %add3A_844, %dma_start3A_851] : memref<2x10000x128xf32, #tpu.memory_space<hbm>> -> memref<1x112x128xf32, #tpu.memory_space<hbm>>
      %dma_start3A_853 = tpu.memref_squeeze %dma_start3A_852 : memref<1x112x128xf32, #tpu.memory_space<hbm>> -> memref<112x128xf32, #tpu.memory_space<hbm>>
      %dma_start3A_854 = arith.constant 0 : i32
      %dma_start3A_855 = tpu.memref_slice %arg5[%arg0, %add3A_844, %dma_start3A_854] : memref<2x10000x128xf32, #tpu.memory_space<hbm>> -> memref<1x112x128xf32, #tpu.memory_space<hbm>>
      %dma_start3A_856 = tpu.memref_squeeze %dma_start3A_855 : memref<1x112x128xf32, #tpu.memory_space<hbm>> -> memref<112x128xf32, #tpu.memory_space<hbm>>
      %dma_start3A_857 = arith.constant 0 : i32
      %dma_start3A_858 = arith.constant 0 : i32
      %dma_start3A_859 = tpu.memref_slice %arg8[%dma_start3A_857, %dma_start3A_858] : memref<128x128xf32, #tpu.memory_space<vmem>> -> memref<112x128xf32, #tpu.memory_space<vmem>>
      tpu.enqueue_dma source(%dma_start3A_859 : memref<112x128xf32, #tpu.memory_space<vmem>>) target(%dma_start3A_856 : memref<112x128xf32, #tpu.memory_space<hbm>>) target_semaphore(%run_scoped3A_847 : memref<!tpu.dma_semaphore, #tpu.memory_space<semaphore_mem>>)
      %dma_wait3A_860 = arith.constant 0 : i32
      %dma_wait3A_861 = arith.constant 0 : i32
      %dma_wait3A_862 = tpu.memref_slice %arg8[%dma_wait3A_860, %dma_wait3A_861] : memref<128x128xf32, #tpu.memory_space<vmem>> -> memref<112x128xf32, #tpu.memory_space<vmem>>
      %dma_wait3A_863 = arith.constant 0 : i32
      %dma_wait3A_864 = tpu.memref_slice %arg5[%arg0, %add3A_844, %dma_wait3A_863] : memref<2x10000x128xf32, #tpu.memory_space<hbm>> -> memref<1x112x128xf32, #tpu.memory_space<hbm>>
      %dma_wait3A_865 = tpu.memref_squeeze %dma_wait3A_864 : memref<1x112x128xf32, #tpu.memory_space<hbm>> -> memref<112x128xf32, #tpu.memory_space<hbm>>
      %dma_wait3A_866 = arith.constant 0 : i32
      %dma_wait3A_867 = tpu.memref_slice %arg5[%arg0, %add3A_844, %dma_wait3A_866] : memref<2x10000x128xf32, #tpu.memory_space<hbm>> -> memref<1x112x128xf32, #tpu.memory_space<hbm>>
      %dma_wait3A_868 = tpu.memref_squeeze %dma_wait3A_867 : memref<1x112x128xf32, #tpu.memory_space<hbm>> -> memref<112x128xf32, #tpu.memory_space<hbm>>
      %dma_wait3A_869 = arith.constant 0 : i32
      %dma_wait3A_870 = arith.constant 0 : i32
      %dma_wait3A_871 = tpu.memref_slice %arg8[%dma_wait3A_869, %dma_wait3A_870] : memref<128x128xf32, #tpu.memory_space<vmem>> -> memref<112x128xf32, #tpu.memory_space<vmem>>
      tpu.wait_dma2 semaphore(%run_scoped3A_847 : memref<!tpu.dma_semaphore, #tpu.memory_space<semaphore_mem>>) src(%dma_wait3A_871 : memref<112x128xf32, #tpu.memory_space<vmem>>) dst(%dma_wait3A_868 : memref<112x128xf32, #tpu.memory_space<hbm>>)
      tpu.yield
    }) : () -> ()
    %eq3A = arith.constant 15 : i32
    %eq3A_845 = arith.cmpi eq, %arg1, %eq3A : i32
    %convert_element_type3A = arith.extui %eq3A_845 : i1 to i32
    %cond3A = arith.constant 0 : i32
    %cond3A_846 = arith.cmpi ne, %convert_element_type3A, %cond3A : i32
    scf.if %cond3A_846 {
      "tpu.region"() ({
        %run_scoped3A_847 = tpu.sem_alloc : memref<!tpu.dma_semaphore, #tpu.memory_space<semaphore_mem>>
        %dma_start3A_848 = arith.constant 9984 : i32
        %dma_start3A_849 = arith.constant 0 : i32
        %dma_start3A_850 = tpu.memref_slice %arg5[%arg0, %dma_start3A_848, %dma_start3A_849] : memref<2x10000x128xf32, #tpu.memory_space<hbm>> -> memref<1x16x128xf32, #tpu.memory_space<hbm>>
        %dma_start3A_851 = tpu.memref_squeeze %dma_start3A_850 : memref<1x16x128xf32, #tpu.memory_space<hbm>> -> memref<16x128xf32, #tpu.memory_space<hbm>>
        %dma_start3A_852 = arith.constant 9984 : i32
        %dma_start3A_853 = arith.constant 0 : i32
        %dma_start3A_854 = tpu.memref_slice %arg11[%dma_start3A_852, %dma_start3A_853] : memref<10240x128xf32, #tpu.memory_space<vmem_shared>> -> memref<16x128xf32, #tpu.memory_space<vmem_shared>>
        tpu.enqueue_dma source(%dma_start3A_854 : memref<16x128xf32, #tpu.memory_space<vmem_shared>>) target(%dma_start3A_851 : memref<16x128xf32, #tpu.memory_space<hbm>>) target_semaphore(%run_scoped3A_847 : memref<!tpu.dma_semaphore, #tpu.memory_space<semaphore_mem>>)
        %dma_wait3A_855 = arith.constant 9984 : i32
        %dma_wait3A_856 = arith.constant 0 : i32
        %dma_wait3A_857 = tpu.memref_slice %arg5[%arg0, %dma_wait3A_855, %dma_wait3A_856] : memref<2x10000x128xf32, #tpu.memory_space<hbm>> -> memref<1x16x128xf32, #tpu.memory_space<hbm>>
        %dma_wait3A_858 = tpu.memref_squeeze %dma_wait3A_857 : memref<1x16x128xf32, #tpu.memory_space<hbm>> -> memref<16x128xf32, #tpu.memory_space<hbm>>
        %dma_wait3A_859 = arith.constant 9984 : i32
        %dma_wait3A_860 = arith.constant 0 : i32
        %dma_wait3A_861 = tpu.memref_slice %arg11[%dma_wait3A_859, %dma_wait3A_860] : memref<10240x128xf32, #tpu.memory_space<vmem_shared>> -> memref<16x128xf32, #tpu.memory_space<vmem_shared>>
        tpu.wait_dma2 semaphore(%run_scoped3A_847 : memref<!tpu.dma_semaphore, #tpu.memory_space<semaphore_mem>>) src(%dma_wait3A_861 : memref<16x128xf32, #tpu.memory_space<vmem_shared>>) dst(%dma_wait3A_858 : memref<16x128xf32, #tpu.memory_space<hbm>>)
        tpu.yield
      }) : () -> ()
    } else {
    }
    return
  }
}

#map = affine_map<(d0, d1) -> (0)>
#map1 = affine_map<(d0, d1) -> (0, 0, 0)>
module attributes {stable_mosaic.version = 14 : i64} {
  func.func @_deg_body(%arg0: i32, %arg1: i32, %arg2: memref<320000xi32, #tpu.memory_space<hbm>>, %arg3: memref<320000xi32, #tpu.memory_space<hbm>>, %arg4: memref<2x32x10240xf32, #tpu.memory_space<hbm>>, %arg5: memref<10000xi32, #tpu.memory_space<vmem>>, %arg6: memref<10000xi32, #tpu.memory_space<vmem>>, %arg7: memref<10240xf32, #tpu.memory_space<vmem>>, %arg8: memref<10240xf32, #tpu.memory_space<vmem>>) attributes {dimension_semantics = [#tpu.dimension_semantics<core_parallel>, #tpu.dimension_semantics<subcore_parallel>], iteration_bounds = array<i64: 2, 16>, scalar_prefetch = 0 : i64, scratch_operands = 4 : i64, tpu.core_type = #tpu.core_type<sc_vector_subcore>, window_params = [{transform_indices = #map}, {transform_indices = #map}, {transform_indices = #map1}]} {
    %mul3A = arith.constant 16 : i32
    %mul3A_0 = arith.muli %arg0, %mul3A : i32
    %add3A = arith.addi %mul3A_0, %arg1 : i32
    %mul3A_1 = arith.constant 10000 : i32
    %mul3A_2 = arith.muli %add3A, %mul3A_1 : i32
    %multiple_of3A = tpu.assume_multiple %mul3A_2, 8 : i32
    %broadcast_in_dim3A = arith.constant 0.000000e+00 : f32
    %broadcast_in_dim3A_3 = vector.broadcast %broadcast_in_dim3A : f32 to vector<16xf32>
    %scan3A = arith.constant 0 : i32
    %scan3A_4 = arith.constant 0 : i32
    %scan3A_5 = arith.constant 160 : i32
    %scan3A_6 = arith.addi %scan3A_4, %scan3A_5 : i32
    %scan3A_7 = arith.constant 1 : i32
    scf.for %scan3A_21 = %scan3A_4 to %scan3A_6 step %scan3A_7  : i32 {
      %mul3A_22 = arith.constant 64 : i32
      %mul3A_23 = arith.muli %scan3A_21, %mul3A_22 : i32
      %add3A_24 = arith.constant 0 : i32
      %add3A_25 = arith.addi %mul3A_23, %add3A_24 : i32
      %swap3A = arith.index_cast %add3A_25 : i32 to index
      %swap3A_26 = tpu.vector_load %arg7[%swap3A] {strides = array<i32>} : memref<10240xf32, #tpu.memory_space<vmem>>, vector<16xf32>,
      tpu.vector_store %arg7[%swap3A], %broadcast_in_dim3A_3 {strides = array<i32>} : memref<10240xf32, #tpu.memory_space<vmem>>, vector<16xf32>,
      %mul3A_27 = arith.constant 64 : i32
      %mul3A_28 = arith.muli %scan3A_21, %mul3A_27 : i32
      %add3A_29 = arith.constant 0 : i32
      %add3A_30 = arith.addi %mul3A_28, %add3A_29 : i32
      %swap3A_31 = arith.index_cast %add3A_30 : i32 to index
      %swap3A_32 = tpu.vector_load %arg8[%swap3A_31] {strides = array<i32>} : memref<10240xf32, #tpu.memory_space<vmem>>, vector<16xf32>,
      tpu.vector_store %arg8[%swap3A_31], %broadcast_in_dim3A_3 {strides = array<i32>} : memref<10240xf32, #tpu.memory_space<vmem>>, vector<16xf32>,
      %mul3A_33 = arith.constant 64 : i32
      %mul3A_34 = arith.muli %scan3A_21, %mul3A_33 : i32
      %add3A_35 = arith.constant 16 : i32
      %add3A_36 = arith.addi %mul3A_34, %add3A_35 : i32
      %swap3A_37 = arith.index_cast %add3A_36 : i32 to index
      %swap3A_38 = tpu.vector_load %arg7[%swap3A_37] {strides = array<i32>} : memref<10240xf32, #tpu.memory_space<vmem>>, vector<16xf32>,
      tpu.vector_store %arg7[%swap3A_37], %broadcast_in_dim3A_3 {strides = array<i32>} : memref<10240xf32, #tpu.memory_space<vmem>>, vector<16xf32>,
      %mul3A_39 = arith.constant 64 : i32
      %mul3A_40 = arith.muli %scan3A_21, %mul3A_39 : i32
      %add3A_41 = arith.constant 16 : i32
      %add3A_42 = arith.addi %mul3A_40, %add3A_41 : i32
      %swap3A_43 = arith.index_cast %add3A_42 : i32 to index
      %swap3A_44 = tpu.vector_load %arg8[%swap3A_43] {strides = array<i32>} : memref<10240xf32, #tpu.memory_space<vmem>>, vector<16xf32>,
      tpu.vector_store %arg8[%swap3A_43], %broadcast_in_dim3A_3 {strides = array<i32>} : memref<10240xf32, #tpu.memory_space<vmem>>, vector<16xf32>,
      %mul3A_45 = arith.constant 64 : i32
      %mul3A_46 = arith.muli %scan3A_21, %mul3A_45 : i32
      %add3A_47 = arith.constant 32 : i32
      %add3A_48 = arith.addi %mul3A_46, %add3A_47 : i32
      %swap3A_49 = arith.index_cast %add3A_48 : i32 to index
      %swap3A_50 = tpu.vector_load %arg7[%swap3A_49] {strides = array<i32>} : memref<10240xf32, #tpu.memory_space<vmem>>, vector<16xf32>,
      tpu.vector_store %arg7[%swap3A_49], %broadcast_in_dim3A_3 {strides = array<i32>} : memref<10240xf32, #tpu.memory_space<vmem>>, vector<16xf32>,
      %mul3A_51 = arith.constant 64 : i32
      %mul3A_52 = arith.muli %scan3A_21, %mul3A_51 : i32
      %add3A_53 = arith.constant 32 : i32
      %add3A_54 = arith.addi %mul3A_52, %add3A_53 : i32
      %swap3A_55 = arith.index_cast %add3A_54 : i32 to index
      %swap3A_56 = tpu.vector_load %arg8[%swap3A_55] {strides = array<i32>} : memref<10240xf32, #tpu.memory_space<vmem>>, vector<16xf32>,
      tpu.vector_store %arg8[%swap3A_55], %broadcast_in_dim3A_3 {strides = array<i32>} : memref<10240xf32, #tpu.memory_space<vmem>>, vector<16xf32>,
      %mul3A_57 = arith.constant 64 : i32
      %mul3A_58 = arith.muli %scan3A_21, %mul3A_57 : i32
      %add3A_59 = arith.constant 48 : i32
      %add3A_60 = arith.addi %mul3A_58, %add3A_59 : i32
      %swap3A_61 = arith.index_cast %add3A_60 : i32 to index
      %swap3A_62 = tpu.vector_load %arg7[%swap3A_61] {strides = array<i32>} : memref<10240xf32, #tpu.memory_space<vmem>>, vector<16xf32>,
      tpu.vector_store %arg7[%swap3A_61], %broadcast_in_dim3A_3 {strides = array<i32>} : memref<10240xf32, #tpu.memory_space<vmem>>, vector<16xf32>,
      %mul3A_63 = arith.constant 64 : i32
      %mul3A_64 = arith.muli %scan3A_21, %mul3A_63 : i32
      %add3A_65 = arith.constant 48 : i32
      %add3A_66 = arith.addi %mul3A_64, %add3A_65 : i32
      %swap3A_67 = arith.index_cast %add3A_66 : i32 to index
      %swap3A_68 = tpu.vector_load %arg8[%swap3A_67] {strides = array<i32>} : memref<10240xf32, #tpu.memory_space<vmem>>, vector<16xf32>,
      tpu.vector_store %arg8[%swap3A_67], %broadcast_in_dim3A_3 {strides = array<i32>} : memref<10240xf32, #tpu.memory_space<vmem>>, vector<16xf32>,
    }
    %scan3A_8 = arith.constant 160 : i32
    "tpu.region"() ({
      %run_scoped3A_21 = tpu.sem_alloc : memref<!tpu.dma_semaphore, #tpu.memory_space<semaphore_mem>>
      %dma_start3A = tpu.memref_slice %arg2[%multiple_of3A] : memref<320000xi32, #tpu.memory_space<hbm>> -> memref<10000xi32, #tpu.memory_space<hbm>>
      %dma_start3A_22 = tpu.memref_slice %arg2[%multiple_of3A] : memref<320000xi32, #tpu.memory_space<hbm>> -> memref<10000xi32, #tpu.memory_space<hbm>>
      tpu.enqueue_dma source(%dma_start3A_22 : memref<10000xi32, #tpu.memory_space<hbm>>) target(%arg5 : memref<10000xi32, #tpu.memory_space<vmem>>) target_semaphore(%run_scoped3A_21 : memref<!tpu.dma_semaphore, #tpu.memory_space<semaphore_mem>>)
      %dma_wait3A = tpu.memref_slice %arg2[%multiple_of3A] : memref<320000xi32, #tpu.memory_space<hbm>> -> memref<10000xi32, #tpu.memory_space<hbm>>
      %dma_wait3A_23 = tpu.memref_slice %arg2[%multiple_of3A] : memref<320000xi32, #tpu.memory_space<hbm>> -> memref<10000xi32, #tpu.memory_space<hbm>>
      tpu.wait_dma2 semaphore(%run_scoped3A_21 : memref<!tpu.dma_semaphore, #tpu.memory_space<semaphore_mem>>) src(%dma_wait3A_23 : memref<10000xi32, #tpu.memory_space<hbm>>) dst(%arg5 : memref<10000xi32, #tpu.memory_space<vmem>>)
      tpu.yield
    }) : () -> ()
    "tpu.region"() ({
      %run_scoped3A_21 = tpu.sem_alloc : memref<!tpu.dma_semaphore, #tpu.memory_space<semaphore_mem>>
      %dma_start3A = tpu.memref_slice %arg3[%multiple_of3A] : memref<320000xi32, #tpu.memory_space<hbm>> -> memref<10000xi32, #tpu.memory_space<hbm>>
      %dma_start3A_22 = tpu.memref_slice %arg3[%multiple_of3A] : memref<320000xi32, #tpu.memory_space<hbm>> -> memref<10000xi32, #tpu.memory_space<hbm>>
      tpu.enqueue_dma source(%dma_start3A_22 : memref<10000xi32, #tpu.memory_space<hbm>>) target(%arg6 : memref<10000xi32, #tpu.memory_space<vmem>>) target_semaphore(%run_scoped3A_21 : memref<!tpu.dma_semaphore, #tpu.memory_space<semaphore_mem>>)
      %dma_wait3A = tpu.memref_slice %arg3[%multiple_of3A] : memref<320000xi32, #tpu.memory_space<hbm>> -> memref<10000xi32, #tpu.memory_space<hbm>>
      %dma_wait3A_23 = tpu.memref_slice %arg3[%multiple_of3A] : memref<320000xi32, #tpu.memory_space<hbm>> -> memref<10000xi32, #tpu.memory_space<hbm>>
      tpu.wait_dma2 semaphore(%run_scoped3A_21 : memref<!tpu.dma_semaphore, #tpu.memory_space<semaphore_mem>>) src(%dma_wait3A_23 : memref<10000xi32, #tpu.memory_space<hbm>>) dst(%arg6 : memref<10000xi32, #tpu.memory_space<vmem>>)
      tpu.yield
    }) : () -> ()
    %broadcast_in_dim3A_9 = arith.constant 1.000000e+00 : f32
    %broadcast_in_dim3A_10 = vector.broadcast %broadcast_in_dim3A_9 : f32 to vector<16xf32>
    %scan3A_11 = arith.constant 0 : i32
    %scan3A_12 = arith.constant 0 : i32
    %scan3A_13 = arith.constant 156 : i32
    %scan3A_14 = arith.addi %scan3A_12, %scan3A_13 : i32
    %scan3A_15 = arith.constant 1 : i32
    scf.for %scan3A_21 = %scan3A_12 to %scan3A_14 step %scan3A_15  : i32 {
      %mul3A_22 = arith.constant 64 : i32
      %mul3A_23 = arith.muli %scan3A_21, %mul3A_22 : i32
      %add3A_24 = arith.constant 0 : i32
      %add3A_25 = arith.addi %mul3A_23, %add3A_24 : i32
      %get3A_26 = arith.index_cast %add3A_25 : i32 to index
      %get3A_27 = tpu.vector_load %arg5[%get3A_26] {strides = array<i32>} : memref<10000xi32, #tpu.memory_space<vmem>>, vector<16xi32>,
      tpu.vector_store_idx %arg7[%get3A_27], %broadcast_in_dim3A_10 {add = true} : memref<10240xf32, #tpu.memory_space<vmem>>[vector<16xi32>], vector<16xf32>,
      %mul3A_28 = arith.constant 64 : i32
      %mul3A_29 = arith.muli %scan3A_21, %mul3A_28 : i32
      %add3A_30 = arith.constant 0 : i32
      %add3A_31 = arith.addi %mul3A_29, %add3A_30 : i32
      %get3A_32 = arith.index_cast %add3A_31 : i32 to index
      %get3A_33 = tpu.vector_load %arg6[%get3A_32] {strides = array<i32>} : memref<10000xi32, #tpu.memory_space<vmem>>, vector<16xi32>,
      tpu.vector_store_idx %arg8[%get3A_33], %broadcast_in_dim3A_10 {add = true} : memref<10240xf32, #tpu.memory_space<vmem>>[vector<16xi32>], vector<16xf32>,
      %mul3A_34 = arith.constant 64 : i32
      %mul3A_35 = arith.muli %scan3A_21, %mul3A_34 : i32
      %add3A_36 = arith.constant 16 : i32
      %add3A_37 = arith.addi %mul3A_35, %add3A_36 : i32
      %get3A_38 = arith.index_cast %add3A_37 : i32 to index
      %get3A_39 = tpu.vector_load %arg5[%get3A_38] {strides = array<i32>} : memref<10000xi32, #tpu.memory_space<vmem>>, vector<16xi32>,
      tpu.vector_store_idx %arg7[%get3A_39], %broadcast_in_dim3A_10 {add = true} : memref<10240xf32, #tpu.memory_space<vmem>>[vector<16xi32>], vector<16xf32>,
      %mul3A_40 = arith.constant 64 : i32
      %mul3A_41 = arith.muli %scan3A_21, %mul3A_40 : i32
      %add3A_42 = arith.constant 16 : i32
      %add3A_43 = arith.addi %mul3A_41, %add3A_42 : i32
      %get3A_44 = arith.index_cast %add3A_43 : i32 to index
      %get3A_45 = tpu.vector_load %arg6[%get3A_44] {strides = array<i32>} : memref<10000xi32, #tpu.memory_space<vmem>>, vector<16xi32>,
      tpu.vector_store_idx %arg8[%get3A_45], %broadcast_in_dim3A_10 {add = true} : memref<10240xf32, #tpu.memory_space<vmem>>[vector<16xi32>], vector<16xf32>,
      %mul3A_46 = arith.constant 64 : i32
      %mul3A_47 = arith.muli %scan3A_21, %mul3A_46 : i32
      %add3A_48 = arith.constant 32 : i32
      %add3A_49 = arith.addi %mul3A_47, %add3A_48 : i32
      %get3A_50 = arith.index_cast %add3A_49 : i32 to index
      %get3A_51 = tpu.vector_load %arg5[%get3A_50] {strides = array<i32>} : memref<10000xi32, #tpu.memory_space<vmem>>, vector<16xi32>,
      tpu.vector_store_idx %arg7[%get3A_51], %broadcast_in_dim3A_10 {add = true} : memref<10240xf32, #tpu.memory_space<vmem>>[vector<16xi32>], vector<16xf32>,
      %mul3A_52 = arith.constant 64 : i32
      %mul3A_53 = arith.muli %scan3A_21, %mul3A_52 : i32
      %add3A_54 = arith.constant 32 : i32
      %add3A_55 = arith.addi %mul3A_53, %add3A_54 : i32
      %get3A_56 = arith.index_cast %add3A_55 : i32 to index
      %get3A_57 = tpu.vector_load %arg6[%get3A_56] {strides = array<i32>} : memref<10000xi32, #tpu.memory_space<vmem>>, vector<16xi32>,
      tpu.vector_store_idx %arg8[%get3A_57], %broadcast_in_dim3A_10 {add = true} : memref<10240xf32, #tpu.memory_space<vmem>>[vector<16xi32>], vector<16xf32>,
      %mul3A_58 = arith.constant 64 : i32
      %mul3A_59 = arith.muli %scan3A_21, %mul3A_58 : i32
      %add3A_60 = arith.constant 48 : i32
      %add3A_61 = arith.addi %mul3A_59, %add3A_60 : i32
      %get3A_62 = arith.index_cast %add3A_61 : i32 to index
      %get3A_63 = tpu.vector_load %arg5[%get3A_62] {strides = array<i32>} : memref<10000xi32, #tpu.memory_space<vmem>>, vector<16xi32>,
      tpu.vector_store_idx %arg7[%get3A_63], %broadcast_in_dim3A_10 {add = true} : memref<10240xf32, #tpu.memory_space<vmem>>[vector<16xi32>], vector<16xf32>,
      %mul3A_64 = arith.constant 64 : i32
      %mul3A_65 = arith.muli %scan3A_21, %mul3A_64 : i32
      %add3A_66 = arith.constant 48 : i32
      %add3A_67 = arith.addi %mul3A_65, %add3A_66 : i32
      %get3A_68 = arith.index_cast %add3A_67 : i32 to index
      %get3A_69 = tpu.vector_load %arg6[%get3A_68] {strides = array<i32>} : memref<10000xi32, #tpu.memory_space<vmem>>, vector<16xi32>,
      tpu.vector_store_idx %arg8[%get3A_69], %broadcast_in_dim3A_10 {add = true} : memref<10240xf32, #tpu.memory_space<vmem>>[vector<16xi32>], vector<16xf32>,
    }
    %scan3A_16 = arith.constant 156 : i32
    %get3A = arith.constant 9984 : index
    %get3A_17 = tpu.vector_load %arg5[%get3A] {strides = array<i32>} : memref<10000xi32, #tpu.memory_space<vmem>>, vector<16xi32>,
    tpu.vector_store_idx %arg7[%get3A_17], %broadcast_in_dim3A_10 {add = true} : memref<10240xf32, #tpu.memory_space<vmem>>[vector<16xi32>], vector<16xf32>,
    %get3A_18 = arith.constant 9984 : index
    %get3A_19 = tpu.vector_load %arg6[%get3A_18] {strides = array<i32>} : memref<10000xi32, #tpu.memory_space<vmem>>, vector<16xi32>,
    tpu.vector_store_idx %arg8[%get3A_19], %broadcast_in_dim3A_10 {add = true} : memref<10240xf32, #tpu.memory_space<vmem>>[vector<16xi32>], vector<16xf32>,
    %run_scoped3A = arith.constant 0 : i32
    "tpu.region"() ({
      %run_scoped3A_21 = tpu.sem_alloc : memref<!tpu.dma_semaphore, #tpu.memory_space<semaphore_mem>>
      %dma_start3A = arith.constant 0 : i32
      %dma_start3A_22 = tpu.memref_slice %arg4[%run_scoped3A, %add3A, %dma_start3A] : memref<2x32x10240xf32, #tpu.memory_space<hbm>> -> memref<1x1x10240xf32, #tpu.memory_space<hbm>>
      %dma_start3A_23 = tpu.memref_squeeze %dma_start3A_22 : memref<1x1x10240xf32, #tpu.memory_space<hbm>> -> memref<10240xf32, #tpu.memory_space<hbm>>
      %dma_start3A_24 = arith.constant 0 : i32
      %dma_start3A_25 = tpu.memref_slice %arg4[%run_scoped3A, %add3A, %dma_start3A_24] : memref<2x32x10240xf32, #tpu.memory_space<hbm>> -> memref<1x1x10240xf32, #tpu.memory_space<hbm>>
      %dma_start3A_26 = tpu.memref_squeeze %dma_start3A_25 : memref<1x1x10240xf32, #tpu.memory_space<hbm>> -> memref<10240xf32, #tpu.memory_space<hbm>>
      tpu.enqueue_dma source(%arg7 : memref<10240xf32, #tpu.memory_space<vmem>>) target(%dma_start3A_26 : memref<10240xf32, #tpu.memory_space<hbm>>) target_semaphore(%run_scoped3A_21 : memref<!tpu.dma_semaphore, #tpu.memory_space<semaphore_mem>>)
      %dma_wait3A = arith.constant 0 : i32
      %dma_wait3A_27 = tpu.memref_slice %arg4[%run_scoped3A, %add3A, %dma_wait3A] : memref<2x32x10240xf32, #tpu.memory_space<hbm>> -> memref<1x1x10240xf32, #tpu.memory_space<hbm>>
      %dma_wait3A_28 = tpu.memref_squeeze %dma_wait3A_27 : memref<1x1x10240xf32, #tpu.memory_space<hbm>> -> memref<10240xf32, #tpu.memory_space<hbm>>
      %dma_wait3A_29 = arith.constant 0 : i32
      %dma_wait3A_30 = tpu.memref_slice %arg4[%run_scoped3A, %add3A, %dma_wait3A_29] : memref<2x32x10240xf32, #tpu.memory_space<hbm>> -> memref<1x1x10240xf32, #tpu.memory_space<hbm>>
      %dma_wait3A_31 = tpu.memref_squeeze %dma_wait3A_30 : memref<1x1x10240xf32, #tpu.memory_space<hbm>> -> memref<10240xf32, #tpu.memory_space<hbm>>
      tpu.wait_dma2 semaphore(%run_scoped3A_21 : memref<!tpu.dma_semaphore, #tpu.memory_space<semaphore_mem>>) src(%arg7 : memref<10240xf32, #tpu.memory_space<vmem>>) dst(%dma_wait3A_31 : memref<10240xf32, #tpu.memory_space<hbm>>)
      tpu.yield
    }) : () -> ()
    %run_scoped3A_20 = arith.constant 1 : i32
    "tpu.region"() ({
      %run_scoped3A_21 = tpu.sem_alloc : memref<!tpu.dma_semaphore, #tpu.memory_space<semaphore_mem>>
      %dma_start3A = arith.constant 0 : i32
      %dma_start3A_22 = tpu.memref_slice %arg4[%run_scoped3A_20, %add3A, %dma_start3A] : memref<2x32x10240xf32, #tpu.memory_space<hbm>> -> memref<1x1x10240xf32, #tpu.memory_space<hbm>>
      %dma_start3A_23 = tpu.memref_squeeze %dma_start3A_22 : memref<1x1x10240xf32, #tpu.memory_space<hbm>> -> memref<10240xf32, #tpu.memory_space<hbm>>
      %dma_start3A_24 = arith.constant 0 : i32
      %dma_start3A_25 = tpu.memref_slice %arg4[%run_scoped3A_20, %add3A, %dma_start3A_24] : memref<2x32x10240xf32, #tpu.memory_space<hbm>> -> memref<1x1x10240xf32, #tpu.memory_space<hbm>>
      %dma_start3A_26 = tpu.memref_squeeze %dma_start3A_25 : memref<1x1x10240xf32, #tpu.memory_space<hbm>> -> memref<10240xf32, #tpu.memory_space<hbm>>
      tpu.enqueue_dma source(%arg8 : memref<10240xf32, #tpu.memory_space<vmem>>) target(%dma_start3A_26 : memref<10240xf32, #tpu.memory_space<hbm>>) target_semaphore(%run_scoped3A_21 : memref<!tpu.dma_semaphore, #tpu.memory_space<semaphore_mem>>)
      %dma_wait3A = arith.constant 0 : i32
      %dma_wait3A_27 = tpu.memref_slice %arg4[%run_scoped3A_20, %add3A, %dma_wait3A] : memref<2x32x10240xf32, #tpu.memory_space<hbm>> -> memref<1x1x10240xf32, #tpu.memory_space<hbm>>
      %dma_wait3A_28 = tpu.memref_squeeze %dma_wait3A_27 : memref<1x1x10240xf32, #tpu.memory_space<hbm>> -> memref<10240xf32, #tpu.memory_space<hbm>>
      %dma_wait3A_29 = arith.constant 0 : i32
      %dma_wait3A_30 = tpu.memref_slice %arg4[%run_scoped3A_20, %add3A, %dma_wait3A_29] : memref<2x32x10240xf32, #tpu.memory_space<hbm>> -> memref<1x1x10240xf32, #tpu.memory_space<hbm>>
      %dma_wait3A_31 = tpu.memref_squeeze %dma_wait3A_30 : memref<1x1x10240xf32, #tpu.memory_space<hbm>> -> memref<10240xf32, #tpu.memory_space<hbm>>
      tpu.wait_dma2 semaphore(%run_scoped3A_21 : memref<!tpu.dma_semaphore, #tpu.memory_space<semaphore_mem>>) src(%arg8 : memref<10240xf32, #tpu.memory_space<vmem>>) dst(%dma_wait3A_31 : memref<10240xf32, #tpu.memory_space<hbm>>)
      tpu.yield
    }) : () -> ()
    return
  }
}

module attributes {stable_mosaic.version = 14 : i64} {
  func.func @_featscale_body(%arg0: i32, %arg1: memref<1024x128xf32, #tpu.memory_space<vmem>>, %arg2: memref<1x32x1024xf32, #tpu.memory_space<vmem>>, %arg3: memref<1024x128xf32, #tpu.memory_space<vmem>>) attributes {dimension_semantics = [#tpu.dimension_semantics<arbitrary>], iteration_bounds = array<i64: 10>, scalar_prefetch = 0 : i64, scratch_operands = 0 : i64, tpu.core_type = #tpu.core_type<tc>, window_params = [{transform_indices = @transform_0, window_bounds = array<i64: 1024, 128>}, {transform_indices = @transform_1, window_bounds = array<i64: 1, 32, 1024>}, {transform_indices = @transform_2, window_bounds = array<i64: 1024, 128>}]} {
    %get3A = arith.constant 0 : index
    %get3A_0 = arith.constant 0 : index
    %get3A_1 = arith.constant 0 : index
    %get3A_2 = vector.load %arg2[%get3A, %get3A_0, %get3A_1] : memref<1x32x1024xf32, #tpu.memory_space<vmem>>, vector<1x32x1024xf32>
    %get3A_3 = vector.shape_cast %get3A_2 : vector<1x32x1024xf32> to vector<32x1024xf32>
    %reduce_sum3A = arith.constant dense<0.000000e+00> : vector<1024xf32>
    %reduce_sum3A_4 = vector.multi_reduction <add>, %get3A_3, %reduce_sum3A [0] : vector<32x1024xf32> to vector<1024xf32>
    %max3A = arith.constant 1.000000e+00 : f32
    %max3A_5 = vector.broadcast %max3A : f32 to vector<1024xf32>
    %max3A_6 = arith.maximumf %reduce_sum3A_4, %max3A_5 : vector<1024xf32>
    %rsqrt3A = math.rsqrt %max3A_6 : vector<1024xf32>
    %get3A_7 = arith.constant 0 : index
    %get3A_8 = arith.constant 0 : index
    %get3A_9 = vector.load %arg1[%get3A_7, %get3A_8] : memref<1024x128xf32, #tpu.memory_space<vmem>>, vector<1024x128xf32>
    %broadcast_in_dim3A = vector.shape_cast %rsqrt3A : vector<1024xf32> to vector<1024x1xf32>
    %mul3A = vector.broadcast %broadcast_in_dim3A : vector<1024x1xf32> to vector<1024x128xf32>
    %mul3A_10 = arith.mulf %get3A_9, %mul3A : vector<1024x128xf32>
    %swap3A = arith.constant 0 : index
    %swap3A_11 = arith.constant 0 : index
    %swap3A_12 = vector.load %arg3[%swap3A, %swap3A_11] : memref<1024x128xf32, #tpu.memory_space<vmem>>, vector<1024x128xf32>
    tpu.vector_store %arg3[%swap3A, %swap3A_11], %mul3A_10 {strides = array<i32>} : memref<1024x128xf32, #tpu.memory_space<vmem>>, vector<1024x128xf32>,
    return
  }
  func.func @transform_0(%arg0: i32) -> (i32, i32) {
    %c0_i32 = arith.constant 0 : i32
    %c0_i32_0 = arith.constant 0 : i32
    return %arg0, %c0_i32 : i32, i32
  }
  func.func @transform_1(%arg0: i32) -> (i32, i32, i32) {
    %c0_i32 = arith.constant 0 : i32
    %c0_i32_0 = arith.constant 0 : i32
    %c0_i32_1 = arith.constant 0 : i32
    return %c0_i32, %c0_i32_0, %arg0 : i32, i32, i32
  }
  func.func @transform_2(%arg0: i32) -> (i32, i32) {
    %c0_i32 = arith.constant 0 : i32
    %c0_i32_0 = arith.constant 0 : i32
    return %arg0, %c0_i32 : i32, i32
  }
}

module attributes {stable_mosaic.version = 14 : i64} {
  func.func @_out_body(%arg0: i32, %arg1: memref<2x1024x128xf32, #tpu.memory_space<vmem>>, %arg2: memref<1x32x1024xf32, #tpu.memory_space<vmem>>, %arg3: memref<128x128xf32, #tpu.memory_space<vmem>>, %arg4: memref<128xf32, #tpu.memory_space<vmem>>, %arg5: memref<1024x128xf32, #tpu.memory_space<vmem>>) attributes {dimension_semantics = [#tpu.dimension_semantics<arbitrary>], iteration_bounds = array<i64: 10>, scalar_prefetch = 0 : i64, scratch_operands = 0 : i64, tpu.core_type = #tpu.core_type<tc>, window_params = [{transform_indices = @transform_0, window_bounds = array<i64: 2, 1024, 128>}, {transform_indices = @transform_1, window_bounds = array<i64: 1, 32, 1024>}, {pipeline_mode = #tpu.pipeline_mode<synchronous>, transform_indices = @transform_2, window_bounds = array<i64: 128, 128>}, {pipeline_mode = #tpu.pipeline_mode<synchronous>, transform_indices = @transform_3, window_bounds = array<i64: 128>}, {transform_indices = @transform_4, window_bounds = array<i64: 1024, 128>}]} {
    %get3A = arith.constant 0 : index
    %get3A_0 = arith.constant 0 : index
    %get3A_1 = arith.constant 0 : index
    %get3A_2 = vector.load %arg1[%get3A, %get3A_0, %get3A_1] : memref<2x1024x128xf32, #tpu.memory_space<vmem>>, vector<1x1024x128xf32>
    %get3A_3 = vector.shape_cast %get3A_2 : vector<1x1024x128xf32> to vector<1024x128xf32>
    %get3A_4 = arith.constant 1 : index
    %get3A_5 = arith.constant 0 : index
    %get3A_6 = arith.constant 0 : index
    %get3A_7 = vector.load %arg1[%get3A_4, %get3A_5, %get3A_6] : memref<2x1024x128xf32, #tpu.memory_space<vmem>>, vector<1x1024x128xf32>
    %get3A_8 = vector.shape_cast %get3A_7 : vector<1x1024x128xf32> to vector<1024x128xf32>
    %add3A = arith.addf %get3A_3, %get3A_8 : vector<1024x128xf32>
    %get3A_9 = arith.constant 0 : index
    %get3A_10 = arith.constant 0 : index
    %get3A_11 = arith.constant 0 : index
    %get3A_12 = vector.load %arg2[%get3A_9, %get3A_10, %get3A_11] : memref<1x32x1024xf32, #tpu.memory_space<vmem>>, vector<1x32x1024xf32>
    %get3A_13 = vector.shape_cast %get3A_12 : vector<1x32x1024xf32> to vector<32x1024xf32>
    %reduce_sum3A = arith.constant dense<0.000000e+00> : vector<1024xf32>
    %reduce_sum3A_14 = vector.multi_reduction <add>, %get3A_13, %reduce_sum3A [0] : vector<32x1024xf32> to vector<1024xf32>
    %max3A = arith.constant 1.000000e+00 : f32
    %max3A_15 = vector.broadcast %max3A : f32 to vector<1024xf32>
    %max3A_16 = arith.maximumf %reduce_sum3A_14, %max3A_15 : vector<1024xf32>
    %rsqrt3A = math.rsqrt %max3A_16 : vector<1024xf32>
    %broadcast_in_dim3A = vector.shape_cast %rsqrt3A : vector<1024xf32> to vector<1024x1xf32>
    %mul3A = vector.broadcast %broadcast_in_dim3A : vector<1024x1xf32> to vector<1024x128xf32>
    %mul3A_17 = arith.mulf %add3A, %mul3A : vector<1024x128xf32>
    %get3A_18 = arith.constant 0 : index
    %get3A_19 = arith.constant 0 : index
    %get3A_20 = vector.load %arg3[%get3A_18, %get3A_19] : memref<128x128xf32, #tpu.memory_space<vmem>>, vector<128x128xf32>
    %dot_general3A = arith.constant dense<0.000000e+00> : vector<1024x128xf32>
    %dot_general3A_21 = tpu.matmul %mul3A_17, %get3A_20, %dot_general3A {dimension_numbers = #tpu.dot_dimension_numbers<[1], [0], [0], [1], [0, 0, 1, 1], [], []>, transpose_lhs_hint = false} : vector<1024x128xf32>, vector<128x128xf32>, vector<1024x128xf32> -> vector<1024x128xf32>
    %get3A_22 = arith.constant 0 : index
    %get3A_23 = vector.load %arg4[%get3A_22] : memref<128xf32, #tpu.memory_space<vmem>>, vector<128xf32>
    %broadcast_in_dim3A_24 = vector.shape_cast %get3A_23 : vector<128xf32> to vector<1x128xf32>
    %add3A_25 = vector.broadcast %broadcast_in_dim3A_24 : vector<1x128xf32> to vector<1024x128xf32>
    %add3A_26 = arith.addf %dot_general3A_21, %add3A_25 : vector<1024x128xf32>
    %ge3A = arith.constant 0.000000e+00 : f32
    %ge3A_27 = vector.broadcast %ge3A : f32 to vector<1024x128xf32>
    %ge3A_28 = arith.cmpf oge, %add3A_26, %ge3A_27 : vector<1024x128xf32>
    %mul3A_29 = arith.constant 0.00999999977 : f32
    %mul3A_30 = vector.broadcast %mul3A_29 : f32 to vector<1024x128xf32>
    %mul3A_31 = arith.mulf %mul3A_30, %add3A_26 : vector<1024x128xf32>
    %select_n3A = arith.select %ge3A_28, %add3A_26, %mul3A_31 : vector<1024x128xi1>, vector<1024x128xf32>
    %swap3A = arith.constant 0 : index
    %swap3A_32 = arith.constant 0 : index
    %swap3A_33 = vector.load %arg5[%swap3A, %swap3A_32] : memref<1024x128xf32, #tpu.memory_space<vmem>>, vector<1024x128xf32>
    tpu.vector_store %arg5[%swap3A, %swap3A_32], %select_n3A {strides = array<i32>} : memref<1024x128xf32, #tpu.memory_space<vmem>>, vector<1024x128xf32>,
    return
  }
  func.func @transform_0(%arg0: i32) -> (i32, i32, i32) {
    %c0_i32 = arith.constant 0 : i32
    %c0_i32_0 = arith.constant 0 : i32
    %c0_i32_1 = arith.constant 0 : i32
    return %c0_i32, %arg0, %c0_i32_0 : i32, i32, i32
  }
  func.func @transform_1(%arg0: i32) -> (i32, i32, i32) {
    %c1_i32 = arith.constant 1 : i32
    %c0_i32 = arith.constant 0 : i32
    %c0_i32_0 = arith.constant 0 : i32
    return %c1_i32, %c0_i32, %arg0 : i32, i32, i32
  }
  func.func @transform_2(%arg0: i32) -> (i32, i32) {
    %c0_i32 = arith.constant 0 : i32
    %c0_i32_0 = arith.constant 0 : i32
    %c0_i32_1 = arith.constant 0 : i32
    return %c0_i32, %c0_i32_0 : i32, i32
  }
  func.func @transform_3(%arg0: i32) -> i32 {
    %c0_i32 = arith.constant 0 : i32
    %c0_i32_0 = arith.constant 0 : i32
    return %c0_i32 : i32
  }
  func.func @transform_4(%arg0: i32) -> (i32, i32) {
    %c0_i32 = arith.constant 0 : i32
    %c0_i32_0 = arith.constant 0 : i32
    return %arg0, %c0_i32 : i32, i32
  }
}

</mosaic_0001>

<sc_bundles>
// kernel: kernel.6.cloned.1.call-start
scs
__scs_entry_jumppad:
0x0: {  	(pc) =	sbr.rel $0x88, $3  }
0x1: {  	(tag) =	ssettag $0x0;
	lr =	simm.s32 $0x1  }
0x2: {  	[smem:$0x3F9D] =	sst lr;
	_ =	strace $0xD0000000  }
0x3: {  	_ = 	snop  }
0x4: {  	_ = 	snop  }
0x5: {  	_ = 	snop  }
0x6: {  	_ = 	snop  }
0x7: {  	_ = 	snop  }
__scs_overlays_trampoline_lowered:
0x8: {  	[smem:$0x3FAC] =	sst s0  }
0x9: {  	[smem:$0x3FAD] =	sst s1  }
0xa: {  	[smem:$0x3FAE] =	sst s2  }
0xb: {  	[smem:$0x3FAF] =	sst s3  }
0xc: {  	[smem:$0x3FB0] =	sst s4  }
0xd: {  	[smem:$0x3FB1] =	sst s5  }
0xe: {  	[smem:$0x3FB2] =	sst s6  }
0xf: {  	[smem:$0x3FB3] =	sst s7  }
0x10: {  	[smem:$0x3FB4] =	sst s8  }
0x11: {  	[smem:$0x3FB5] =	sst s9;
	s0 =	simm.s32 @!p0 $0x0  }
0x12: {  	s1 =	sld [smem:$0x3F9B];
	s0 =	simm.s32 @p0 $0x1  }
0x13: {  	[smem:$0x3FB6] =	sst s0;
	s0 =	simm.s32 @!p1 $0x0  }
0x14: {  	s2 =	sld [smem:$0x3F9A];
	s0 =	simm.s32 @p1 $0x1  }
0x15: {  	[smem:$0x3FB7] =	sst s0;
	s0 =	simm.s32 @!p2 $0x0  }
0x16: {  	s3 =	sld [smem:$0x3FDB];
	s0 =	simm.s32 @p2 $0x1  }
0x17: {  	s4 =	simm.s32 $0x1BF5;
	[smem:$0x3FB9] =	sst s0  }
0x18: {  	s0 =	sld [smem:$0x3F9C];
	_ =	swait.ge [sflag:s4], $0x0  }
0x19: {  	s7 =	sld [smem:$0x3F9D]  }
0x1a: {  	s8 =	sadd.s32 $0xFFFFE003, lr  }
0x1b: {  	s9 =	sadd.s32 $0xFFFFFEF7, lr;
	s5 =	simm.s32 $0xFFFFFFFF;
	p2 =	slt.u32 s8, $0xFFFFF086  }
0x1c: {  	p1 =	slt.u32 s9, $0xF7A;
	s5 =	simm.s32 @!p2 $0x0  }
0x1d: {  	s5 =	simm.s32 @p1 $0x1;
	p0 =	seq.s32 s7, s2  }
0x1e: {  	s7 =	smul.u32 @!p0 $0xF7A, s2;
	p2 =	seq.s32 @!p0 s5, $0x0  }
0x1f: {  	s9 =	smul.u32 $0xF7A, s1;
	s8 =	simm.s32 @!p0 $0x1BF5;
	p2 =	por !p2, p0  }
0x20: {  	[sflag:s8] =	ssyncset.s32 @!p0 $0xFFFFF086;
	s6 =	sadd.s32 @!p0 s3, s7;
	s7 =	simm.s32 @!p0 $0x108  }
0x21: {  	s3 =	sadd.s32 s3, s9;
	s6 =	sadd.s32 @!p0 $0x88, s6;
	s7 =	simm.s32 @p2 $0x1082  }
0x22: {  	[simem:s7], [sflag:s8] =	dma.local @!p0 [hbm:s6], $0xF7A  }
0x23: {  	s9 =	sor.u32 $0xD0000000, s2;
	s6 =	simm.s32 $0x108;
	_ =	swait.ge @!p0 [sflag:s8], $0x0  }
0x24: {  	s3 =	sadd.s32 $0x88, s3;
	s6 =	simm.s32 @!p1 $0x1082;
	[sflag:s4] =	ssyncset.s32 $0xFFFFF086  }
0x25: {  	[simem:s6], [sflag:s4] =	dma.local [hbm:s3], $0xF7A  }
0x26: {  	[smem:$0x3F9D] =	sst s1;
	(tag) =	ssettag s2;
	_ =	strace s9  }
0x27: {  	s1 =	sld [smem:$0x3FAD]  }
0x28: {  	s2 =	sld [smem:$0x3FAE]  }
0x29: {  	s4 =	sld [smem:$0x3FB0]  }
0x2a: {  	p0 =	seq.s32 s5, $0x0;
	s5 =	sld [smem:$0x3FB1]  }
0x2b: {  	s6 =	sld [smem:$0x3FB2]  }
0x2c: {  	s7 =	sld [smem:$0x3FB3]  }
0x2d: {  	s3 =	simm.s32 $0x108;
	s8 =	sld [smem:$0x3FB4]  }
0x2e: {  	s3 =	simm.s32 @!p0 $0x1082;
	s9 =	sld [smem:$0x3FB5]  }
0x2f: {  	lr =	sadd.s32 s0, s3;
	s0 =	sld [smem:$0x3FAC]  }
0x30: {  	s3 =	sld [smem:$0x3FAF]  }
0x31: {  	[smem:$0x3FB8] =	sst s10  }
0x32: {  	s10 =	sld [smem:$0x3FB6];
	_ =	sdelay $0x3  }
0x33: {  	p0 =	seq.s32 s10, $0x1;
	s10 =	sld [smem:$0x3FB8];
	_ =	sdelay $0x3  }
0x34: {  	[smem:$0x3FB8] =	sst s10  }
0x35: {  	s10 =	sld [smem:$0x3FB7];
	_ =	sdelay $0x3  }
0x36: {  	p1 =	seq.s32 s10, $0x1;
	s10 =	sld [smem:$0x3FB8];
	_ =	sdelay $0x3  }
0x37: {  	[smem:$0x3FB8] =	sst s10  }
0x38: {  	s10 =	sld [smem:$0x3FB9]  }
0x39: {  	_ = 	snop;
	(pc) =	sbr.ind lr, $3  }
0x3a: {  	_ = 	snop  }
0x3b: {  	_ = 	snop  }
0x3c: {  	p2 =	seq.s32 s10, $0x1;
	s10 =	sld [smem:$0x3FB8]  }
0x3d: {  	_ =	shalt  }
0x3e: {  	_ =	shalt  }
0x3f: {  	_ =	shalt  }
0x40: {  	_ =	shalt  }
0x41: {  	_ =	shalt  }
0x42: {  	_ =	shalt  }
0x43: {  	_ =	shalt  }
0x44: {  	_ =	shalt  }
0x45: {  	_ =	shalt  }
0x46: {  	_ =	shalt  }
0x47: {  	_ =	shalt  }
0x48: {  	_ =	shalt  }
0x49: {  	_ =	shalt  }
0x4a: {  	_ =	shalt  }
0x4b: {  	_ =	shalt  }
0x4c: {  	_ =	shalt  }
0x4d: {  	_ =	shalt  }
0x4e: {  	_ =	shalt  }
0x4f: {  	_ =	shalt  }
0x50: {  	_ =	shalt  }
0x51: {  	_ =	shalt  }
0x52: {  	_ =	shalt  }
0x53: {  	_ =	shalt  }
0x54: {  	_ =	shalt  }
0x55: {  	_ =	shalt  }
0x56: {  	_ =	shalt  }
0x57: {  	_ =	shalt  }
0x58: {  	_ =	shalt  }
0x59: {  	_ =	shalt  }
0x5a: {  	_ =	shalt  }
0x5b: {  	_ =	shalt  }
0x5c: {  	_ =	shalt  }
0x5d: {  	_ =	shalt  }
0x5e: {  	_ =	shalt  }
0x5f: {  	_ =	shalt  }
0x60: {  	_ =	shalt  }
0x61: {  	_ =	shalt  }
0x62: {  	_ =	shalt  }
0x63: {  	_ =	shalt  }
0x64: {  	_ =	shalt  }
0x65: {  	_ =	shalt  }
0x66: {  	_ =	shalt  }
0x67: {  	_ =	shalt  }
0x68: {  	_ =	shalt  }
0x69: {  	_ =	shalt  }
0x6a: {  	_ =	shalt  }
0x6b: {  	_ =	shalt  }
0x6c: {  	_ =	shalt  }
0x6d: {  	_ =	shalt  }
0x6e: {  	_ =	shalt  }
0x6f: {  	_ =	shalt  }
0x70: {  	_ =	shalt  }
0x71: {  	_ =	shalt  }
0x72: {  	_ =	shalt  }
0x73: {  	_ =	shalt  }
0x74: {  	_ =	shalt  }
0x75: {  	_ =	shalt  }
0x76: {  	_ =	shalt  }
0x77: {  	_ =	shalt  }
0x78: {  	_ =	shalt  }
0x79: {  	_ =	shalt  }
0x7a: {  	_ =	shalt  }
0x7b: {  	_ =	shalt  }
0x7c: {  	_ =	shalt  }
0x7d: {  	_ =	shalt  }
0x7e: {  	_ =	shalt  }
0x7f: {  	_ =	shalt  }
0x80: {  	_ =	shalt  }
0x81: {  	_ =	shalt  }
0x82: {  	_ =	shalt  }
0x83: {  	_ =	shalt  }
0x84: {  	_ =	shalt  }
0x85: {  	_ =	shalt  }
0x86: {  	_ =	shalt  }
0x87: {  	_ =	shalt  }
.Lfunc_end0:
.L_simem_size_0:
called_computation_lowered:
.L_overlay_start_0:
0x88: {  	s2 =	sld [smem:$0x3FD9]  }
0x89: {  	s3 =	sld [smem:$0x3FFE];
	_ =	sdelay $0x1  }
0x8a: {  	s1 =	srdreg.scid  }
0x8b: {  	s0 =	sand.u32 $0x1, s1  }
0x8c: {  	s17 =	sshll.u32 s0, $0xA;
	s2 =	sadd.s32 s3, s2  }
0x8d: {  	s2 =	sadd.s32 s2, s17  }
0x8e: {  	[smem:$0x3FC4] =	sst s2  }
0x8f: {  	_ = 	snop  }
0x90: {  	s2 =	sld [smem:$0x3FD0];
	(tm) =	ssettm $0x1  }
0x91: {  	s18 =	sld [smem:$0x3FFB];
	_ =	sdelay $0x3  }
0x92: {  	_ =	strace s18  }
0x93: {  	s3 =	sld [smem:$0x3FFC];
	_ =	sdelay $0x3  }
0x94: {  	_ =	strace s3  }
0x95: {  	s3 =	sld [smem:$0x3FFD];
	_ =	sdelay $0x3  }
0x96: {  	_ =	strace s3  }
0x97: {  	_ =	strace $0x8FFFFFFF  }
0x98: {  	s19 =	sld [smem:$0x3FDB];
	_ =	sdelay $0x1  }
0x99: {  	s4 =	simm.s32 $_scs_section_size  }
0x9a: {  	s5 =	simm.s32 $_size__tile_overlayer_lowered;
	s6 =	simm.s32 $_tile_overlayer_lowered  }
0x9b: {  	s22 =	simm.s32 $0x1BFF;
	s21 =	sshll.u32 s6, $0x1;
	s3 =	sadd.s32 s4, s19  }
0x9c: {  	s7 =	simm.s32 $0x0;
	s20 =	sshll.u32 s5, $0x1;
	s5 =	sadd.s32 s21, s3  }
0x9d: {  	[timem:s7], [sflag:s22] =	dma.local [hbm:s5], s20  }
0x9e: {  	_ =	swait.ge [sflag:s22], s20  }
0x9f: {  	s4 =	ssub.s32 $0x0, s20;
	[sflag:s22] =	ssyncset.done $0x0  }
0xa0: {  	[sflag:s22] =	ssyncadd.s32 s4;
	_ =	sdelay $0x1  }
0xa1: {  	s23 =	simm.s32 $0x1B8B  }
0xa2: {  	_ =	swait.ge [sflag:s23], $0x1  }
0xa3: {  	[sflag:s23] =	ssyncset.done $0x0  }
0xa4: {  	s25 =	simm.s32 $0x1B8E;
	s24 =	sld [smem:$0x3FFE];
	[sflag:s23] =	ssyncadd.s32 $0xFFFFFFFF  }
0xa5: {  	s26 =	simm.s32 $execute0_lowered;
	[smem:$0x3FD2] =	sst s25  }
0xa6: {  	s5 =	sshll.u32 s26, $0x1;
	_ =	strace $0x80000046;
	[dreg:$0x1] =	wrdreg $0xFFFFFFFF  }
0xa7: {  	s28 =	simm.s32 $_size_execute0_lowered;
	s3 =	sadd.s32 s3, s5;
	[dreg:$0x0] =	wrdreg $0x0  }
0xa8: {  	s5 =	sshll.u32 s28, $0x1;
	[dreg:$0x2] =	wrdreg s3  }
0xa9: {  	[dreg:$0x3] =	wrdreg s5  }
0xaa: {  	[dreg:$0x4] =	wrdreg $0xC0  }
0xab: {  	_ =	task [dreg:s7], $0x5FFFF  }
0xac: {  	[dreg:$0x1] =	wrdreg $0xFFFFFFFF  }
0xad: {  	[dreg:$0x0] =	wrdreg $0x60  }
0xae: {  	[dreg:$0x2] =	wrdreg s24  }
0xaf: {  	[dreg:$0x3] =	wrdreg s2  }
0xb0: {  	[dreg:$0x4] =	wrdreg $0x9  }
0xb1: {  	_ =	task.clear_ibuf [dreg:s7], $0x5FFFF;
	_ =	strace $0x90000046  }
0xb2: {  	s29 =	simm.s32 $0x9;
	_ =	strace $0x80000048  }
0xb3: {  	_ =	swait.ge [sflag:s29], $0x1  }
0xb4: {  	[sflag:s29] =	ssyncadd.s32 $0xFFFFFFFF  }
0xb5: {  	_ =	strace $0x90000048  }
0xb6: {  	_ =	sfence  }
0xb7: {  	s30 =	sld [smem:$0x0];
	_ =	sdelay $0x2  }
0xb8: {  	s31 =	sshll.u32 s1, $0xD;
	s1 =	sshrl.u32 s1, $0x2  }
0xb9: {  	s3 =	sand.u32 $0x4000, s31;
	s1 =	sadd.s32 s1, s30  }
0xba: {  	s0 =	sor.u32 s3, s0;
	s1 =	sshll.u32 s1, $0x11  }
0xbb: {  	s0 =	sor.u32 s1, s0  }
0xbc: {  	s0 =	sadd.s32 $0x8F2B, s0  }
0xbd: {  	[sflag:s0] =	ssyncadd.remote.s32 $0x1  }
0xbe: {  	_ =	sfence.sel $0xFFFF  }
0xbf: {  	[dreg:$0x0] =	wrdreg $0xFFFFFFFF;
	(pc) =	sbr.abs _section_cstart, $3  }
0xc0: {  	[dreg:$0x1] =	wrdreg $0xFFFFFFFF  }
0xc1: {  	_ =	task.clear_ibuf [dreg:s7], $0x2FFFF;
	_ =	strace $0x9FFFFFFF  }
0xc2: {  	(tm) =	ssettm $0x7FFFFFFF  }
0xc3: {  	_ =	shalt  }
tec
execute0_lowered:
.L_overlay_start_1:
0x0: {  	(tag) =	ssettag $0x1  }
0x1: {  	s0 =	srdreg.scid;
	s3 =	rddreg [dreg:$0x0]  }
0x2: {  	s6 =	rddreg [dreg:$0x1];
	s1 =	stileid.u32;
	s10 =	simm.s32 $0x4F00  }
0x3: {  	s11 =	simm.s32 $0x7700;
	s12 =	simm.s32 $0x80;
	s4 =	sand.u32 $0x1, s0  }
0x4: {  	s13 =	simm.s32 $0x400;
	s0 =	rddreg [dreg:$0x2];
	s2 =	sshll.u32 s4, $0x4  }
0x5: {  	s8 =	sshll.u32 s1, $0x7;
	s4 =	ssub.s32 $0x2, s4;
	s5 =	sor.u32 s1, s2  }
0x6: {  	s8 =	sand.u32 $0x380, s8;
	s7 =	smul.u32 $0x4E2, s5;
	s5 =	sshrl.u32 s5, $0x3  }
0x7: {  	s2 =	simm.s32 $0x0;
	s29 =	sshrl.u32 s4, $0x1;
	s5 =	smul.u32 $0x14000, s5  }
0x8: {  	[smem:$0x7FF] =	sst s2;
	s30 =	ssub.s32 s4, s29;
	s7 =	sadd.s32 s7, s3  }
0x9: {  	_ =	strace $0x80000047;
	s5 =	sor.u32 s8, s5;
	s3 =	sadd.s32 $0xB600, s7  }
0xa: {  	s4 =	sadd.s32 $0x1800, s7;
	s7 =	smax.u32 s30, $0x1;
	s9 =	sadd.s32 $0x50000, s5  }
0xb: {  	s8 =	simm.s32 $0x1;
	s5 =	sshrl.u32 s5, $0x3;
	s31 =	sshrl.u32 s9, $0x3  }
0xc: {  	v0 =	vimm.f32 $0.0e+00;
	v1 =	vimm.f32 $1.000000000e+00;
	s5 =	sadd.s32 s6, s5;
	s9 =	simm.s32 $0x2780;
	s6 =	sadd.s32 s6, s31  }
.LBB2_1:
0xd: {  	s14 =	simm.s32 $0x0;
	s15 =	simm.s32 $0x100  }
.LBB2_2:
0xe: {  	p0 =	sne.s32 s15, $0x9F00;
	[tilespmem:s14+$0x7730] =	vst v0  }
0xf: {  	[tilespmem:s14+$0x4F00] =	vst v0  }
0x10: {  	[tilespmem:s14+$0x7700] =	vst v0  }
.Ltmp0:
0x11: {  	[tilespmem:s14+$0x4F10] =	vst v0;
	(pc) =	sbr.rel @p0 .LBB2_2-.Ltmp0, $4  }
0x12: {  	[tilespmem:s14+$0x7710] =	vst v0  }
0x13: {  	[tilespmem:s14+$0x4F20] =	vst v0  }
0x14: {  	[tilespmem:s14+$0x7720] =	vst v0  }
0x15: {  	[tilespmem:s14+$0x4F30] =	vst v0;
	s14 =	sshra.s32 s15, $0x2;
	s15 =	sadd.s32 $0x100, s15  }
0x16: {  	[tilespmem:s14+$0x7730] =	vst v0  }
0x17: {  	[tilespmem:s14+$0x4F00] =	vst v0  }
0x18: {  	[tilespmem:s14+$0x7700] =	vst v0  }
0x19: {  	[tilespmem:s14+$0x4F10] =	vst v0  }
0x1a: {  	[tilespmem:s14+$0x7710] =	vst v0  }
0x1b: {  	[tilespmem:s14+$0x4F20] =	vst v0  }
0x1c: {  	[tilespmem:s14+$0x7720] =	vst v0  }
0x1d: {  	[tilespmem:s14+$0x4F30] =	vst v0;
	s14 =	simm.s32 $0x0  }
0x1e: {  	[tilespmem:s14], [sflag:$0x1] =	stream.linear.gather [hbm4b:s3+s14], $0x2710, $0x38;
	[tilespmem:$0x9F00] =	vst v63  }
0x1f: {  	_ =	swait.ge [sflag:s8], $0x2710  }
0x20: {  	[sflag:s8] =	ssyncset.done $0x0  }
0x21: {  	[sflag:s8] =	ssyncadd.s32 $0xFFFFD8F0  }
0x22: {  	[tilespmem:s9], [sflag:$0x1] =	stream.linear.gather [hbm4b:s4+s14], $0x2710, $0x38;
	[tilespmem:$0x9F00] =	vst v63  }
0x23: {  	_ =	swait.ge [sflag:s8], $0x2710  }
0x24: {  	[sflag:s8] =	ssyncset.done $0x0  }
0x25: {  	[sflag:s8] =	ssyncadd.s32 $0xFFFFD8F0  }
.LBB2_4:
0x26: {  	s15 =	sshra.s32 s14, $0x2  }
0x27: {  	v2 =	vld [tilespmem:s15+$0x0];
	_ =	sdelay $0x7  }
0x28: {  	[tilespmem:v2+s10+$0x0] =	vst.idx.add.f32.msk $0xffff, v1  }
0x29: {  	v2 =	vld [tilespmem:s15+$0x2780];
	_ =	sdelay $0x7  }
0x2a: {  	[tilespmem:v2+s11+$0x0] =	vst.idx.add.f32.msk $0xffff, v1  }
0x2b: {  	v2 =	vld [tilespmem:s15+$0x10];
	_ =	sdelay $0x7  }
0x2c: {  	[tilespmem:v2+s10+$0x0] =	vst.idx.add.f32.msk $0xffff, v1  }
0x2d: {  	v2 =	vld [tilespmem:s15+$0x2790];
	_ =	sdelay $0x7  }
0x2e: {  	[tilespmem:v2+s11+$0x0] =	vst.idx.add.f32.msk $0xffff, v1  }
0x2f: {  	v2 =	vld [tilespmem:s15+$0x20];
	_ =	sdelay $0x7  }
0x30: {  	[tilespmem:v2+s10+$0x0] =	vst.idx.add.f32.msk $0xffff, v1  }
0x31: {  	v2 =	vld [tilespmem:s15+$0x27A0];
	_ =	sdelay $0x7  }
0x32: {  	[tilespmem:v2+s11+$0x0] =	vst.idx.add.f32.msk $0xffff, v1  }
0x33: {  	v2 =	vld [tilespmem:s15+$0x30];
	_ =	sdelay $0x7  }
0x34: {  	[tilespmem:v2+s10+$0x0] =	vst.idx.add.f32.msk $0xffff, v1  }
0x35: {  	v2 =	vld [tilespmem:s15+$0x27B0];
	_ =	sdelay $0x2  }
0x36: {  	p0 =	sne.s32 s14, $0x9B00  }
.Ltmp1:
0x37: {  	_ = 	snop;
	(pc) =	sbr.rel @p0 .LBB2_4-.Ltmp1, $2  }
0x38: {  	_ =	sdelay $0x2  }
0x39: {  	s14 =	sadd.s32 $0x100, s14;
	[tilespmem:v2+s11+$0x0] =	vst.idx.add.f32.msk $0xffff, v1  }
0x3a: {  	v2 =	vld [tilespmem:$0x2700];
	_ =	sdelay $0x7  }
0x3b: {  	[tilespmem:v2+s10+$0x0] =	vst.idx.add.f32.msk $0xffff, v1  }
0x3c: {  	v2 =	vld [tilespmem:$0x4E80];
	_ =	sdelay $0x7  }
0x3d: {  	[tilespmem:v2+s11+$0x0] =	vst.idx.add.f32.msk $0xffff, v1  }
0x3e: {  	[hbm4b:s5+s12] =	stream.strided.scatter [tilespmem:s10], [sflag:$0x1], $0x2800, s13, s12, $0x38;
	[tilespmem:$0x9F00] =	vst v63  }
0x3f: {  	s2 =	sadd.s32 $0x1, s2;
	_ =	swait.ge [sflag:s8], $0x2800  }
0x40: {  	p0 =	sne.s32 s2, s7;
	[sflag:s8] =	ssyncset.done $0x0  }
.Ltmp2:
0x41: {  	[sflag:s8] =	ssyncadd.s32 $0xFFFFD800;
	(pc) =	sbr.rel @p0 .LBB2_1-.Ltmp2, $4  }
0x42: {  	[hbm4b:s6+s12] =	stream.strided.scatter [tilespmem:s11], [sflag:$0x1], $0x2800, s13, s12, $0x38;
	[tilespmem:$0x9F00] =	vst v63  }
0x43: {  	_ =	swait.ge [sflag:s8], $0x2800  }
0x44: {  	[sflag:s8] =	ssyncset.done $0x0  }
0x45: {  	[sflag:s8] =	ssyncadd.s32 $0xFFFFD800  }
0x46: {  	_ =	sfence.sel $0x180000  }
0x47: {  	[bflag:$0x0] =	sbarrier.arrive $0xFFFF  }
0x48: {  	p0 =	sne.s32 s1, $0x0;
	_ =	strace $0x90000047  }
0x49: {  	s0 =	sadd.s32 @!p0 $0x100000, s0;
	[bflag:$0x2] =	sbarrier.arrive $0xFFFF  }
0x4a: {  	[sflag:s0] =	ssyncadd.tile.s32 @!p0 $0x1;
	_ =	shalt  }
.Lfunc_end2:
_tile_overlayer_lowered:
.L_overlay_start_2:
0x4b: {  	(tag) =	ssettag $0x2  }
0x4c: {  	s0 =	rddreg [dreg:$0x0];
	s2 =	stileid.u32  }
0x4d: {  	s1 =	rddreg [dreg:$0x1];
	p0 =	sne.s32 s2, $0x0  }
0x4e: {  	s3 =	rddreg [dreg:$0x2];
	[bflag:$0x3] =	sbarrier.arrive $0xFFFF;
	s2 =	simm.s32 @!p0 $0x1C01  }
0x4f: {  	[timem:s3], [sflag:s2] =	dma.local @!p0 [hbm:s0], s1  }
0x50: {  	s0 =	simm.s32 @!p0 $0x1  }
0x51: {  	_ =	swait.ge @!p0 [sflag:s0], s1  }
0x52: {  	s1 =	ssub.s32 @!p0 $0x0, s1;
	[sflag:s0] =	ssyncset.done @!p0 $0x0  }
0x53: {  	[sflag:s0] =	ssyncadd.s32 @!p0 s1  }
0x54: {  	[bflag:$0x3] =	sbarrier.arrive $0xFFFF  }
0x55: {  	_ =	shalt  }

// kernel: kernel.9.cloned.1.call-start
scs
__scs_entry_jumppad:
0x0: {  	(pc) =	sbr.rel $0x88, $3  }
0x1: {  	(tag) =	ssettag $0x0;
	lr =	simm.s32 $0x1  }
0x2: {  	[smem:$0x3F9D] =	sst lr;
	_ =	strace $0xD0000000  }
0x3: {  	_ = 	snop  }
0x4: {  	_ = 	snop  }
0x5: {  	_ = 	snop  }
0x6: {  	_ = 	snop  }
0x7: {  	_ = 	snop  }
__scs_overlays_trampoline_lowered:
0x8: {  	[smem:$0x3FAC] =	sst s0  }
0x9: {  	[smem:$0x3FAD] =	sst s1  }
0xa: {  	[smem:$0x3FAE] =	sst s2  }
0xb: {  	[smem:$0x3FAF] =	sst s3  }
0xc: {  	[smem:$0x3FB0] =	sst s4  }
0xd: {  	[smem:$0x3FB1] =	sst s5  }
0xe: {  	[smem:$0x3FB2] =	sst s6  }
0xf: {  	[smem:$0x3FB3] =	sst s7  }
0x10: {  	[smem:$0x3FB4] =	sst s8  }
0x11: {  	[smem:$0x3FB5] =	sst s9;
	s0 =	simm.s32 @!p0 $0x0  }
0x12: {  	s1 =	sld [smem:$0x3F9B];
	s0 =	simm.s32 @p0 $0x1  }
0x13: {  	[smem:$0x3FB6] =	sst s0;
	s0 =	simm.s32 @!p1 $0x0  }
0x14: {  	s2 =	sld [smem:$0x3F9A];
	s0 =	simm.s32 @p1 $0x1  }
0x15: {  	[smem:$0x3FB7] =	sst s0;
	s0 =	simm.s32 @!p2 $0x0  }
0x16: {  	s3 =	sld [smem:$0x3FDB];
	s0 =	simm.s32 @p2 $0x1  }
0x17: {  	s4 =	simm.s32 $0x1BF5;
	[smem:$0x3FB9] =	sst s0  }
0x18: {  	s0 =	sld [smem:$0x3F9C];
	_ =	swait.ge [sflag:s4], $0x0  }
0x19: {  	s7 =	sld [smem:$0x3F9D]  }
0x1a: {  	s8 =	sadd.s32 $0xFFFFE003, lr  }
0x1b: {  	s9 =	sadd.s32 $0xFFFFFEF7, lr;
	s5 =	simm.s32 $0xFFFFFFFF;
	p2 =	slt.u32 s8, $0xFFFFF086  }
0x1c: {  	p1 =	slt.u32 s9, $0xF7A;
	s5 =	simm.s32 @!p2 $0x0  }
0x1d: {  	s5 =	simm.s32 @p1 $0x1;
	p0 =	seq.s32 s7, s2  }
0x1e: {  	s7 =	smul.u32 @!p0 $0xF7A, s2;
	p2 =	seq.s32 @!p0 s5, $0x0  }
0x1f: {  	s9 =	smul.u32 $0xF7A, s1;
	s8 =	simm.s32 @!p0 $0x1BF5;
	p2 =	por !p2, p0  }
0x20: {  	[sflag:s8] =	ssyncset.s32 @!p0 $0xFFFFF086;
	s6 =	sadd.s32 @!p0 s3, s7;
	s7 =	simm.s32 @!p0 $0x108  }
0x21: {  	s3 =	sadd.s32 s3, s9;
	s6 =	sadd.s32 @!p0 $0x88, s6;
	s7 =	simm.s32 @p2 $0x1082  }
0x22: {  	[simem:s7], [sflag:s8] =	dma.local @!p0 [hbm:s6], $0xF7A  }
0x23: {  	s9 =	sor.u32 $0xD0000000, s2;
	s6 =	simm.s32 $0x108;
	_ =	swait.ge @!p0 [sflag:s8], $0x0  }
0x24: {  	s3 =	sadd.s32 $0x88, s3;
	s6 =	simm.s32 @!p1 $0x1082;
	[sflag:s4] =	ssyncset.s32 $0xFFFFF086  }
0x25: {  	[simem:s6], [sflag:s4] =	dma.local [hbm:s3], $0xF7A  }
0x26: {  	[smem:$0x3F9D] =	sst s1;
	(tag) =	ssettag s2;
	_ =	strace s9  }
0x27: {  	s1 =	sld [smem:$0x3FAD]  }
0x28: {  	s2 =	sld [smem:$0x3FAE]  }
0x29: {  	s4 =	sld [smem:$0x3FB0]  }
0x2a: {  	p0 =	seq.s32 s5, $0x0;
	s5 =	sld [smem:$0x3FB1]  }
0x2b: {  	s6 =	sld [smem:$0x3FB2]  }
0x2c: {  	s7 =	sld [smem:$0x3FB3]  }
0x2d: {  	s3 =	simm.s32 $0x108;
	s8 =	sld [smem:$0x3FB4]  }
0x2e: {  	s3 =	simm.s32 @!p0 $0x1082;
	s9 =	sld [smem:$0x3FB5]  }
0x2f: {  	lr =	sadd.s32 s0, s3;
	s0 =	sld [smem:$0x3FAC]  }
0x30: {  	s3 =	sld [smem:$0x3FAF]  }
0x31: {  	[smem:$0x3FB8] =	sst s10  }
0x32: {  	s10 =	sld [smem:$0x3FB6];
	_ =	sdelay $0x3  }
0x33: {  	p0 =	seq.s32 s10, $0x1;
	s10 =	sld [smem:$0x3FB8];
	_ =	sdelay $0x3  }
0x34: {  	[smem:$0x3FB8] =	sst s10  }
0x35: {  	s10 =	sld [smem:$0x3FB7];
	_ =	sdelay $0x3  }
0x36: {  	p1 =	seq.s32 s10, $0x1;
	s10 =	sld [smem:$0x3FB8];
	_ =	sdelay $0x3  }
0x37: {  	[smem:$0x3FB8] =	sst s10  }
0x38: {  	s10 =	sld [smem:$0x3FB9]  }
0x39: {  	_ = 	snop;
	(pc) =	sbr.ind lr, $3  }
0x3a: {  	_ = 	snop  }
0x3b: {  	_ = 	snop  }
0x3c: {  	p2 =	seq.s32 s10, $0x1;
	s10 =	sld [smem:$0x3FB8]  }
0x3d: {  	_ =	shalt  }
0x3e: {  	_ =	shalt  }
0x3f: {  	_ =	shalt  }
0x40: {  	_ =	shalt  }
0x41: {  	_ =	shalt  }
0x42: {  	_ =	shalt  }
0x43: {  	_ =	shalt  }
0x44: {  	_ =	shalt  }
0x45: {  	_ =	shalt  }
0x46: {  	_ =	shalt  }
0x47: {  	_ =	shalt  }
0x48: {  	_ =	shalt  }
0x49: {  	_ =	shalt  }
0x4a: {  	_ =	shalt  }
0x4b: {  	_ =	shalt  }
0x4c: {  	_ =	shalt  }
0x4d: {  	_ =	shalt  }
0x4e: {  	_ =	shalt  }
0x4f: {  	_ =	shalt  }
0x50: {  	_ =	shalt  }
0x51: {  	_ =	shalt  }
0x52: {  	_ =	shalt  }
0x53: {  	_ =	shalt  }
0x54: {  	_ =	shalt  }
0x55: {  	_ =	shalt  }
0x56: {  	_ =	shalt  }
0x57: {  	_ =	shalt  }
0x58: {  	_ =	shalt  }
0x59: {  	_ =	shalt  }
0x5a: {  	_ =	shalt  }
0x5b: {  	_ =	shalt  }
0x5c: {  	_ =	shalt  }
0x5d: {  	_ =	shalt  }
0x5e: {  	_ =	shalt  }
0x5f: {  	_ =	shalt  }
0x60: {  	_ =	shalt  }
0x61: {  	_ =	shalt  }
0x62: {  	_ =	shalt  }
0x63: {  	_ =	shalt  }
0x64: {  	_ =	shalt  }
0x65: {  	_ =	shalt  }
0x66: {  	_ =	shalt  }
0x67: {  	_ =	shalt  }
0x68: {  	_ =	shalt  }
0x69: {  	_ =	shalt  }
0x6a: {  	_ =	shalt  }
0x6b: {  	_ =	shalt  }
0x6c: {  	_ =	shalt  }
0x6d: {  	_ =	shalt  }
0x6e: {  	_ =	shalt  }
0x6f: {  	_ =	shalt  }
0x70: {  	_ =	shalt  }
0x71: {  	_ =	shalt  }
0x72: {  	_ =	shalt  }
0x73: {  	_ =	shalt  }
0x74: {  	_ =	shalt  }
0x75: {  	_ =	shalt  }
0x76: {  	_ =	shalt  }
0x77: {  	_ =	shalt  }
0x78: {  	_ =	shalt  }
0x79: {  	_ =	shalt  }
0x7a: {  	_ =	shalt  }
0x7b: {  	_ =	shalt  }
0x7c: {  	_ =	shalt  }
0x7d: {  	_ =	shalt  }
0x7e: {  	_ =	shalt  }
0x7f: {  	_ =	shalt  }
0x80: {  	_ =	shalt  }
0x81: {  	_ =	shalt  }
0x82: {  	_ =	shalt  }
0x83: {  	_ =	shalt  }
0x84: {  	_ =	shalt  }
0x85: {  	_ =	shalt  }
0x86: {  	_ =	shalt  }
0x87: {  	_ =	shalt  }
.Lfunc_end0:
.L_simem_size_0:
called_computation.1_lowered:
.L_overlay_start_0:
0x88: {  	s2 =	sld [smem:$0x3FD9]  }
0x89: {  	s3 =	sld [smem:$0x3FFE];
	_ =	sdelay $0x1  }
0x8a: {  	s1 =	srdreg.scid  }
0x8b: {  	s0 =	sand.u32 $0x1, s1  }
0x8c: {  	s17 =	sshll.u32 s0, $0xA;
	s2 =	sadd.s32 s3, s2  }
0x8d: {  	s2 =	sadd.s32 s2, s17  }
0x8e: {  	[smem:$0x3FC4] =	sst s2  }
0x8f: {  	_ = 	snop  }
0x90: {  	s2 =	sld [smem:$0x3FD0];
	(tm) =	ssettm $0x1  }
0x91: {  	s18 =	sld [smem:$0x3FFB];
	_ =	sdelay $0x3  }
0x92: {  	_ =	strace s18  }
0x93: {  	s3 =	sld [smem:$0x3FFC];
	_ =	sdelay $0x3  }
0x94: {  	_ =	strace s3  }
0x95: {  	s3 =	sld [smem:$0x3FFD];
	_ =	sdelay $0x3  }
0x96: {  	_ =	strace s3  }
0x97: {  	_ =	strace $0x8FFFFFFF  }
0x98: {  	s19 =	sld [smem:$0x3FDB];
	_ =	sdelay $0x1  }
0x99: {  	s4 =	simm.s32 $_scs_section_size  }
0x9a: {  	s5 =	simm.s32 $_size__tile_overlayer_lowered;
	s6 =	simm.s32 $_tile_overlayer_lowered  }
0x9b: {  	s22 =	simm.s32 $0x1BFF;
	s21 =	sshll.u32 s6, $0x1;
	s3 =	sadd.s32 s4, s19  }
0x9c: {  	s7 =	simm.s32 $0x0;
	s20 =	sshll.u32 s5, $0x1;
	s5 =	sadd.s32 s21, s3  }
0x9d: {  	[timem:s7], [sflag:s22] =	dma.local [hbm:s5], s20  }
0x9e: {  	_ =	swait.ge [sflag:s22], s20  }
0x9f: {  	s4 =	ssub.s32 $0x0, s20;
	[sflag:s22] =	ssyncset.done $0x0  }
0xa0: {  	[sflag:s22] =	ssyncadd.s32 s4;
	_ =	sdelay $0x1  }
0xa1: {  	s23 =	simm.s32 $0x1B8B  }
0xa2: {  	_ =	swait.ge [sflag:s23], $0x1  }
0xa3: {  	[sflag:s23] =	ssyncset.done $0x0  }
0xa4: {  	s25 =	simm.s32 $0x1B8E;
	s24 =	sld [smem:$0x3FFE];
	[sflag:s23] =	ssyncadd.s32 $0xFFFFFFFF  }
0xa5: {  	s26 =	simm.s32 $execute0_lowered;
	[smem:$0x3FD2] =	sst s25  }
0xa6: {  	s5 =	sshll.u32 s26, $0x1;
	_ =	strace $0x80000049;
	[dreg:$0x1] =	wrdreg $0xFFFFFFFF  }
0xa7: {  	s28 =	simm.s32 $_size_execute0_lowered;
	s3 =	sadd.s32 s3, s5;
	[dreg:$0x0] =	wrdreg $0x0  }
0xa8: {  	s5 =	sshll.u32 s28, $0x1;
	[dreg:$0x2] =	wrdreg s3  }
0xa9: {  	[dreg:$0x3] =	wrdreg s5  }
0xaa: {  	[dreg:$0x4] =	wrdreg $0xC0  }
0xab: {  	_ =	task [dreg:s7], $0x5FFFF  }
0xac: {  	[dreg:$0x1] =	wrdreg $0xFFFFFFFF  }
0xad: {  	[dreg:$0x0] =	wrdreg $0x60  }
0xae: {  	[dreg:$0x2] =	wrdreg s2  }
0xaf: {  	[dreg:$0x3] =	wrdreg s24  }
0xb0: {  	[dreg:$0x4] =	wrdreg $0xB0000  }
0xb1: {  	[dreg:$0x5] =	wrdreg $0x9  }
0xb2: {  	_ =	task.clear_ibuf [dreg:s7], $0x6FFFF;
	_ =	strace $0x90000049  }
0xb3: {  	s29 =	simm.s32 $0x9;
	_ =	strace $0x8000004B  }
0xb4: {  	_ =	swait.ge [sflag:s29], $0x1  }
0xb5: {  	[sflag:s29] =	ssyncadd.s32 $0xFFFFFFFF  }
0xb6: {  	_ =	strace $0x9000004B  }
0xb7: {  	_ =	sfence  }
0xb8: {  	s30 =	sld [smem:$0x0];
	_ =	sdelay $0x2  }
0xb9: {  	s31 =	sshll.u32 s1, $0xD;
	s1 =	sshrl.u32 s1, $0x2  }
0xba: {  	s3 =	sand.u32 $0x4000, s31;
	s1 =	sadd.s32 s1, s30  }
0xbb: {  	s0 =	sor.u32 s3, s0;
	s1 =	sshll.u32 s1, $0x11  }
0xbc: {  	s0 =	sor.u32 s1, s0  }
0xbd: {  	s0 =	sadd.s32 $0x8F2B, s0  }
0xbe: {  	[sflag:s0] =	ssyncadd.remote.s32 $0x1  }
0xbf: {  	_ =	sfence.sel $0xFFFF  }
0xc0: {  	[dreg:$0x0] =	wrdreg $0xFFFFFFFF;
	(pc) =	sbr.abs _section_cstart, $3  }
0xc1: {  	[dreg:$0x1] =	wrdreg $0xFFFFFFFF  }
0xc2: {  	_ =	task.clear_ibuf [dreg:s7], $0x2FFFF;
	_ =	strace $0x9FFFFFFF  }
0xc3: {  	(tm) =	ssettm $0x7FFFFFFF  }
tec
execute0_lowered:
.L_overlay_start_1:
0x0: {  	(tag) =	ssettag $0x1  }
0x1: {  	s1 =	rddreg [dreg:$0x0]  }
0x2: {  	s0 =	rddreg [dreg:$0x1]  }
0x3: {  	s2 =	rddreg [dreg:$0x2]  }
0x4: {  	s4 =	srdreg.scid;
	s12 =	stileid.u32  }
0x5: {  	s3 =	simm.s32 $0x0;
	s4 =	sand.u32 $0x1, s4;
	s9 =	smul.u32 $0x50000, s12  }
0x6: {  	[smem:$0x7FF] =	sst s3;
	s22 =	smul.u32 $0x13800, s12;
	s7 =	sshll.u32 s4, $0x4  }
0x7: {  	s5 =	sadd.s32 $0x15400, s0;
	s6 =	sadd.s32 $0x1F400, s0;
	s7 =	sor.u32 s12, s7  }
0x8: {  	s9 =	sshrl.u32 s9, $0x2;
	s25 =	sadd.s32 $0x4000, s22;
	s11 =	smul.u32 $0x500, s7  }
0x9: {  	s16 =	smul.u32 $0x2800, s7;
	s7 =	sadd.s32 s9, s2;
	s26 =	sadd.s32 s25, s2  }
0xa: {  	_ =	strace $0x8000004A;
	s9 =	sadd.s32 $0x800, s7;
	[dreg:$0xc] =	wrdreg s26  }
0xb: {  	s20 =	smul.u32 $0x4E000, s12;
	s21 =	sadd.s32 $0x1000, s7;
	[dreg:$0x6] =	wrdreg s9  }
0xc: {  	p0 =	sne.s32 s12, $0xF;
	s13 =	sadd.s32 $0x1800, s7;
	[dreg:$0x7] =	wrdreg s21  }
0xd: {  	s8 =	ssub.s32 $0x2, s4;
	s26 =	sadd.s32 $0x4000, s7;
	[dreg:$0x8] =	wrdreg s13  }
0xe: {  	s10 =	sshrl.u32 s8, $0x1;
	s12 =	sadd.s32 $0x8000, s7;
	[dreg:$0x1c] =	wrdreg s26  }
0xf: {  	s8 =	ssub.s32 s8, s10;
	s17 =	sadd.s32 s5, s11;
	[smem:$0x7EF] =	sst s12  }
0x10: {  	s10 =	sadd.s32 $0x8000, s22;
	s18 =	sadd.s32 s6, s11;
	[dreg:$0x4] =	wrdreg s17  }
0x11: {  	s0 =	sadd.s32 $0x29400, s0;
	s13 =	sadd.s32 s10, s2;
	[dreg:$0x5] =	wrdreg s18  }
0x12: {  	s4 =	smul.u32 $0x138800, s4;
	s21 =	smax.u32 s8, $0x1;
	[dreg:$0xe] =	wrdreg s13  }
0x13: {  	s19 =	sshrl.u32 s16, $0x3;
	s8 =	sadd.s32 $0x6000, s7;
	[dreg:$0x16] =	wrdreg s21  }
0x14: {  	s16 =	sadd.s32 s4, s10;
	s10 =	sadd.s32 $0x7000, s7;
	[smem:$0x7EB] =	sst s8  }
0x15: {  	s24 =	sshrl.u32 s20, $0x2;
	s11 =	sadd.s32 $0x7800, s7;
	[smem:$0x7ED] =	sst s10  }
0x16: {  	s15 =	sadd.s32 $0xC000, s22;
	s26 =	sadd.s32 $0xF000, s7;
	[smem:$0x7EE] =	sst s11  }
0x17: {  	s28 =	sadd.s32 $0x10000, s7;
	s17 =	sadd.s32 s15, s2;
	[smem:$0x7FD] =	sst s26  }
0x18: {  	s29 =	sadd.s32 $0x10800, s7;
	s13 =	sadd.s32 $0x8800, s7;
	[dreg:$0x10] =	wrdreg s17  }
0x19: {  	s9 =	sadd.s32 $0x280, s19;
	s21 =	sadd.s32 $0xC800, s7;
	[smem:$0x7F0] =	sst s13  }
0x1a: {  	s30 =	sadd.s32 $0x11000, s7;
	s5 =	sadd.s32 s5, s9;
	[smem:$0x7F8] =	sst s21  }
0x1b: {  	s18 =	sadd.s32 $0x10000, s22;
	s23 =	sadd.s32 s6, s9;
	[dreg:$0x9] =	wrdreg s5  }
0x1c: {  	s9 =	sadd.s32 s22, s4;
	s22 =	sadd.s32 $0x2000, s7;
	[dreg:$0xa] =	wrdreg s23  }
0x1d: {  	s6 =	sadd.s32 s4, s25;
	s25 =	sadd.s32 $0x3800, s7;
	[dreg:$0x18] =	wrdreg s22  }
0x1e: {  	s31 =	sadd.s32 $0x11800, s7;
	s17 =	sadd.s32 $0xA800, s7;
	[dreg:$0x1b] =	wrdreg s25  }
0x1f: {  	s12 =	simm.s32 $0x4800;
	s5 =	sadd.s32 s24, s2;
	[smem:$0x7F4] =	sst s17  }
0x20: {  	s26 =	sadd.s32 $0xF800, s7;
	s23 =	sadd.s32 $0x2800, s7;
	[dreg:$0xb] =	wrdreg s5  }
0x21: {  	s14 =	sshrl.u32 s6, $0x3;
	s24 =	sadd.s32 $0x3000, s7;
	[dreg:$0x19] =	wrdreg s23  }
0x22: {  	s6 =	sshrl.u32 s16, $0x3;
	s16 =	sadd.s32 $0xA000, s7;
	[dreg:$0x1a] =	wrdreg s24  }
0x23: {  	s8 =	simm.s32 $0x3;
	s22 =	sadd.s32 $0xD000, s7;
	[smem:$0x7F3] =	sst s16  }
0x24: {  	s10 =	simm.s32 $0x40;
	s25 =	sadd.s32 $0xE800, s7;
	[smem:$0x7F9] =	sst s22  }
0x25: {  	s11 =	simm.s32 $0x2800;
	s6 =	sadd.s32 s0, s6;
	[smem:$0x7FC] =	sst s25  }
0x26: {  	s5 =	sshrl.u32 s9, $0x3;
	s9 =	sadd.s32 s18, s2;
	[dreg:$0x11] =	wrdreg s6  }
0x27: {  	s19 =	sadd.s32 s4, s18;
	s18 =	sadd.s32 $0xB000, s7;
	[dreg:$0x12] =	wrdreg s9  }
0x28: {  	s13 =	simm.s32 $0x80;
	s23 =	sadd.s32 $0xD800, s7;
	[smem:$0x7F5] =	sst s18  }
0x29: {  	s21 =	simm.s32 $0x2780;
	s24 =	sadd.s32 $0xE000, s7;
	[smem:$0x7FA] =	sst s23  }
0x2a: {  	s17 =	simm.s32 $0xA800;
	s5 =	sadd.s32 s0, s5;
	[smem:$0x7FB] =	sst s24  }
0x2b: {  	s16 =	simm.s32 $0x8800;
	s9 =	sadd.s32 $0x6800, s7;
	[dreg:$0xd] =	wrdreg s5  }
0x2c: {  	s6 =	sshrl.u32 s19, $0x3;
	s19 =	sadd.s32 $0xB800, s7;
	[smem:$0x7EC] =	sst s9  }
0x2d: {  	s22 =	simm.s32 $0x0;
	s5 =	sadd.s32 s0, s14;
	[smem:$0x7F6] =	sst s19  }
0x2e: {  	s18 =	simm.s32 $0x1;
	s20 =	sadd.s32 s0, s6;
	[dreg:$0xf] =	wrdreg s5  }
0x2f: {  	s6 =	sadd.s32 $0x5800, s7;
	s14 =	sadd.s32 $0x9000, s7;
	[dreg:$0x14] =	wrdreg s20  }
0x30: {  	s9 =	simm.s32 $0x1400;
	s19 =	simm.s32 $0x2;
	[dreg:$0x1f] =	wrdreg s6  }
0x31: {  	s5 =	sadd.s32 s4, s15;
	s4 =	sshrl.u32 s4, $0x3;
	[smem:$0x7F1] =	sst s14  }
0x32: {  	s15 =	sadd.s32 $0x9800, s7;
	s20 =	sadd.s32 $0xC000, s7;
	s6 =	sadd.s32 $0x13800, s7  }
0x33: {  	s14 =	simm.s32 $0x6800;
	s5 =	sshrl.u32 s5, $0x3;
	[smem:$0x7F2] =	sst s15  }
0x34: {  	[smem:$0x7F7] =	sst s20;
	s5 =	sadd.s32 s0, s5;
	s0 =	sadd.s32 s0, s4  }
0x35: {  	s15 =	simm.s32 $0xC0;
	[dreg:$0x13] =	wrdreg s5;
	s0 =	sadd.s32 $0x27000, s0  }
0x36: {  	s4 =	sadd.s32 $0x138000, s2;
	s5 =	sadd.s32 $0x5000, s7;
	[dreg:$0x15] =	wrdreg s0  }
0x37: {  	s20 =	simm.s32 $0x2700;
	s0 =	sshrl.u32 @!p0 s4, $0x3;
	[dreg:$0x1e] =	wrdreg s5  }
0x38: {  	s4 =	sadd.s32 $0x4800, s7;
	s5 =	sadd.s32 $0x13000, s7;
	[dreg:$0x17] =	wrdreg s0  }
0x39: {  	v0 =	vimm.f32 $0.0e+00;
	[dreg:$0x1d] =	wrdreg s4;
	s0 =	sadd.s32 $0x12000, s7;
	s4 =	sadd.s32 $0x12800, s7  }
.LBB2_1:
0x3a: {  	s23 =	rddreg [dreg:$0x4]  }
0x3b: {  	[tilespmem:s3], [sflag:$0x3] =	stream.linear.gather [hbm4b:s23+s3], $0x1400, $0x38;
	[tilespmem:$0x1F000] =	vst v63  }
0x3c: {  	_ =	swait.ge [sflag:s8], $0x1400  }
0x3d: {  	[sflag:s8] =	ssyncset.done $0x0  }
0x3e: {  	s24 =	rddreg [dreg:$0x5];
	[sflag:s8] =	ssyncadd.s32 $0xFFFFEC00  }
0x3f: {  	[tilespmem:s9], [sflag:$0x3] =	stream.linear.gather [hbm4b:s24+s3], $0x1400, $0x38;
	[tilespmem:$0x1F000] =	vst v63  }
0x40: {  	_ =	swait.ge [sflag:s8], $0x1400  }
0x41: {  	[sflag:s8] =	ssyncset.done $0x0  }
0x42: {  	[sflag:s8] =	ssyncadd.s32 $0xFFFFEC00  }
0x43: {  	[tilespmem:s11], [sflag:$0x1] =	stream.indirect.gather [hbm4b:s1+s10], $0x80, s3, s10, $0xb8;
	[tilespmem:$0x1F000] =	vst v63  }
0x44: {  	_ = 	snop  }
0x45: {  	[tilespmem:s12], [sflag:$0x1] =	stream.indirect.gather [hbm4b:s1+s10], $0x80, s10, s10, $0xb8;
	[tilespmem:$0x1F000] =	vst v63  }
0x46: {  	_ = 	snop  }
0x47: {  	[tilespmem:s14], [sflag:$0x2] =	stream.indirect.gather [hbm4b:s1+s10], $0x80, s13, s10, $0xb8;
	[tilespmem:$0x1F000] =	vst v63  }
0x48: {  	_ = 	snop  }
0x49: {  	[tilespmem:s16], [sflag:$0x2] =	stream.indirect.gather [hbm4b:s1+s10], $0x80, s15, s10, $0xb8;
	[tilespmem:$0x1F000] =	vst v63  }
0x4a: {  	[tilespmem:$0xA800] =	vst v0  }
0x4b: {  	[tilespmem:$0xA810] =	vst v0  }
0x4c: {  	[tilespmem:$0xA820] =	vst v0  }
0x4d: {  	[tilespmem:$0xA830] =	vst v0  }
0x4e: {  	[tilespmem:$0xA840] =	vst v0  }
0x4f: {  	[tilespmem:$0xA850] =	vst v0  }
0x50: {  	[tilespmem:$0xA860] =	vst v0  }
0x51: {  	[tilespmem:$0xA870] =	vst v0  }
0x52: {  	[tilespmem:$0xA880] =	vst v0  }
0x53: {  	[tilespmem:$0xA890] =	vst v0  }
0x54: {  	[tilespmem:$0xA8A0] =	vst v0  }
0x55: {  	[tilespmem:$0xA8B0] =	vst v0  }
0x56: {  	[tilespmem:$0xA8C0] =	vst v0  }
0x57: {  	[tilespmem:$0xA8D0] =	vst v0  }
0x58: {  	[tilespmem:$0xA8E0] =	vst v0  }
0x59: {  	[tilespmem:$0xA8F0] =	vst v0  }
0x5a: {  	[tilespmem:$0xA900] =	vst v0  }
0x5b: {  	[tilespmem:$0xA910] =	vst v0  }
0x5c: {  	[tilespmem:$0xA920] =	vst v0  }
0x5d: {  	[tilespmem:$0xA930] =	vst v0  }
0x5e: {  	[tilespmem:$0xA940] =	vst v0  }
0x5f: {  	[tilespmem:$0xA950] =	vst v0  }
0x60: {  	[tilespmem:$0xA960] =	vst v0  }
0x61: {  	[tilespmem:$0xA970] =	vst v0  }
0x62: {  	[tilespmem:$0xA980] =	vst v0  }
0x63: {  	[tilespmem:$0xA990] =	vst v0  }
0x64: {  	[tilespmem:$0xA9A0] =	vst v0  }
0x65: {  	[tilespmem:$0xA9B0] =	vst v0  }
0x66: {  	[tilespmem:$0xA9C0] =	vst v0  }
0x67: {  	[tilespmem:$0xA9D0] =	vst v0  }
0x68: {  	[tilespmem:$0xA9E0] =	vst v0  }
0x69: {  	[tilespmem:$0xA9F0] =	vst v0  }
0x6a: {  	[tilespmem:$0xAA00] =	vst v0  }
0x6b: {  	[tilespmem:$0xAA10] =	vst v0  }
0x6c: {  	[tilespmem:$0xAA20] =	vst v0  }
0x6d: {  	[tilespmem:$0xAA30] =	vst v0  }
0x6e: {  	[tilespmem:$0xAA40] =	vst v0  }
0x6f: {  	[tilespmem:$0xAA50] =	vst v0  }
0x70: {  	[tilespmem:$0xAA60] =	vst v0  }
0x71: {  	[tilespmem:$0xAA70] =	vst v0  }
0x72: {  	[tilespmem:$0xAA80] =	vst v0  }
0x73: {  	[tilespmem:$0xAA90] =	vst v0  }
0x74: {  	[tilespmem:$0xAAA0] =	vst v0  }
0x75: {  	[tilespmem:$0xAAB0] =	vst v0  }
0x76: {  	[tilespmem:$0xAAC0] =	vst v0  }
0x77: {  	[tilespmem:$0xAAD0] =	vst v0  }
0x78: {  	[tilespmem:$0xAAE0] =	vst v0  }
0x79: {  	[tilespmem:$0xAAF0] =	vst v0  }
0x7a: {  	[tilespmem:$0xAB00] =	vst v0  }
0x7b: {  	[tilespmem:$0xAB10] =	vst v0  }
0x7c: {  	[tilespmem:$0xAB20] =	vst v0  }
0x7d: {  	[tilespmem:$0xAB30] =	vst v0  }
0x7e: {  	[tilespmem:$0xAB40] =	vst v0  }
0x7f: {  	[tilespmem:$0xAB50] =	vst v0  }
0x80: {  	[tilespmem:$0xAB60] =	vst v0  }
0x81: {  	[tilespmem:$0xAB70] =	vst v0  }
0x82: {  	[tilespmem:$0xAB80] =	vst v0  }
0x83: {  	[tilespmem:$0xAB90] =	vst v0  }
0x84: {  	[tilespmem:$0xABA0] =	vst v0  }
0x85: {  	[tilespmem:$0xABB0] =	vst v0  }
0x86: {  	[tilespmem:$0xABC0] =	vst v0  }
0x87: {  	[tilespmem:$0xABD0] =	vst v0  }
0x88: {  	[tilespmem:$0xABE0] =	vst v0  }
0x89: {  	[tilespmem:$0xABF0] =	vst v0  }
0x8a: {  	[tilespmem:$0xAC00] =	vst v0  }
0x8b: {  	[tilespmem:$0xAC10] =	vst v0  }
0x8c: {  	[tilespmem:$0xAC20] =	vst v0  }
0x8d: {  	[tilespmem:$0xAC30] =	vst v0  }
0x8e: {  	[tilespmem:$0xAC40] =	vst v0  }
0x8f: {  	[tilespmem:$0xAC50] =	vst v0  }
0x90: {  	[tilespmem:$0xAC60] =	vst v0  }
0x91: {  	[tilespmem:$0xAC70] =	vst v0  }
0x92: {  	[tilespmem:$0xAC80] =	vst v0  }
0x93: {  	[tilespmem:$0xAC90] =	vst v0  }
0x94: {  	[tilespmem:$0xACA0] =	vst v0  }
0x95: {  	[tilespmem:$0xACB0] =	vst v0  }
0x96: {  	[tilespmem:$0xACC0] =	vst v0  }
0x97: {  	[tilespmem:$0xACD0] =	vst v0  }
0x98: {  	[tilespmem:$0xACE0] =	vst v0  }
0x99: {  	[tilespmem:$0xACF0] =	vst v0  }
0x9a: {  	[tilespmem:$0xAD00] =	vst v0  }
0x9b: {  	[tilespmem:$0xAD10] =	vst v0  }
0x9c: {  	[tilespmem:$0xAD20] =	vst v0  }
0x9d: {  	[tilespmem:$0xAD30] =	vst v0  }
0x9e: {  	[tilespmem:$0xAD40] =	vst v0  }
0x9f: {  	[tilespmem:$0xAD50] =	vst v0  }
0xa0: {  	[tilespmem:$0xAD60] =	vst v0  }
0xa1: {  	[tilespmem:$0xAD70] =	vst v0  }
0xa2: {  	[tilespmem:$0xAD80] =	vst v0  }
0xa3: {  	[tilespmem:$0xAD90] =	vst v0  }
0xa4: {  	[tilespmem:$0xADA0] =	vst v0  }
0xa5: {  	[tilespmem:$0xADB0] =	vst v0  }
0xa6: {  	[tilespmem:$0xADC0] =	vst v0  }
0xa7: {  	[tilespmem:$0xADD0] =	vst v0  }
0xa8: {  	[tilespmem:$0xADE0] =	vst v0  }
0xa9: {  	[tilespmem:$0xADF0] =	vst v0  }
0xaa: {  	[tilespmem:$0xAE00] =	vst v0  }
0xab: {  	[tilespmem:$0xAE10] =	vst v0  }
0xac: {  	[tilespmem:$0xAE20] =	vst v0  }
0xad: {  	[tilespmem:$0xAE30] =	vst v0  }
0xae: {  	[tilespmem:$0xAE40] =	vst v0  }
0xaf: {  	[tilespmem:$0xAE50] =	vst v0  }
0xb0: {  	[tilespmem:$0xAE60] =	vst v0  }
0xb1: {  	[tilespmem:$0xAE70] =	vst v0  }
0xb2: {  	[tilespmem:$0xAE80] =	vst v0  }
0xb3: {  	[tilespmem:$0xAE90] =	vst v0  }
0xb4: {  	[tilespmem:$0xAEA0] =	vst v0  }
0xb5: {  	[tilespmem:$0xAEB0] =	vst v0  }
0xb6: {  	[tilespmem:$0xAEC0] =	vst v0  }
0xb7: {  	[tilespmem:$0xAED0] =	vst v0  }
0xb8: {  	[tilespmem:$0xAEE0] =	vst v0  }
0xb9: {  	[tilespmem:$0xAEF0] =	vst v0  }
0xba: {  	[tilespmem:$0xAF00] =	vst v0  }
0xbb: {  	[tilespmem:$0xAF10] =	vst v0  }
0xbc: {  	[tilespmem:$0xAF20] =	vst v0  }
0xbd: {  	[tilespmem:$0xAF30] =	vst v0  }
0xbe: {  	[tilespmem:$0xAF40] =	vst v0  }
0xbf: {  	[tilespmem:$0xAF50] =	vst v0  }
0xc0: {  	[tilespmem:$0xAF60] =	vst v0  }
0xc1: {  	[tilespmem:$0xAF70] =	vst v0  }
0xc2: {  	[tilespmem:$0xAF80] =	vst v0  }
0xc3: {  	[tilespmem:$0xAF90] =	vst v0  }
0xc4: {  	[tilespmem:$0xAFA0] =	vst v0  }
0xc5: {  	[tilespmem:$0xAFB0] =	vst v0  }
0xc6: {  	[tilespmem:$0xAFC0] =	vst v0  }
0xc7: {  	[tilespmem:$0xAFD0] =	vst v0  }
0xc8: {  	[tilespmem:$0xAFE0] =	vst v0  }
0xc9: {  	[tilespmem:$0xAFF0] =	vst v0  }
0xca: {  	[spmem:s7] =	stream.linear.scatter [tilespmem:s17], [sflag:$0x3], $0x800, $0x38;
	[tilespmem:$0x1F000] =	vst v63  }
0xcb: {  	_ =	swait.ge [sflag:s8], $0x800  }
0xcc: {  	[sflag:s8] =	ssyncset.done $0x0  }
0xcd: {  	s25 =	rddreg [dreg:$0x6];
	[sflag:s8] =	ssyncadd.s32 $0xFFFFF800  }
0xce: {  	[spmem:s25] =	stream.linear.scatter [tilespmem:s17], [sflag:$0x3], $0x800, $0x38;
	[tilespmem:$0x1F000] =	vst v63  }
0xcf: {  	_ =	swait.ge [sflag:s8], $0x800  }
0xd0: {  	[sflag:s8] =	ssyncset.done $0x0  }
0xd1: {  	s24 =	rddreg [dreg:$0x7];
	[sflag:s8] =	ssyncadd.s32 $0xFFFFF800  }
0xd2: {  	[spmem:s24] =	stream.linear.scatter [tilespmem:s17], [sflag:$0x3], $0x800, $0x38;
	[tilespmem:$0x1F000] =	vst v63  }
0xd3: {  	_ =	swait.ge [sflag:s8], $0x800  }
0xd4: {  	[sflag:s8] =	ssyncset.done $0x0  }
0xd5: {  	s25 =	rddreg [dreg:$0x8];
	[sflag:s8] =	ssyncadd.s32 $0xFFFFF800  }
0xd6: {  	[spmem:s25] =	stream.linear.scatter [tilespmem:s17], [sflag:$0x3], $0x800, $0x38;
	[tilespmem:$0x1F000] =	vst v63  }
0xd7: {  	_ =	swait.ge [sflag:s8], $0x800  }
0xd8: {  	[sflag:s8] =	ssyncset.done $0x0  }
0xd9: {  	s24 =	rddreg [dreg:$0x18];
	[sflag:s8] =	ssyncadd.s32 $0xFFFFF800  }
0xda: {  	[spmem:s24] =	stream.linear.scatter [tilespmem:s17], [sflag:$0x3], $0x800, $0x38;
	[tilespmem:$0x1F000] =	vst v63  }
0xdb: {  	_ =	swait.ge [sflag:s8], $0x800  }
0xdc: {  	[sflag:s8] =	ssyncset.done $0x0  }
0xdd: {  	s25 =	rddreg [dreg:$0x19];
	[sflag:s8] =	ssyncadd.s32 $0xFFFFF800  }
0xde: {  	[spmem:s25] =	stream.linear.scatter [tilespmem:s17], [sflag:$0x3], $0x800, $0x38;
	[tilespmem:$0x1F000] =	vst v63  }
0xdf: {  	_ =	swait.ge [sflag:s8], $0x800  }
0xe0: {  	[sflag:s8] =	ssyncset.done $0x0  }
0xe1: {  	s24 =	rddreg [dreg:$0x1a];
	[sflag:s8] =	ssyncadd.s32 $0xFFFFF800  }
0xe2: {  	[spmem:s24] =	stream.linear.scatter [tilespmem:s17], [sflag:$0x3], $0x800, $0x38;
	[tilespmem:$0x1F000] =	vst v63  }
0xe3: {  	_ =	swait.ge [sflag:s8], $0x800  }
0xe4: {  	[sflag:s8] =	ssyncset.done $0x0  }
0xe5: {  	s25 =	rddreg [dreg:$0x1b];
	[sflag:s8] =	ssyncadd.s32 $0xFFFFF800  }
0xe6: {  	[spmem:s25] =	stream.linear.scatter [tilespmem:s17], [sflag:$0x3], $0x800, $0x38;
	[tilespmem:$0x1F000] =	vst v63  }
0xe7: {  	_ =	swait.ge [sflag:s8], $0x800  }
0xe8: {  	[sflag:s8] =	ssyncset.done $0x0  }
0xe9: {  	s24 =	rddreg [dreg:$0x1c];
	[sflag:s8] =	ssyncadd.s32 $0xFFFFF800  }
0xea: {  	[spmem:s24] =	stream.linear.scatter [tilespmem:s17], [sflag:$0x3], $0x800, $0x38;
	[tilespmem:$0x1F000] =	vst v63  }
0xeb: {  	_ =	swait.ge [sflag:s8], $0x800  }
0xec: {  	[sflag:s8] =	ssyncset.done $0x0  }
0xed: {  	s25 =	rddreg [dreg:$0x1d];
	[sflag:s8] =	ssyncadd.s32 $0xFFFFF800  }
0xee: {  	[spmem:s25] =	stream.linear.scatter [tilespmem:s17], [sflag:$0x3], $0x800, $0x38;
	[tilespmem:$0x1F000] =	vst v63  }
0xef: {  	_ =	swait.ge [sflag:s8], $0x800  }
0xf0: {  	[sflag:s8] =	ssyncset.done $0x0  }
0xf1: {  	s24 =	rddreg [dreg:$0x1e];
	[sflag:s8] =	ssyncadd.s32 $0xFFFFF800  }
0xf2: {  	[spmem:s24] =	stream.linear.scatter [tilespmem:s17], [sflag:$0x3], $0x800, $0x38;
	[tilespmem:$0x1F000] =	vst v63  }
0xf3: {  	_ =	swait.ge [sflag:s8], $0x800  }
0xf4: {  	[sflag:s8] =	ssyncset.done $0x0  }
0xf5: {  	s25 =	rddreg [dreg:$0x1f];
	[sflag:s8] =	ssyncadd.s32 $0xFFFFF800  }
0xf6: {  	[spmem:s25] =	stream.linear.scatter [tilespmem:s17], [sflag:$0x3], $0x800, $0x38;
	[tilespmem:$0x1F000] =	vst v63  }
0xf7: {  	_ =	swait.ge [sflag:s8], $0x800  }
0xf8: {  	s24 =	sld [smem:$0x7EB]  }
0xf9: {  	[sflag:s8] =	ssyncset.done $0x0  }
0xfa: {  	[sflag:s8] =	ssyncadd.s32 $0xFFFFF800  }
0xfb: {  	[spmem:s24] =	stream.linear.scatter [tilespmem:s17], [sflag:$0x3], $0x800, $0x38;
	[tilespmem:$0x1F000] =	vst v63  }
0xfc: {  	_ =	swait.ge [sflag:s8], $0x800  }
0xfd: {  	s25 =	sld [smem:$0x7EC]  }
0xfe: {  	[sflag:s8] =	ssyncset.done $0x0  }
0xff: {  	[sflag:s8] =	ssyncadd.s32 $0xFFFFF800  }
0x100: {  	[spmem:s25] =	stream.linear.scatter [tilespmem:s17], [sflag:$0x3], $0x800, $0x38;
	[tilespmem:$0x1F000] =	vst v63  }
0x101: {  	_ =	swait.ge [sflag:s8], $0x800  }
0x102: {  	s24 =	sld [smem:$0x7ED]  }
0x103: {  	[sflag:s8] =	ssyncset.done $0x0  }
0x104: {  	[sflag:s8] =	ssyncadd.s32 $0xFFFFF800  }
0x105: {  	[spmem:s24] =	stream.linear.scatter [tilespmem:s17], [sflag:$0x3], $0x800, $0x38;
	[tilespmem:$0x1F000] =	vst v63  }
0x106: {  	_ =	swait.ge [sflag:s8], $0x800  }
0x107: {  	s25 =	sld [smem:$0x7EE]  }
0x108: {  	[sflag:s8] =	ssyncset.done $0x0  }
0x109: {  	[sflag:s8] =	ssyncadd.s32 $0xFFFFF800  }
0x10a: {  	[spmem:s25] =	stream.linear.scatter [tilespmem:s17], [sflag:$0x3], $0x800, $0x38;
	[tilespmem:$0x1F000] =	vst v63  }
0x10b: {  	_ =	swait.ge [sflag:s8], $0x800  }
0x10c: {  	s24 =	sld [smem:$0x7EF]  }
0x10d: {  	[sflag:s8] =	ssyncset.done $0x0  }
0x10e: {  	[sflag:s8] =	ssyncadd.s32 $0xFFFFF800  }
0x10f: {  	[spmem:s24] =	stream.linear.scatter [tilespmem:s17], [sflag:$0x3], $0x800, $0x38;
	[tilespmem:$0x1F000] =	vst v63  }
0x110: {  	_ =	swait.ge [sflag:s8], $0x800  }
0x111: {  	s25 =	sld [smem:$0x7F0]  }
0x112: {  	[sflag:s8] =	ssyncset.done $0x0  }
0x113: {  	[sflag:s8] =	ssyncadd.s32 $0xFFFFF800  }
0x114: {  	[spmem:s25] =	stream.linear.scatter [tilespmem:s17], [sflag:$0x3], $0x800, $0x38;
	[tilespmem:$0x1F000] =	vst v63  }
0x115: {  	_ =	swait.ge [sflag:s8], $0x800  }
0x116: {  	s24 =	sld [smem:$0x7F1]  }
0x117: {  	[sflag:s8] =	ssyncset.done $0x0  }
0x118: {  	[sflag:s8] =	ssyncadd.s32 $0xFFFFF800  }
0x119: {  	[spmem:s24] =	stream.linear.scatter [tilespmem:s17], [sflag:$0x3], $0x800, $0x38;
	[tilespmem:$0x1F000] =	vst v63  }
0x11a: {  	_ =	swait.ge [sflag:s8], $0x800  }
0x11b: {  	s25 =	sld [smem:$0x7F2]  }
0x11c: {  	[sflag:s8] =	ssyncset.done $0x0  }
0x11d: {  	[sflag:s8] =	ssyncadd.s32 $0xFFFFF800  }
0x11e: {  	[spmem:s25] =	stream.linear.scatter [tilespmem:s17], [sflag:$0x3], $0x800, $0x38;
	[tilespmem:$0x1F000] =	vst v63  }
0x11f: {  	_ =	swait.ge [sflag:s8], $0x800  }
0x120: {  	s24 =	sld [smem:$0x7F3]  }
0x121: {  	[sflag:s8] =	ssyncset.done $0x0  }
0x122: {  	[sflag:s8] =	ssyncadd.s32 $0xFFFFF800  }
0x123: {  	[spmem:s24] =	stream.linear.scatter [tilespmem:s17], [sflag:$0x3], $0x800, $0x38;
	[tilespmem:$0x1F000] =	vst v63  }
0x124: {  	_ =	swait.ge [sflag:s8], $0x800  }
0x125: {  	s25 =	sld [smem:$0x7F4]  }
0x126: {  	[sflag:s8] =	ssyncset.done $0x0  }
0x127: {  	[sflag:s8] =	ssyncadd.s32 $0xFFFFF800  }
0x128: {  	[spmem:s25] =	stream.linear.scatter [tilespmem:s17], [sflag:$0x3], $0x800, $0x38;
	[tilespmem:$0x1F000] =	vst v63  }
0x129: {  	_ =	swait.ge [sflag:s8], $0x800  }
0x12a: {  	s24 =	sld [smem:$0x7F5]  }
0x12b: {  	[sflag:s8] =	ssyncset.done $0x0  }
0x12c: {  	[sflag:s8] =	ssyncadd.s32 $0xFFFFF800  }
0x12d: {  	[spmem:s24] =	stream.linear.scatter [tilespmem:s17], [sflag:$0x3], $0x800, $0x38;
	[tilespmem:$0x1F000] =	vst v63  }
0x12e: {  	_ =	swait.ge [sflag:s8], $0x800  }
0x12f: {  	s25 =	sld [smem:$0x7F6]  }
0x130: {  	[sflag:s8] =	ssyncset.done $0x0  }
0x131: {  	[sflag:s8] =	ssyncadd.s32 $0xFFFFF800  }
0x132: {  	[spmem:s25] =	stream.linear.scatter [tilespmem:s17], [sflag:$0x3], $0x800, $0x38;
	[tilespmem:$0x1F000] =	vst v63  }
0x133: {  	_ =	swait.ge [sflag:s8], $0x800  }
0x134: {  	s24 =	sld [smem:$0x7F7]  }
0x135: {  	[sflag:s8] =	ssyncset.done $0x0  }
0x136: {  	[sflag:s8] =	ssyncadd.s32 $0xFFFFF800  }
0x137: {  	[spmem:s24] =	stream.linear.scatter [tilespmem:s17], [sflag:$0x3], $0x800, $0x38;
	[tilespmem:$0x1F000] =	vst v63  }
0x138: {  	_ =	swait.ge [sflag:s8], $0x800  }
0x139: {  	s25 =	sld [smem:$0x7F8]  }
0x13a: {  	[sflag:s8] =	ssyncset.done $0x0  }
0x13b: {  	[sflag:s8] =	ssyncadd.s32 $0xFFFFF800  }
0x13c: {  	[spmem:s25] =	stream.linear.scatter [tilespmem:s17], [sflag:$0x3], $0x800, $0x38;
	[tilespmem:$0x1F000] =	vst v63  }
0x13d: {  	_ =	swait.ge [sflag:s8], $0x800  }
0x13e: {  	s24 =	sld [smem:$0x7F9]  }
0x13f: {  	[sflag:s8] =	ssyncset.done $0x0  }
0x140: {  	[sflag:s8] =	ssyncadd.s32 $0xFFFFF800  }
0x141: {  	[spmem:s24] =	stream.linear.scatter [tilespmem:s17], [sflag:$0x3], $0x800, $0x38;
	[tilespmem:$0x1F000] =	vst v63  }
0x142: {  	_ =	swait.ge [sflag:s8], $0x800  }
0x143: {  	s25 =	sld [smem:$0x7FA]  }
0x144: {  	[sflag:s8] =	ssyncset.done $0x0  }
0x145: {  	[sflag:s8] =	ssyncadd.s32 $0xFFFFF800  }
0x146: {  	[spmem:s25] =	stream.linear.scatter [tilespmem:s17], [sflag:$0x3], $0x800, $0x38;
	[tilespmem:$0x1F000] =	vst v63  }
0x147: {  	_ =	swait.ge [sflag:s8], $0x800  }
0x148: {  	s24 =	sld [smem:$0x7FB]  }
0x149: {  	[sflag:s8] =	ssyncset.done $0x0  }
0x14a: {  	[sflag:s8] =	ssyncadd.s32 $0xFFFFF800  }
0x14b: {  	[spmem:s24] =	stream.linear.scatter [tilespmem:s17], [sflag:$0x3], $0x800, $0x38;
	[tilespmem:$0x1F000] =	vst v63  }
0x14c: {  	_ =	swait.ge [sflag:s8], $0x800  }
0x14d: {  	s25 =	sld [smem:$0x7FC]  }
0x14e: {  	[sflag:s8] =	ssyncset.done $0x0  }
0x14f: {  	[sflag:s8] =	ssyncadd.s32 $0xFFFFF800  }
0x150: {  	[spmem:s25] =	stream.linear.scatter [tilespmem:s17], [sflag:$0x3], $0x800, $0x38;
	[tilespmem:$0x1F000] =	vst v63  }
0x151: {  	_ =	swait.ge [sflag:s8], $0x800  }
0x152: {  	s24 =	sld [smem:$0x7FD]  }
0x153: {  	[sflag:s8] =	ssyncset.done $0x0  }
0x154: {  	[sflag:s8] =	ssyncadd.s32 $0xFFFFF800  }
0x155: {  	[spmem:s24] =	stream.linear.scatter [tilespmem:s17], [sflag:$0x3], $0x800, $0x38;
	[tilespmem:$0x1F000] =	vst v63  }
0x156: {  	_ =	swait.ge [sflag:s8], $0x800  }
0x157: {  	[sflag:s8] =	ssyncset.done $0x0  }
0x158: {  	[sflag:s8] =	ssyncadd.s32 $0xFFFFF800  }
0x159: {  	[spmem:s26] =	stream.linear.scatter [tilespmem:s17], [sflag:$0x3], $0x800, $0x38;
	[tilespmem:$0x1F000] =	vst v63  }
0x15a: {  	_ =	swait.ge [sflag:s8], $0x800  }
0x15b: {  	[sflag:s8] =	ssyncset.done $0x0  }
0x15c: {  	[sflag:s8] =	ssyncadd.s32 $0xFFFFF800  }
0x15d: {  	[spmem:s28] =	stream.linear.scatter [tilespmem:s17], [sflag:$0x3], $0x800, $0x38;
	[tilespmem:$0x1F000] =	vst v63  }
0x15e: {  	_ =	swait.ge [sflag:s8], $0x800  }
0x15f: {  	[sflag:s8] =	ssyncset.done $0x0  }
0x160: {  	[sflag:s8] =	ssyncadd.s32 $0xFFFFF800  }
0x161: {  	[spmem:s29] =	stream.linear.scatter [tilespmem:s17], [sflag:$0x3], $0x800, $0x38;
	[tilespmem:$0x1F000] =	vst v63  }
0x162: {  	_ =	swait.ge [sflag:s8], $0x800  }
0x163: {  	[sflag:s8] =	ssyncset.done $0x0  }
0x164: {  	[sflag:s8] =	ssyncadd.s32 $0xFFFFF800  }
0x165: {  	[spmem:s30] =	stream.linear.scatter [tilespmem:s17], [sflag:$0x3], $0x800, $0x38;
	[tilespmem:$0x1F000] =	vst v63  }
0x166: {  	_ =	swait.ge [sflag:s8], $0x800  }
0x167: {  	[sflag:s8] =	ssyncset.done $0x0  }
0x168: {  	[sflag:s8] =	ssyncadd.s32 $0xFFFFF800  }
0x169: {  	[spmem:s31] =	stream.linear.scatter [tilespmem:s17], [sflag:$0x3], $0x800, $0x38;
	[tilespmem:$0x1F000] =	vst v63  }
0x16a: {  	_ =	swait.ge [sflag:s8], $0x800  }
0x16b: {  	[sflag:s8] =	ssyncset.done $0x0  }
0x16c: {  	[sflag:s8] =	ssyncadd.s32 $0xFFFFF800  }
0x16d: {  	[spmem:s0] =	stream.linear.scatter [tilespmem:s17], [sflag:$0x3], $0x800, $0x38;
	[tilespmem:$0x1F000] =	vst v63  }
0x16e: {  	_ =	swait.ge [sflag:s8], $0x800  }
0x16f: {  	[sflag:s8] =	ssyncset.done $0x0  }
0x170: {  	[sflag:s8] =	ssyncadd.s32 $0xFFFFF800  }
0x171: {  	[spmem:s4] =	stream.linear.scatter [tilespmem:s17], [sflag:$0x3], $0x800, $0x38;
	[tilespmem:$0x1F000] =	vst v63  }
0x172: {  	_ =	swait.ge [sflag:s8], $0x800  }
0x173: {  	[sflag:s8] =	ssyncset.done $0x0  }
0x174: {  	[sflag:s8] =	ssyncadd.s32 $0xFFFFF800  }
0x175: {  	[spmem:s5] =	stream.linear.scatter [tilespmem:s17], [sflag:$0x3], $0x800, $0x38;
	[tilespmem:$0x1F000] =	vst v63  }
0x176: {  	_ =	swait.ge [sflag:s8], $0x800  }
0x177: {  	[sflag:s8] =	ssyncset.done $0x0  }
0x178: {  	[sflag:s8] =	ssyncadd.s32 $0xFFFFF800  }
0x179: {  	[spmem:s6] =	stream.linear.scatter [tilespmem:s17], [sflag:$0x3], $0x800, $0x38;
	[tilespmem:$0x1F000] =	vst v63  }
0x17a: {  	_ =	swait.ge [sflag:s8], $0x800  }
0x17b: {  	[sflag:s8] =	ssyncset.done $0x0  }
0x17c: {  	[sflag:s8] =	ssyncadd.s32 $0xFFFFF800  }
0x17d: {  	[bflag:$0x0] =	sbarrier.arrive $0xFFFF  }
0x17e: {  	_ =	swait.ge [sflag:s18], $0x4000  }
0x17f: {  	[sflag:s18] =	ssyncset.done $0x0  }
0x180: {  	s25 =	simm.s32 $0x1400;
	[sflag:s18] =	ssyncadd.s32 $0xFFFFC000  }
0x181: {  	[spmem:s2] =	stream.indirect.scatter.add.f32 [tilespmem:s11], [sflag:$0x3], $0x80, s25, s13, $0xb8;
	[tilespmem:$0x1F000] =	vst v63  }
0x182: {  	_ =	swait.ge [sflag:s8], $0x4000  }
0x183: {  	[sflag:s8] =	ssyncset.done $0x0  }
0x184: {  	s24 =	simm.s32 $0x100;
	[sflag:s8] =	ssyncadd.s32 $0xFFFFC000  }
0x185: {  	[tilespmem:s11], [sflag:$0x1] =	stream.indirect.gather [hbm4b:s1+s10], $0x80, s24, s10, $0xb8;
	[tilespmem:$0x1F000] =	vst v63  }
0x186: {  	s25 =	simm.s32 $0x140  }
0x187: {  	[tilespmem:s12], [sflag:$0x1] =	stream.indirect.gather [hbm4b:s1+s10], $0x80, s25, s10, $0xb8;
	[tilespmem:$0x1F000] =	vst v63  }
0x188: {  	_ =	swait.ge [sflag:s19], $0x4000  }
0x189: {  	[sflag:s19] =	ssyncset.done $0x0  }
0x18a: {  	s24 =	simm.s32 $0x1480;
	[sflag:s19] =	ssyncadd.s32 $0xFFFFC000  }
0x18b: {  	[spmem:s2] =	stream.indirect.scatter.add.f32 [tilespmem:s14], [sflag:$0x3], $0x80, s24, s13, $0xb8;
	[tilespmem:$0x1F000] =	vst v63  }
0x18c: {  	_ =	swait.ge [sflag:s8], $0x4000  }
0x18d: {  	s23 =	simm.s32 $0x400;
	[sflag:s8] =	ssyncset.done $0x0  }
0x18e: {  	s25 =	simm.s32 $0x180;
	s24 =	simm.s32 $0x1C0;
	[sflag:s8] =	ssyncadd.s32 $0xFFFFC000  }
0x18f: {  	[tilespmem:s14], [sflag:$0x2] =	stream.indirect.gather [hbm4b:s1+s10], $0x80, s25, s10, $0xb8;
	[tilespmem:$0x1F000] =	vst v63  }
.LBB2_2:
0x190: {  	[tilespmem:s16], [sflag:$0x2] =	stream.indirect.gather [hbm4b:s1+s10], $0x80, s24, s10, $0xb8;
	[tilespmem:$0x1F000] =	vst v63  }
0x191: {  	s24 =	smov.u32 s23  }
0x192: {  	p1 =	sne.s32 s23, $0x4800;
	s23 =	sadd.s32 $0x400, s23;
	_ =	swait.ge [sflag:s18], $0x4000  }
0x193: {  	s24 =	sshra.s32 s24, $0x2;
	[sflag:s18] =	ssyncset.done $0x0  }
0x194: {  	s25 =	sadd.s32 $0x1400, s24;
	[sflag:s18] =	ssyncadd.s32 $0xFFFFC000  }
0x195: {  	[spmem:s2] =	stream.indirect.scatter.add.f32 [tilespmem:s11], [sflag:$0x3], $0x80, s25, s13, $0xb8;
	[tilespmem:$0x1F000] =	vst v63  }
0x196: {  	_ =	swait.ge [sflag:s8], $0x4000  }
0x197: {  	[sflag:s8] =	ssyncset.done $0x0  }
0x198: {  	s25 =	sadd.s32 $0x100, s24;
	[sflag:s8] =	ssyncadd.s32 $0xFFFFC000  }
0x199: {  	[tilespmem:s11], [sflag:$0x1] =	stream.indirect.gather [hbm4b:s1+s10], $0x80, s25, s10, $0xb8;
	[tilespmem:$0x1F000] =	vst v63  }
0x19a: {  	s25 =	sadd.s32 $0x140, s24  }
0x19b: {  	[tilespmem:s12], [sflag:$0x1] =	stream.indirect.gather [hbm4b:s1+s10], $0x80, s25, s10, $0xb8;
	[tilespmem:$0x1F000] =	vst v63  }
0x19c: {  	_ =	swait.ge [sflag:s19], $0x4000  }
0x19d: {  	[sflag:s19] =	ssyncset.done $0x0  }
0x19e: {  	s25 =	sadd.s32 $0x1480, s24;
	[sflag:s19] =	ssyncadd.s32 $0xFFFFC000  }
0x19f: {  	[spmem:s2] =	stream.indirect.scatter.add.f32 [tilespmem:s14], [sflag:$0x3], $0x80, s25, s13, $0xb8;
	[tilespmem:$0x1F000] =	vst v63  }
.Ltmp0:
0x1a0: {  	_ =	swait.ge [sflag:s8], $0x4000;
	(pc) =	sbr.rel @p1 .LBB2_2-.Ltmp0, $4  }
0x1a1: {  	[sflag:s8] =	ssyncset.done $0x0  }
0x1a2: {  	s25 =	sadd.s32 $0x180, s24;
	[sflag:s8] =	ssyncadd.s32 $0xFFFFC000  }
0x1a3: {  	[tilespmem:s14], [sflag:$0x2] =	stream.indirect.gather [hbm4b:s1+s10], $0x80, s25, s10, $0xb8;
	[tilespmem:$0x1F000] =	vst v63  }
0x1a4: {  	s24 =	sadd.s32 $0x1C0, s24  }
0x1a5: {  	[tilespmem:s16], [sflag:$0x2] =	stream.indirect.gather [hbm4b:s1+s10], $0x80, s24, s10, $0xb8;
	[tilespmem:$0x1F000] =	vst v63  }
0x1a6: {  	_ =	swait.ge [sflag:s18], $0x4000  }
0x1a7: {  	[sflag:s18] =	ssyncset.done $0x0  }
0x1a8: {  	[sflag:s18] =	ssyncadd.s32 $0xFFFFC000  }
0x1a9: {  	[spmem:s2] =	stream.indirect.scatter.add.f32 [tilespmem:s11], [sflag:$0x3], $0x80, s20, s13, $0xb8;
	[tilespmem:$0x1F000] =	vst v63  }
0x1aa: {  	_ =	swait.ge [sflag:s8], $0x4000  }
0x1ab: {  	[sflag:s8] =	ssyncset.done $0x0  }
0x1ac: {  	[sflag:s8] =	ssyncadd.s32 $0xFFFFC000  }
0x1ad: {  	_ =	swait.ge [sflag:s19], $0x4000  }
0x1ae: {  	[sflag:s19] =	ssyncset.done $0x0  }
0x1af: {  	[sflag:s19] =	ssyncadd.s32 $0xFFFFC000  }
0x1b0: {  	[spmem:s2] =	stream.indirect.scatter.add.f32 [tilespmem:s14], [sflag:$0x3], $0x80, s21, s13, $0xb8;
	[tilespmem:$0x1F000] =	vst v63  }
0x1b1: {  	_ =	swait.ge [sflag:s8], $0x4000  }
0x1b2: {  	[sflag:s8] =	ssyncset.done $0x0  }
0x1b3: {  	s23 =	simm.s32 $0x0;
	s25 =	rddreg [dreg:$0x9];
	[sflag:s8] =	ssyncadd.s32 $0xFFFFC000  }
0x1b4: {  	[tilespmem:s23], [sflag:$0x3] =	stream.linear.gather [hbm4b:s25+s23], $0x1400, $0x38;
	[tilespmem:$0x1F000] =	vst v63  }
0x1b5: {  	_ =	swait.ge [sflag:s8], $0x1400  }
0x1b6: {  	[sflag:s8] =	ssyncset.done $0x0  }
0x1b7: {  	s25 =	rddreg [dreg:$0xa];
	[sflag:s8] =	ssyncadd.s32 $0xFFFFEC00  }
0x1b8: {  	[tilespmem:s9], [sflag:$0x3] =	stream.linear.gather [hbm4b:s25+s23], $0x1400, $0x38;
	[tilespmem:$0x1F000] =	vst v63  }
0x1b9: {  	_ =	swait.ge [sflag:s8], $0x1400  }
0x1ba: {  	[sflag:s8] =	ssyncset.done $0x0  }
0x1bb: {  	[sflag:s8] =	ssyncadd.s32 $0xFFFFEC00  }
0x1bc: {  	[tilespmem:s11], [sflag:$0x1] =	stream.indirect.gather [hbm4b:s1+s10], $0x80, s23, s10, $0xb8;
	[tilespmem:$0x1F000] =	vst v63  }
0x1bd: {  	_ = 	snop  }
0x1be: {  	[tilespmem:s12], [sflag:$0x1] =	stream.indirect.gather [hbm4b:s1+s10], $0x80, s10, s10, $0xb8;
	[tilespmem:$0x1F000] =	vst v63  }
0x1bf: {  	_ = 	snop  }
0x1c0: {  	[tilespmem:s14], [sflag:$0x2] =	stream.indirect.gather [hbm4b:s1+s10], $0x80, s13, s10, $0xb8;
	[tilespmem:$0x1F000] =	vst v63  }
0x1c1: {  	_ = 	snop  }
0x1c2: {  	[tilespmem:s16], [sflag:$0x2] =	stream.indirect.gather [hbm4b:s1+s10], $0x80, s15, s10, $0xb8;
	[tilespmem:$0x1F000] =	vst v63  }
0x1c3: {  	_ =	swait.ge [sflag:s18], $0x4000  }
0x1c4: {  	[sflag:s18] =	ssyncset.done $0x0  }
0x1c5: {  	s25 =	simm.s32 $0x1400;
	[sflag:s18] =	ssyncadd.s32 $0xFFFFC000  }
0x1c6: {  	[spmem:s2] =	stream.indirect.scatter.add.f32 [tilespmem:s11], [sflag:$0x3], $0x80, s25, s13, $0xb8;
	[tilespmem:$0x1F000] =	vst v63  }
0x1c7: {  	_ =	swait.ge [sflag:s8], $0x4000  }
0x1c8: {  	[sflag:s8] =	ssyncset.done $0x0  }
0x1c9: {  	s24 =	simm.s32 $0x100;
	[sflag:s8] =	ssyncadd.s32 $0xFFFFC000  }
0x1ca: {  	[tilespmem:s11], [sflag:$0x1] =	stream.indirect.gather [hbm4b:s1+s10], $0x80, s24, s10, $0xb8;
	[tilespmem:$0x1F000] =	vst v63  }
0x1cb: {  	s25 =	simm.s32 $0x140  }
0x1cc: {  	[tilespmem:s12], [sflag:$0x1] =	stream.indirect.gather [hbm4b:s1+s10], $0x80, s25, s10, $0xb8;
	[tilespmem:$0x1F000] =	vst v63  }
0x1cd: {  	_ =	swait.ge [sflag:s19], $0x4000  }
0x1ce: {  	[sflag:s19] =	ssyncset.done $0x0  }
0x1cf: {  	s24 =	simm.s32 $0x1480;
	[sflag:s19] =	ssyncadd.s32 $0xFFFFC000  }
0x1d0: {  	[spmem:s2] =	stream.indirect.scatter.add.f32 [tilespmem:s14], [sflag:$0x3], $0x80, s24, s13, $0xb8;
	[tilespmem:$0x1F000] =	vst v63  }
0x1d1: {  	_ =	swait.ge [sflag:s8], $0x4000  }
0x1d2: {  	s23 =	simm.s32 $0x400;
	[sflag:s8] =	ssyncset.done $0x0  }
0x1d3: {  	s25 =	simm.s32 $0x180;
	s24 =	simm.s32 $0x1C0;
	[sflag:s8] =	ssyncadd.s32 $0xFFFFC000  }
0x1d4: {  	[tilespmem:s14], [sflag:$0x2] =	stream.indirect.gather [hbm4b:s1+s10], $0x80, s25, s10, $0xb8;
	[tilespmem:$0x1F000] =	vst v63  }
.LBB2_4:
0x1d5: {  	[tilespmem:s16], [sflag:$0x2] =	stream.indirect.gather [hbm4b:s1+s10], $0x80, s24, s10, $0xb8;
	[tilespmem:$0x1F000] =	vst v63  }
0x1d6: {  	s24 =	smov.u32 s23  }
0x1d7: {  	p1 =	sne.s32 s23, $0x4800;
	s23 =	sadd.s32 $0x400, s23;
	_ =	swait.ge [sflag:s18], $0x4000  }
0x1d8: {  	s24 =	sshra.s32 s24, $0x2;
	[sflag:s18] =	ssyncset.done $0x0  }
0x1d9: {  	s25 =	sadd.s32 $0x1400, s24;
	[sflag:s18] =	ssyncadd.s32 $0xFFFFC000  }
0x1da: {  	[spmem:s2] =	stream.indirect.scatter.add.f32 [tilespmem:s11], [sflag:$0x3], $0x80, s25, s13, $0xb8;
	[tilespmem:$0x1F000] =	vst v63  }
0x1db: {  	_ =	swait.ge [sflag:s8], $0x4000  }
0x1dc: {  	[sflag:s8] =	ssyncset.done $0x0  }
0x1dd: {  	s25 =	sadd.s32 $0x100, s24;
	[sflag:s8] =	ssyncadd.s32 $0xFFFFC000  }
0x1de: {  	[tilespmem:s11], [sflag:$0x1] =	stream.indirect.gather [hbm4b:s1+s10], $0x80, s25, s10, $0xb8;
	[tilespmem:$0x1F000] =	vst v63  }
0x1df: {  	s25 =	sadd.s32 $0x140, s24  }
0x1e0: {  	[tilespmem:s12], [sflag:$0x1] =	stream.indirect.gather [hbm4b:s1+s10], $0x80, s25, s10, $0xb8;
	[tilespmem:$0x1F000] =	vst v63  }
0x1e1: {  	_ =	swait.ge [sflag:s19], $0x4000  }
0x1e2: {  	[sflag:s19] =	ssyncset.done $0x0  }
0x1e3: {  	s25 =	sadd.s32 $0x1480, s24;
	[sflag:s19] =	ssyncadd.s32 $0xFFFFC000  }
0x1e4: {  	[spmem:s2] =	stream.indirect.scatter.add.f32 [tilespmem:s14], [sflag:$0x3], $0x80, s25, s13, $0xb8;
	[tilespmem:$0x1F000] =	vst v63  }
.Ltmp1:
0x1e5: {  	_ =	swait.ge [sflag:s8], $0x4000;
	(pc) =	sbr.rel @p1 .LBB2_4-.Ltmp1, $4  }
0x1e6: {  	[sflag:s8] =	ssyncset.done $0x0  }
0x1e7: {  	s25 =	sadd.s32 $0x180, s24;
	[sflag:s8] =	ssyncadd.s32 $0xFFFFC000  }
0x1e8: {  	[tilespmem:s14], [sflag:$0x2] =	stream.indirect.gather [hbm4b:s1+s10], $0x80, s25, s10, $0xb8;
	[tilespmem:$0x1F000] =	vst v63  }
0x1e9: {  	s24 =	sadd.s32 $0x1C0, s24  }
0x1ea: {  	[tilespmem:s16], [sflag:$0x2] =	stream.indirect.gather [hbm4b:s1+s10], $0x80, s24, s10, $0xb8;
	[tilespmem:$0x1F000] =	vst v63  }
0x1eb: {  	_ =	swait.ge [sflag:s18], $0x4000  }
0x1ec: {  	[sflag:s18] =	ssyncset.done $0x0  }
0x1ed: {  	[sflag:s18] =	ssyncadd.s32 $0xFFFFC000  }
0x1ee: {  	[spmem:s2] =	stream.indirect.scatter.add.f32 [tilespmem:s11], [sflag:$0x3], $0x80, s20, s13, $0xb8;
	[tilespmem:$0x1F000] =	vst v63  }
0x1ef: {  	_ =	swait.ge [sflag:s8], $0x4000  }
0x1f0: {  	[sflag:s8] =	ssyncset.done $0x0  }
0x1f1: {  	[sflag:s8] =	ssyncadd.s32 $0xFFFFC000  }
0x1f2: {  	_ =	swait.ge [sflag:s19], $0x4000  }
0x1f3: {  	[sflag:s19] =	ssyncset.done $0x0  }
0x1f4: {  	[sflag:s19] =	ssyncadd.s32 $0xFFFFC000  }
0x1f5: {  	[spmem:s2] =	stream.indirect.scatter.add.f32 [tilespmem:s14], [sflag:$0x3], $0x80, s21, s13, $0xb8;
	[tilespmem:$0x1F000] =	vst v63  }
0x1f6: {  	_ =	swait.ge [sflag:s8], $0x4000  }
0x1f7: {  	[sflag:s8] =	ssyncset.done $0x0  }
0x1f8: {  	[sflag:s8] =	ssyncadd.s32 $0xFFFFC000  }
0x1f9: {  	[bflag:$0x0] =	sbarrier.arrive $0xFFFF  }
0x1fa: {  	s23 =	rddreg [dreg:$0xb]  }
0x1fb: {  	[tilespmem:s11], [sflag:$0x1] =	stream.linear.gather [spmem:s23], $0x4000, $0x38;
	[tilespmem:$0x1F000] =	vst v63  }
0x1fc: {  	s24 =	rddreg [dreg:$0xc]  }
0x1fd: {  	[tilespmem:s14], [sflag:$0x2] =	stream.linear.gather [spmem:s24], $0x4000, $0x38;
	[tilespmem:$0x1F000] =	vst v63  }
0x1fe: {  	_ =	swait.ge [sflag:s18], $0x4000  }
0x1ff: {  	[sflag:s18] =	ssyncset.done $0x0  }
0x200: {  	s25 =	rddreg [dreg:$0xd];
	[sflag:s18] =	ssyncadd.s32 $0xFFFFC000  }
0x201: {  	[hbm4b:s25+s3] =	stream.linear.scatter [tilespmem:s11], [sflag:$0x3], $0x4000, $0x38;
	[tilespmem:$0x1F000] =	vst v63  }
0x202: {  	_ =	swait.ge [sflag:s8], $0x4000  }
0x203: {  	[sflag:s8] =	ssyncset.done $0x0  }
0x204: {  	s24 =	rddreg [dreg:$0xe];
	[sflag:s8] =	ssyncadd.s32 $0xFFFFC000  }
0x205: {  	[tilespmem:s11], [sflag:$0x1] =	stream.linear.gather [spmem:s24], $0x4000, $0x38;
	[tilespmem:$0x1F000] =	vst v63  }
0x206: {  	_ =	swait.ge [sflag:s19], $0x4000  }
0x207: {  	[sflag:s19] =	ssyncset.done $0x0  }
0x208: {  	s25 =	rddreg [dreg:$0xf];
	[sflag:s19] =	ssyncadd.s32 $0xFFFFC000  }
0x209: {  	[hbm4b:s25+s3] =	stream.linear.scatter [tilespmem:s14], [sflag:$0x3], $0x4000, $0x38;
	[tilespmem:$0x1F000] =	vst v63  }
0x20a: {  	_ =	swait.ge [sflag:s8], $0x4000  }
0x20b: {  	[sflag:s8] =	ssyncset.done $0x0  }
0x20c: {  	s24 =	rddreg [dreg:$0x10];
	[sflag:s8] =	ssyncadd.s32 $0xFFFFC000  }
0x20d: {  	[tilespmem:s14], [sflag:$0x2] =	stream.linear.gather [spmem:s24], $0x4000, $0x38;
	[tilespmem:$0x1F000] =	vst v63  }
0x20e: {  	_ =	swait.ge [sflag:s18], $0x4000  }
0x20f: {  	[sflag:s18] =	ssyncset.done $0x0  }
0x210: {  	s25 =	rddreg [dreg:$0x11];
	[sflag:s18] =	ssyncadd.s32 $0xFFFFC000  }
0x211: {  	[hbm4b:s25+s3] =	stream.linear.scatter [tilespmem:s11], [sflag:$0x3], $0x4000, $0x38;
	[tilespmem:$0x1F000] =	vst v63  }
0x212: {  	_ =	swait.ge [sflag:s8], $0x4000  }
0x213: {  	[sflag:s8] =	ssyncset.done $0x0  }
0x214: {  	s24 =	rddreg [dreg:$0x12];
	[sflag:s8] =	ssyncadd.s32 $0xFFFFC000  }
0x215: {  	[tilespmem:s11], [sflag:$0x1] =	stream.linear.gather [spmem:s24], $0x3800, $0x38;
	[tilespmem:$0x1F000] =	vst v63  }
0x216: {  	_ =	swait.ge [sflag:s19], $0x4000  }
0x217: {  	[sflag:s19] =	ssyncset.done $0x0  }
0x218: {  	s25 =	rddreg [dreg:$0x13];
	[sflag:s19] =	ssyncadd.s32 $0xFFFFC000  }
0x219: {  	[hbm4b:s25+s3] =	stream.linear.scatter [tilespmem:s14], [sflag:$0x3], $0x4000, $0x38;
	[tilespmem:$0x1F000] =	vst v63  }
0x21a: {  	_ =	swait.ge [sflag:s8], $0x4000  }
0x21b: {  	[sflag:s8] =	ssyncset.done $0x0  }
0x21c: {  	[sflag:s8] =	ssyncadd.s32 $0xFFFFC000  }
0x21d: {  	_ =	swait.ge [sflag:s18], $0x3800  }
0x21e: {  	[sflag:s18] =	ssyncset.done $0x0  }
0x21f: {  	s24 =	rddreg [dreg:$0x14];
	[sflag:s18] =	ssyncadd.s32 $0xFFFFC800  }
0x220: {  	[hbm4b:s24+s3] =	stream.linear.scatter [tilespmem:s11], [sflag:$0x3], $0x3800, $0x38;
	[tilespmem:$0x1F000] =	vst v63  }
0x221: {  	_ =	swait.ge [sflag:s8], $0x3800  }
0x222: {  	[sflag:s8] =	ssyncset.done $0x0;
	s24 =	rddreg [dreg:$0x15]  }
0x223: {  	s23 =	simm.s32 @!p0 $0x1FC3;
	s25 =	rddreg [dreg:$0x17];
	[sflag:s8] =	ssyncadd.s32 $0xFFFFC800  }
0x224: {  	[hbm:s24], [sflag:s23] =	dma.local @!p0 [spmem:s25], $0x100  }
0x225: {  	s23 =	simm.s32 @!p0 $0x3  }
0x226: {  	_ =	swait.ge @!p0 [sflag:s23], $0x100  }
0x227: {  	s22 =	sadd.s32 $0x1, s22;
	s25 =	rddreg [dreg:$0x16]  }
0x228: {  	p1 =	sne.s32 s22, s25  }
.Ltmp2:
0x229: {  	_ = 	snop;
	(pc) =	sbr.rel @p1 .LBB2_1-.Ltmp2, $3  }
0x22a: {  	_ =	sdelay $0x1  }
0x22b: {  	[sflag:s23] =	ssyncset.done @!p0 $0x0  }
0x22c: {  	[sflag:s23] =	ssyncadd.s32 @!p0 $0xFFFFFF00  }
0x22d: {  	_ =	sfence.sel $0x180000  }
0x22e: {  	[bflag:$0x0] =	sbarrier.arrive $0xFFFF  }
0x22f: {  	_ =	strace $0x9000004A  }
0x230: {  	s0 =	stileid.u32;
	[bflag:$0x2] =	sbarrier.arrive $0xFFFF  }
0x231: {  	p0 =	sne.s32 s0, $0x0;
	s0 =	rddreg [dreg:$0x3]  }
0x232: {  	s0 =	sadd.s32 @!p0 $0x100000, s0  }
0x233: {  	[sflag:s0] =	ssyncadd.tile.s32 @!p0 $0x1;
	_ =	shalt  }
.Lfunc_end2:
_tile_overlayer_lowered:
.L_overlay_start_2:
0x234: {  	(tag) =	ssettag $0x2  }
0x235: {  	s0 =	rddreg [dreg:$0x0];
	s2 =	stileid.u32  }
0x236: {  	s1 =	rddreg [dreg:$0x1];
	p0 =	sne.s32 s2, $0x0  }
0x237: {  	s3 =	rddreg [dreg:$0x2];
	[bflag:$0x3] =	sbarrier.arrive $0xFFFF;
	s2 =	simm.s32 @!p0 $0x1C03  }
0x238: {  	[timem:s3], [sflag:s2] =	dma.local @!p0 [hbm:s0], s1  }
0x239: {  	s0 =	simm.s32 @!p0 $0x3  }
0x23a: {  	_ =	swait.ge @!p0 [sflag:s0], s1  }
0x23b: {  	s1 =	ssub.s32 @!p0 $0x0, s1;
	[sflag:s0] =	ssyncset.done @!p0 $0x0  }
0x23c: {  	[sflag:s0] =	ssyncadd.s32 @!p0 s1  }
0x23d: {  	[bflag:$0x3] =	sbarrier.arrive $0xFFFF  }
0x23e: {  	_ =	shalt  }

</sc_bundles>
